<compile_context>
chip_gen: v7x
topology: tpu7x:2x2x1
jax: 0.10.2.dev20260603
libtpu: 0.0.44.dev20260713+nightly
codegen_flags: <defaults>
</compile_context>

<pallas_src>
import jax
import jax.numpy as jnp
from jax import lax
from jax.experimental import pallas as pl
from jax.experimental.pallas import tpu as pltpu
from jax.experimental.pallas import tpu_sc as plsc

NC = 2
NS = 16
NW = NC * NS

EMB = 32
BATCH = 4096
HIST = 200
LANE = 128
NTC = (BATCH // LANE) * HIST
NTC_PER_W = NTC // NW
NB = 2
TC_PER_G = 5
NGROUPS = NTC_PER_W // TC_PER_G
G_ROWS = TC_PER_G * LANE
TILE_ROWS = BATCH // LANE
NJT = EMB // 8
TILE_F = 8 * LANE
T_FLAT = TC_PER_G * NJT * TILE_F
OUT_F = HIST * NJT * TILE_ROWS * TILE_F


def _emb_lookup(idx, weight):
    mesh = plsc.VectorSubcoreMesh(
        core_axis_name="c", subcore_axis_name="s", num_cores=NC, num_subcores=NS
    )

    def body(idx_hbm, table_hbm, out_hbm, idx_v, rows_v, t_v, gsems, osems, isems):
        wid = lax.axis_index("s") * NC + lax.axis_index("c")
        lanes = jax.lax.iota(jnp.int32, 16)
        idx_half = [(jnp.int32(h * 16) + lanes) * LANE for h in (0, 1)]

        @pl.loop(0, NGROUPS, step=NB)
        def _outer(g0):
            for b in range(NB):
                @pl.when(g0 > 0)
                def _wait_prev_store():
                    pltpu.make_async_copy(
                        out_hbm.at[pl.ds(0, T_FLAT)], t_v.at[b], osems[b]
                    ).wait()
                tc0 = wid * NTC_PER_W + (g0 + b) * TC_PER_G
                pltpu.async_copy(
                    idx_hbm.at[pl.ds(tc0, TC_PER_G)], idx_v.at[b], isems[b]
                )
            for b in range(NB):
                pltpu.make_async_copy(
                    idx_hbm.at[pl.ds(0, TC_PER_G)], idx_v.at[b], isems[b]
                ).wait()
                for j in range(TC_PER_G):
                    pltpu.async_copy(
                        table_hbm.at[idx_v.at[b].at[j]],
                        rows_v.at[b].at[pl.ds(j * LANE, LANE)],
                        gsems[b],
                    )
            for b in range(NB):
                pltpu.make_async_copy(
                    table_hbm.at[pl.ds(0, G_ROWS)], rows_v.at[b], gsems[b]
                ).wait()

                @plsc.parallel_loop(0, LANE, unroll=4)
                def _transpose(bc):
                    for tl in range(TC_PER_G):
                        row = tl * LANE + bc
                        tbase = tl * (NJT * TILE_F) + bc
                        for h in range(2):
                            vals = rows_v.at[b].at[row][pl.ds(h * 16, 16)]
                            plsc.store_scatter(
                                t_v.at[b], [idx_half[h] + tbase], vals
                            )

                tc0 = wid * NTC_PER_W + (g0 + b) * TC_PER_G
                for tl in range(TC_PER_G):
                    tc = tc0 + tl
                    hh = tc // TILE_ROWS
                    bt = tc % TILE_ROWS
                    for jt in range(NJT):
                        pltpu.async_copy(
                            t_v.at[b].at[pl.ds((tl * NJT + jt) * TILE_F, TILE_F)],
                            out_hbm.at[
                                pl.ds(((hh * NJT + jt) * TILE_ROWS + bt) * TILE_F,
                                      TILE_F)
                            ],
                            osems[b],
                        )

        for b in range(NB):
            pltpu.make_async_copy(
                out_hbm.at[pl.ds(0, T_FLAT)], t_v.at[b], osems[b]
            ).wait()

    run = pl.kernel(
        body,
        out_type=jax.ShapeDtypeStruct((OUT_F,), jnp.float32),
        mesh=mesh,
        scratch_types=[
            pltpu.VMEM((NB, TC_PER_G, LANE), jnp.int32),
            pltpu.VMEM((NB, G_ROWS, EMB), jnp.float32),
            pltpu.VMEM((NB, T_FLAT), jnp.float32),
            [pltpu.SemaphoreType.DMA] * NB,
            [pltpu.SemaphoreType.DMA] * NB,
            [pltpu.SemaphoreType.DMA] * NB,
        ],
        compiler_params=pltpu.CompilerParams(
            use_tc_tiling_on_sc=False, needs_layout_passes=False
        ),
    )
    return run(idx, weight)


def kernel(x, weight):
    idx = x.T.astype(jnp.int32).reshape(NTC, LANE)
    o = _emb_lookup(idx, weight)
    o5 = o.reshape(HIST, NJT, TILE_ROWS, 8, LANE)
    return o5.transpose(2, 4, 0, 1, 3).reshape(BATCH, HIST, EMB)

# --- scband reference (transcript-rebuilt; emitter-appended) ---
"""Pipeline reference for scband-word-embedder-31782757990569 (READ-ONLY COPY).

The authoritative reference and input builder live on the scoring server;
editing this copy changes nothing except your own understanding.
"""

import jax, jax.numpy as jnp
import numpy as np

VOCAB = 1000000
EMB_DIM = 32
BATCH = 4096
HIST = 200


def setup_inputs(seed: int = 0) -> dict:
    key = jax.random.key(seed)
    k_idx, k_w = jax.random.split(key)
    x = jax.random.randint(k_idx, (BATCH, HIST), 0, VOCAB, dtype=jnp.int64)
    weight = jax.random.normal(k_w, (VOCAB, EMB_DIM), dtype=jnp.float32)
    return {"x": x, "weight": weight}


def reference(x, weight):
    # nn.Embedding forward: row gather from the embedding table
    return jnp.take(weight, x, axis=0)

if __name__ == "__main__":
    import jax
    _d = setup_inputs()
    print(jax.jit(kernel)(*tuple(_d.values())))

</pallas_src>

<mosaic_0001>
#map = affine_map<(d0, d1) -> (0, 0)>
#map1 = affine_map<(d0, d1) -> (0)>
module attributes {stable_mosaic.version = 14 : i64} {
  func.func @body(%arg0: i32, %arg1: i32, %arg2: memref<6400x128xi32, #tpu.memory_space<hbm>>, %arg3: memref<1000000x32xf32, #tpu.memory_space<hbm>>, %arg4: memref<26214400xf32, #tpu.memory_space<hbm>>, %arg5: memref<2x5x128xi32, #tpu.memory_space<vmem>>, %arg6: memref<2x640x32xf32, #tpu.memory_space<vmem>>, %arg7: memref<2x20480xf32, #tpu.memory_space<vmem>>, %arg8: memref<!tpu.dma_semaphore, #tpu.memory_space<semaphore_mem>>, %arg9: memref<!tpu.dma_semaphore, #tpu.memory_space<semaphore_mem>>, %arg10: memref<!tpu.dma_semaphore, #tpu.memory_space<semaphore_mem>>, %arg11: memref<!tpu.dma_semaphore, #tpu.memory_space<semaphore_mem>>, %arg12: memref<!tpu.dma_semaphore, #tpu.memory_space<semaphore_mem>>, %arg13: memref<!tpu.dma_semaphore, #tpu.memory_space<semaphore_mem>>) attributes {dimension_semantics = [#tpu.dimension_semantics<core_parallel>, #tpu.dimension_semantics<subcore_parallel>], iteration_bounds = array<i64: 2, 16>, scalar_prefetch = 0 : i64, scratch_operands = 9 : i64, tpu.core_type = #tpu.core_type<sc_vector_subcore>, window_params = [{transform_indices = #map}, {transform_indices = #map}, {transform_indices = #map1}]} {
    %mul3A = arith.constant 2 : i32
    %mul3A_0 = arith.muli %arg1, %mul3A : i32
    %add3A = arith.addi %mul3A_0, %arg0 : i32
    %iota3A = tpu.iota {dimensions = array<i32: 0>} : vector<16xi32>
    %add3A_1 = arith.constant 0 : i32
    %add3A_2 = vector.broadcast %add3A_1 : i32 to vector<16xi32>
    %add3A_3 = arith.addi %add3A_2, %iota3A : vector<16xi32>
    %mul3A_4 = arith.constant 128 : i32
    %mul3A_5 = vector.broadcast %mul3A_4 : i32 to vector<16xi32>
    %mul3A_6 = arith.muli %add3A_3, %mul3A_5 : vector<16xi32>
    %add3A_7 = arith.constant 16 : i32
    %add3A_8 = vector.broadcast %add3A_7 : i32 to vector<16xi32>
    %add3A_9 = arith.addi %add3A_8, %iota3A : vector<16xi32>
    %mul3A_10 = arith.constant 128 : i32
    %mul3A_11 = vector.broadcast %mul3A_10 : i32 to vector<16xi32>
    %mul3A_12 = arith.muli %add3A_9, %mul3A_11 : vector<16xi32>
    %scan3A = arith.constant 0 : i32
    %scan3A_13 = arith.constant 20 : i32
    %scan3A_14 = arith.addi %scan3A, %scan3A_13 : i32
    %scan3A_15 = arith.constant 1 : i32
    scf.for %scan3A_38 = %scan3A to %scan3A_14 step %scan3A_15  : i32 {
      %mul3A_39 = arith.constant 2 : i32
      %mul3A_40 = arith.muli %scan3A_38, %mul3A_39 : i32
      %add3A_41 = arith.constant 0 : i32
      %add3A_42 = arith.addi %add3A_41, %mul3A_40 : i32
      %gt3A = arith.constant 0 : i32
      %gt3A_43 = arith.cmpi sgt, %add3A_42, %gt3A : i32
      %convert_element_type3A = arith.extui %gt3A_43 : i1 to i32
      %cond3A = arith.constant 0 : i32
      %cond3A_44 = arith.cmpi ne, %convert_element_type3A, %cond3A : i32
      scf.if %cond3A_44 {
        %dma_wait3A_1658 = arith.constant 0 : i32
        %dma_wait3A_1659 = arith.constant 0 : i32
        %dma_wait3A_1660 = tpu.memref_slice %arg7[%dma_wait3A_1658, %dma_wait3A_1659] : memref<2x20480xf32, #tpu.memory_space<vmem>> -> memref<1x20480xf32, #tpu.memory_space<vmem>>
        %dma_wait3A_1661 = tpu.memref_squeeze %dma_wait3A_1660 : memref<1x20480xf32, #tpu.memory_space<vmem>> -> memref<20480xf32, #tpu.memory_space<vmem>>
        %dma_wait3A_1662 = arith.constant 0 : i32
        %dma_wait3A_1663 = tpu.memref_slice %arg4[%dma_wait3A_1662] : memref<26214400xf32, #tpu.memory_space<hbm>> -> memref<20480xf32, #tpu.memory_space<hbm>>
        %dma_wait3A_1664 = arith.constant 0 : i32
        %dma_wait3A_1665 = tpu.memref_slice %arg7[%dma_wait3A_1658, %dma_wait3A_1664] : memref<2x20480xf32, #tpu.memory_space<vmem>> -> memref<1x20480xf32, #tpu.memory_space<vmem>>
        %dma_wait3A_1666 = tpu.memref_squeeze %dma_wait3A_1665 : memref<1x20480xf32, #tpu.memory_space<vmem>> -> memref<20480xf32, #tpu.memory_space<vmem>>
        %dma_wait3A_1667 = arith.constant 0 : i32
        %dma_wait3A_1668 = tpu.memref_slice %arg4[%dma_wait3A_1667] : memref<26214400xf32, #tpu.memory_space<hbm>> -> memref<20480xf32, #tpu.memory_space<hbm>>
        tpu.wait_dma2 semaphore(%arg10 : memref<!tpu.dma_semaphore, #tpu.memory_space<semaphore_mem>>) src(%dma_wait3A_1668 : memref<20480xf32, #tpu.memory_space<hbm>>) dst(%dma_wait3A_1666 : memref<20480xf32, #tpu.memory_space<vmem>>)
      } else {
      }
      %mul3A_45 = arith.constant 200 : i32
      %mul3A_46 = arith.muli %add3A, %mul3A_45 : i32
      %add3A_47 = arith.constant 0 : i32
      %add3A_48 = arith.addi %add3A_42, %add3A_47 : i32
      %mul3A_49 = arith.constant 5 : i32
      %mul3A_50 = arith.muli %add3A_48, %mul3A_49 : i32
      %add3A_51 = arith.addi %mul3A_46, %mul3A_50 : i32
      %dma_start3A = arith.constant 0 : i32
      %dma_start3A_52 = arith.constant 0 : i32
      %dma_start3A_53 = arith.constant 0 : i32
      %dma_start3A_54 = tpu.memref_slice %arg5[%dma_start3A, %dma_start3A_52, %dma_start3A_53] : memref<2x5x128xi32, #tpu.memory_space<vmem>> -> memref<1x5x128xi32, #tpu.memory_space<vmem>>
      %dma_start3A_55 = tpu.memref_squeeze %dma_start3A_54 : memref<1x5x128xi32, #tpu.memory_space<vmem>> -> memref<5x128xi32, #tpu.memory_space<vmem>>
      %dma_start3A_56 = arith.constant 0 : i32
      %dma_start3A_57 = tpu.memref_slice %arg2[%add3A_51, %dma_start3A_56] : memref<6400x128xi32, #tpu.memory_space<hbm>> -> memref<5x128xi32, #tpu.memory_space<hbm>>
      %dma_start3A_58 = arith.constant 0 : i32
      %dma_start3A_59 = arith.constant 0 : i32
      %dma_start3A_60 = tpu.memref_slice %arg5[%dma_start3A, %dma_start3A_58, %dma_start3A_59] : memref<2x5x128xi32, #tpu.memory_space<vmem>> -> memref<1x5x128xi32, #tpu.memory_space<vmem>>
      %dma_start3A_61 = tpu.memref_squeeze %dma_start3A_60 : memref<1x5x128xi32, #tpu.memory_space<vmem>> -> memref<5x128xi32, #tpu.memory_space<vmem>>
      %dma_start3A_62 = arith.constant 0 : i32
      %dma_start3A_63 = tpu.memref_slice %arg2[%add3A_51, %dma_start3A_62] : memref<6400x128xi32, #tpu.memory_space<hbm>> -> memref<5x128xi32, #tpu.memory_space<hbm>>
      tpu.enqueue_dma source(%dma_start3A_63 : memref<5x128xi32, #tpu.memory_space<hbm>>) target(%dma_start3A_61 : memref<5x128xi32, #tpu.memory_space<vmem>>) target_semaphore(%arg12 : memref<!tpu.dma_semaphore, #tpu.memory_space<semaphore_mem>>)
      %gt3A_64 = arith.constant 0 : i32
      %gt3A_65 = arith.cmpi sgt, %add3A_42, %gt3A_64 : i32
      %convert_element_type3A_66 = arith.extui %gt3A_65 : i1 to i32
      %cond3A_67 = arith.constant 0 : i32
      %cond3A_68 = arith.cmpi ne, %convert_element_type3A_66, %cond3A_67 : i32
      scf.if %cond3A_68 {
        %dma_wait3A_1658 = arith.constant 1 : i32
        %dma_wait3A_1659 = arith.constant 0 : i32
        %dma_wait3A_1660 = tpu.memref_slice %arg7[%dma_wait3A_1658, %dma_wait3A_1659] : memref<2x20480xf32, #tpu.memory_space<vmem>> -> memref<1x20480xf32, #tpu.memory_space<vmem>>
        %dma_wait3A_1661 = tpu.memref_squeeze %dma_wait3A_1660 : memref<1x20480xf32, #tpu.memory_space<vmem>> -> memref<20480xf32, #tpu.memory_space<vmem>>
        %dma_wait3A_1662 = arith.constant 0 : i32
        %dma_wait3A_1663 = tpu.memref_slice %arg4[%dma_wait3A_1662] : memref<26214400xf32, #tpu.memory_space<hbm>> -> memref<20480xf32, #tpu.memory_space<hbm>>
        %dma_wait3A_1664 = arith.constant 0 : i32
        %dma_wait3A_1665 = tpu.memref_slice %arg7[%dma_wait3A_1658, %dma_wait3A_1664] : memref<2x20480xf32, #tpu.memory_space<vmem>> -> memref<1x20480xf32, #tpu.memory_space<vmem>>
        %dma_wait3A_1666 = tpu.memref_squeeze %dma_wait3A_1665 : memref<1x20480xf32, #tpu.memory_space<vmem>> -> memref<20480xf32, #tpu.memory_space<vmem>>
        %dma_wait3A_1667 = arith.constant 0 : i32
        %dma_wait3A_1668 = tpu.memref_slice %arg4[%dma_wait3A_1667] : memref<26214400xf32, #tpu.memory_space<hbm>> -> memref<20480xf32, #tpu.memory_space<hbm>>
        tpu.wait_dma2 semaphore(%arg11 : memref<!tpu.dma_semaphore, #tpu.memory_space<semaphore_mem>>) src(%dma_wait3A_1668 : memref<20480xf32, #tpu.memory_space<hbm>>) dst(%dma_wait3A_1666 : memref<20480xf32, #tpu.memory_space<vmem>>)
      } else {
      }
      %mul3A_69 = arith.constant 200 : i32
      %mul3A_70 = arith.muli %add3A, %mul3A_69 : i32
      %add3A_71 = arith.constant 1 : i32
      %add3A_72 = arith.addi %add3A_42, %add3A_71 : i32
      %mul3A_73 = arith.constant 5 : i32
      %mul3A_74 = arith.muli %add3A_72, %mul3A_73 : i32
      %add3A_75 = arith.addi %mul3A_70, %mul3A_74 : i32
      %dma_start3A_76 = arith.constant 1 : i32
      %dma_start3A_77 = arith.constant 0 : i32
      %dma_start3A_78 = arith.constant 0 : i32
      %dma_start3A_79 = tpu.memref_slice %arg5[%dma_start3A_76, %dma_start3A_77, %dma_start3A_78] : memref<2x5x128xi32, #tpu.memory_space<vmem>> -> memref<1x5x128xi32, #tpu.memory_space<vmem>>
      %dma_start3A_80 = tpu.memref_squeeze %dma_start3A_79 : memref<1x5x128xi32, #tpu.memory_space<vmem>> -> memref<5x128xi32, #tpu.memory_space<vmem>>
      %dma_start3A_81 = arith.constant 0 : i32
      %dma_start3A_82 = tpu.memref_slice %arg2[%add3A_75, %dma_start3A_81] : memref<6400x128xi32, #tpu.memory_space<hbm>> -> memref<5x128xi32, #tpu.memory_space<hbm>>
      %dma_start3A_83 = arith.constant 0 : i32
      %dma_start3A_84 = arith.constant 0 : i32
      %dma_start3A_85 = tpu.memref_slice %arg5[%dma_start3A_76, %dma_start3A_83, %dma_start3A_84] : memref<2x5x128xi32, #tpu.memory_space<vmem>> -> memref<1x5x128xi32, #tpu.memory_space<vmem>>
      %dma_start3A_86 = tpu.memref_squeeze %dma_start3A_85 : memref<1x5x128xi32, #tpu.memory_space<vmem>> -> memref<5x128xi32, #tpu.memory_space<vmem>>
      %dma_start3A_87 = arith.constant 0 : i32
      %dma_start3A_88 = tpu.memref_slice %arg2[%add3A_75, %dma_start3A_87] : memref<6400x128xi32, #tpu.memory_space<hbm>> -> memref<5x128xi32, #tpu.memory_space<hbm>>
      tpu.enqueue_dma source(%dma_start3A_88 : memref<5x128xi32, #tpu.memory_space<hbm>>) target(%dma_start3A_86 : memref<5x128xi32, #tpu.memory_space<vmem>>) target_semaphore(%arg13 : memref<!tpu.dma_semaphore, #tpu.memory_space<semaphore_mem>>)
      %dma_wait3A_89 = arith.constant 0 : i32
      %dma_wait3A_90 = arith.constant 0 : i32
      %dma_wait3A_91 = arith.constant 0 : i32
      %dma_wait3A_92 = tpu.memref_slice %arg5[%dma_wait3A_89, %dma_wait3A_90, %dma_wait3A_91] : memref<2x5x128xi32, #tpu.memory_space<vmem>> -> memref<1x5x128xi32, #tpu.memory_space<vmem>>
      %dma_wait3A_93 = tpu.memref_squeeze %dma_wait3A_92 : memref<1x5x128xi32, #tpu.memory_space<vmem>> -> memref<5x128xi32, #tpu.memory_space<vmem>>
      %dma_wait3A_94 = arith.constant 0 : i32
      %dma_wait3A_95 = arith.constant 0 : i32
      %dma_wait3A_96 = tpu.memref_slice %arg2[%dma_wait3A_94, %dma_wait3A_95] : memref<6400x128xi32, #tpu.memory_space<hbm>> -> memref<5x128xi32, #tpu.memory_space<hbm>>
      %dma_wait3A_97 = arith.constant 0 : i32
      %dma_wait3A_98 = arith.constant 0 : i32
      %dma_wait3A_99 = tpu.memref_slice %arg5[%dma_wait3A_89, %dma_wait3A_97, %dma_wait3A_98] : memref<2x5x128xi32, #tpu.memory_space<vmem>> -> memref<1x5x128xi32, #tpu.memory_space<vmem>>
      %dma_wait3A_100 = tpu.memref_squeeze %dma_wait3A_99 : memref<1x5x128xi32, #tpu.memory_space<vmem>> -> memref<5x128xi32, #tpu.memory_space<vmem>>
      %dma_wait3A_101 = arith.constant 0 : i32
      %dma_wait3A_102 = arith.constant 0 : i32
      %dma_wait3A_103 = tpu.memref_slice %arg2[%dma_wait3A_101, %dma_wait3A_102] : memref<6400x128xi32, #tpu.memory_space<hbm>> -> memref<5x128xi32, #tpu.memory_space<hbm>>
      tpu.wait_dma2 semaphore(%arg12 : memref<!tpu.dma_semaphore, #tpu.memory_space<semaphore_mem>>) src(%dma_wait3A_103 : memref<5x128xi32, #tpu.memory_space<hbm>>) dst(%dma_wait3A_100 : memref<5x128xi32, #tpu.memory_space<vmem>>)
      %dma_start3A_104 = arith.constant 0 : i32
      %dma_start3A_105 = arith.constant 0 : i32
      %dma_start3A_106 = arith.constant 0 : i32
      %dma_start3A_107 = arith.constant 0 : i32
      %dma_start3A_108 = arith.constant 0 : i32
      %dma_start3A_109 = tpu.memref_slice %arg6[%dma_start3A_106, %dma_start3A_107, %dma_start3A_108] : memref<2x640x32xf32, #tpu.memory_space<vmem>> -> memref<1x640x32xf32, #tpu.memory_space<vmem>>
      %dma_start3A_110 = tpu.memref_squeeze %dma_start3A_109 : memref<1x640x32xf32, #tpu.memory_space<vmem>> -> memref<640x32xf32, #tpu.memory_space<vmem>>
      %dma_start3A_111 = arith.constant 0 : i32
      %dma_start3A_112 = arith.constant 0 : i32
      %dma_start3A_113 = tpu.memref_slice %dma_start3A_110[%dma_start3A_111, %dma_start3A_112] : memref<640x32xf32, #tpu.memory_space<vmem>> -> memref<128x32xf32, #tpu.memory_space<vmem>>
      %dma_start3A_114 = arith.constant 0 : i32
      %dma_start3A_115 = arith.constant 0 : i32
      %dma_start3A_116 = tpu.memref_slice %arg5[%dma_start3A_104, %dma_start3A_114, %dma_start3A_115] : memref<2x5x128xi32, #tpu.memory_space<vmem>> -> memref<1x5x128xi32, #tpu.memory_space<vmem>>
      %dma_start3A_117 = tpu.memref_squeeze %dma_start3A_116 : memref<1x5x128xi32, #tpu.memory_space<vmem>> -> memref<5x128xi32, #tpu.memory_space<vmem>>
      %dma_start3A_118 = arith.constant 0 : i32
      %dma_start3A_119 = tpu.memref_slice %dma_start3A_117[%dma_start3A_105, %dma_start3A_118] : memref<5x128xi32, #tpu.memory_space<vmem>> -> memref<1x128xi32, #tpu.memory_space<vmem>>
      %dma_start3A_120 = tpu.memref_squeeze %dma_start3A_119 : memref<1x128xi32, #tpu.memory_space<vmem>> -> memref<128xi32, #tpu.memory_space<vmem>>
      %dma_start3A_121 = arith.constant 0 : i32
      %dma_start3A_122 = arith.constant 0 : i32
      %dma_start3A_123 = tpu.memref_slice %arg3[%dma_start3A_121, %dma_start3A_122] : memref<1000000x32xf32, #tpu.memory_space<hbm>> -> memref<1000000x32xf32, #tpu.memory_space<hbm>>
      tpu.enqueue_indirect_dma source(%dma_start3A_123 : memref<1000000x32xf32, #tpu.memory_space<hbm>>) target(%dma_start3A_113 : memref<128x32xf32, #tpu.memory_space<vmem>>) offsets(%dma_start3A_120 : memref<128xi32, #tpu.memory_space<vmem>>) semaphore(%arg8 : memref<!tpu.dma_semaphore, #tpu.memory_space<semaphore_mem>>)
      %dma_start3A_124 = arith.constant 0 : i32
      %dma_start3A_125 = arith.constant 1 : i32
      %dma_start3A_126 = arith.constant 0 : i32
      %dma_start3A_127 = arith.constant 0 : i32
      %dma_start3A_128 = arith.constant 0 : i32
      %dma_start3A_129 = tpu.memref_slice %arg6[%dma_start3A_126, %dma_start3A_127, %dma_start3A_128] : memref<2x640x32xf32, #tpu.memory_space<vmem>> -> memref<1x640x32xf32, #tpu.memory_space<vmem>>
      %dma_start3A_130 = tpu.memref_squeeze %dma_start3A_129 : memref<1x640x32xf32, #tpu.memory_space<vmem>> -> memref<640x32xf32, #tpu.memory_space<vmem>>
      %dma_start3A_131 = arith.constant 128 : i32
      %dma_start3A_132 = arith.constant 0 : i32
      %dma_start3A_133 = tpu.memref_slice %dma_start3A_130[%dma_start3A_131, %dma_start3A_132] : memref<640x32xf32, #tpu.memory_space<vmem>> -> memref<128x32xf32, #tpu.memory_space<vmem>>
      %dma_start3A_134 = arith.constant 0 : i32
      %dma_start3A_135 = arith.constant 0 : i32
      %dma_start3A_136 = tpu.memref_slice %arg5[%dma_start3A_124, %dma_start3A_134, %dma_start3A_135] : memref<2x5x128xi32, #tpu.memory_space<vmem>> -> memref<1x5x128xi32, #tpu.memory_space<vmem>>
      %dma_start3A_137 = tpu.memref_squeeze %dma_start3A_136 : memref<1x5x128xi32, #tpu.memory_space<vmem>> -> memref<5x128xi32, #tpu.memory_space<vmem>>
      %dma_start3A_138 = arith.constant 0 : i32
      %dma_start3A_139 = tpu.memref_slice %dma_start3A_137[%dma_start3A_125, %dma_start3A_138] : memref<5x128xi32, #tpu.memory_space<vmem>> -> memref<1x128xi32, #tpu.memory_space<vmem>>
      %dma_start3A_140 = tpu.memref_squeeze %dma_start3A_139 : memref<1x128xi32, #tpu.memory_space<vmem>> -> memref<128xi32, #tpu.memory_space<vmem>>
      %dma_start3A_141 = arith.constant 0 : i32
      %dma_start3A_142 = arith.constant 0 : i32
      %dma_start3A_143 = tpu.memref_slice %arg3[%dma_start3A_141, %dma_start3A_142] : memref<1000000x32xf32, #tpu.memory_space<hbm>> -> memref<1000000x32xf32, #tpu.memory_space<hbm>>
      tpu.enqueue_indirect_dma source(%dma_start3A_143 : memref<1000000x32xf32, #tpu.memory_space<hbm>>) target(%dma_start3A_133 : memref<128x32xf32, #tpu.memory_space<vmem>>) offsets(%dma_start3A_140 : memref<128xi32, #tpu.memory_space<vmem>>) semaphore(%arg8 : memref<!tpu.dma_semaphore, #tpu.memory_space<semaphore_mem>>)
      %dma_start3A_144 = arith.constant 0 : i32
      %dma_start3A_145 = arith.constant 2 : i32
      %dma_start3A_146 = arith.constant 0 : i32
      %dma_start3A_147 = arith.constant 0 : i32
      %dma_start3A_148 = arith.constant 0 : i32
      %dma_start3A_149 = tpu.memref_slice %arg6[%dma_start3A_146, %dma_start3A_147, %dma_start3A_148] : memref<2x640x32xf32, #tpu.memory_space<vmem>> -> memref<1x640x32xf32, #tpu.memory_space<vmem>>
      %dma_start3A_150 = tpu.memref_squeeze %dma_start3A_149 : memref<1x640x32xf32, #tpu.memory_space<vmem>> -> memref<640x32xf32, #tpu.memory_space<vmem>>
      %dma_start3A_151 = arith.constant 256 : i32
      %dma_start3A_152 = arith.constant 0 : i32
      %dma_start3A_153 = tpu.memref_slice %dma_start3A_150[%dma_start3A_151, %dma_start3A_152] : memref<640x32xf32, #tpu.memory_space<vmem>> -> memref<128x32xf32, #tpu.memory_space<vmem>>
      %dma_start3A_154 = arith.constant 0 : i32
      %dma_start3A_155 = arith.constant 0 : i32
      %dma_start3A_156 = tpu.memref_slice %arg5[%dma_start3A_144, %dma_start3A_154, %dma_start3A_155] : memref<2x5x128xi32, #tpu.memory_space<vmem>> -> memref<1x5x128xi32, #tpu.memory_space<vmem>>
      %dma_start3A_157 = tpu.memref_squeeze %dma_start3A_156 : memref<1x5x128xi32, #tpu.memory_space<vmem>> -> memref<5x128xi32, #tpu.memory_space<vmem>>
      %dma_start3A_158 = arith.constant 0 : i32
      %dma_start3A_159 = tpu.memref_slice %dma_start3A_157[%dma_start3A_145, %dma_start3A_158] : memref<5x128xi32, #tpu.memory_space<vmem>> -> memref<1x128xi32, #tpu.memory_space<vmem>>
      %dma_start3A_160 = tpu.memref_squeeze %dma_start3A_159 : memref<1x128xi32, #tpu.memory_space<vmem>> -> memref<128xi32, #tpu.memory_space<vmem>>
      %dma_start3A_161 = arith.constant 0 : i32
      %dma_start3A_162 = arith.constant 0 : i32
      %dma_start3A_163 = tpu.memref_slice %arg3[%dma_start3A_161, %dma_start3A_162] : memref<1000000x32xf32, #tpu.memory_space<hbm>> -> memref<1000000x32xf32, #tpu.memory_space<hbm>>
      tpu.enqueue_indirect_dma source(%dma_start3A_163 : memref<1000000x32xf32, #tpu.memory_space<hbm>>) target(%dma_start3A_153 : memref<128x32xf32, #tpu.memory_space<vmem>>) offsets(%dma_start3A_160 : memref<128xi32, #tpu.memory_space<vmem>>) semaphore(%arg8 : memref<!tpu.dma_semaphore, #tpu.memory_space<semaphore_mem>>)
      %dma_start3A_164 = arith.constant 0 : i32
      %dma_start3A_165 = arith.constant 3 : i32
      %dma_start3A_166 = arith.constant 0 : i32
      %dma_start3A_167 = arith.constant 0 : i32
      %dma_start3A_168 = arith.constant 0 : i32
      %dma_start3A_169 = tpu.memref_slice %arg6[%dma_start3A_166, %dma_start3A_167, %dma_start3A_168] : memref<2x640x32xf32, #tpu.memory_space<vmem>> -> memref<1x640x32xf32, #tpu.memory_space<vmem>>
      %dma_start3A_170 = tpu.memref_squeeze %dma_start3A_169 : memref<1x640x32xf32, #tpu.memory_space<vmem>> -> memref<640x32xf32, #tpu.memory_space<vmem>>
      %dma_start3A_171 = arith.constant 384 : i32
      %dma_start3A_172 = arith.constant 0 : i32
      %dma_start3A_173 = tpu.memref_slice %dma_start3A_170[%dma_start3A_171, %dma_start3A_172] : memref<640x32xf32, #tpu.memory_space<vmem>> -> memref<128x32xf32, #tpu.memory_space<vmem>>
      %dma_start3A_174 = arith.constant 0 : i32
      %dma_start3A_175 = arith.constant 0 : i32
      %dma_start3A_176 = tpu.memref_slice %arg5[%dma_start3A_164, %dma_start3A_174, %dma_start3A_175] : memref<2x5x128xi32, #tpu.memory_space<vmem>> -> memref<1x5x128xi32, #tpu.memory_space<vmem>>
      %dma_start3A_177 = tpu.memref_squeeze %dma_start3A_176 : memref<1x5x128xi32, #tpu.memory_space<vmem>> -> memref<5x128xi32, #tpu.memory_space<vmem>>
      %dma_start3A_178 = arith.constant 0 : i32
      %dma_start3A_179 = tpu.memref_slice %dma_start3A_177[%dma_start3A_165, %dma_start3A_178] : memref<5x128xi32, #tpu.memory_space<vmem>> -> memref<1x128xi32, #tpu.memory_space<vmem>>
      %dma_start3A_180 = tpu.memref_squeeze %dma_start3A_179 : memref<1x128xi32, #tpu.memory_space<vmem>> -> memref<128xi32, #tpu.memory_space<vmem>>
      %dma_start3A_181 = arith.constant 0 : i32
      %dma_start3A_182 = arith.constant 0 : i32
      %dma_start3A_183 = tpu.memref_slice %arg3[%dma_start3A_181, %dma_start3A_182] : memref<1000000x32xf32, #tpu.memory_space<hbm>> -> memref<1000000x32xf32, #tpu.memory_space<hbm>>
      tpu.enqueue_indirect_dma source(%dma_start3A_183 : memref<1000000x32xf32, #tpu.memory_space<hbm>>) target(%dma_start3A_173 : memref<128x32xf32, #tpu.memory_space<vmem>>) offsets(%dma_start3A_180 : memref<128xi32, #tpu.memory_space<vmem>>) semaphore(%arg8 : memref<!tpu.dma_semaphore, #tpu.memory_space<semaphore_mem>>)
      %dma_start3A_184 = arith.constant 0 : i32
      %dma_start3A_185 = arith.constant 4 : i32
      %dma_start3A_186 = arith.constant 0 : i32
      %dma_start3A_187 = arith.constant 0 : i32
      %dma_start3A_188 = arith.constant 0 : i32
      %dma_start3A_189 = tpu.memref_slice %arg6[%dma_start3A_186, %dma_start3A_187, %dma_start3A_188] : memref<2x640x32xf32, #tpu.memory_space<vmem>> -> memref<1x640x32xf32, #tpu.memory_space<vmem>>
      %dma_start3A_190 = tpu.memref_squeeze %dma_start3A_189 : memref<1x640x32xf32, #tpu.memory_space<vmem>> -> memref<640x32xf32, #tpu.memory_space<vmem>>
      %dma_start3A_191 = arith.constant 512 : i32
      %dma_start3A_192 = arith.constant 0 : i32
      %dma_start3A_193 = tpu.memref_slice %dma_start3A_190[%dma_start3A_191, %dma_start3A_192] : memref<640x32xf32, #tpu.memory_space<vmem>> -> memref<128x32xf32, #tpu.memory_space<vmem>>
      %dma_start3A_194 = arith.constant 0 : i32
      %dma_start3A_195 = arith.constant 0 : i32
      %dma_start3A_196 = tpu.memref_slice %arg5[%dma_start3A_184, %dma_start3A_194, %dma_start3A_195] : memref<2x5x128xi32, #tpu.memory_space<vmem>> -> memref<1x5x128xi32, #tpu.memory_space<vmem>>
      %dma_start3A_197 = tpu.memref_squeeze %dma_start3A_196 : memref<1x5x128xi32, #tpu.memory_space<vmem>> -> memref<5x128xi32, #tpu.memory_space<vmem>>
      %dma_start3A_198 = arith.constant 0 : i32
      %dma_start3A_199 = tpu.memref_slice %dma_start3A_197[%dma_start3A_185, %dma_start3A_198] : memref<5x128xi32, #tpu.memory_space<vmem>> -> memref<1x128xi32, #tpu.memory_space<vmem>>
      %dma_start3A_200 = tpu.memref_squeeze %dma_start3A_199 : memref<1x128xi32, #tpu.memory_space<vmem>> -> memref<128xi32, #tpu.memory_space<vmem>>
      %dma_start3A_201 = arith.constant 0 : i32
      %dma_start3A_202 = arith.constant 0 : i32
      %dma_start3A_203 = tpu.memref_slice %arg3[%dma_start3A_201, %dma_start3A_202] : memref<1000000x32xf32, #tpu.memory_space<hbm>> -> memref<1000000x32xf32, #tpu.memory_space<hbm>>
      tpu.enqueue_indirect_dma source(%dma_start3A_203 : memref<1000000x32xf32, #tpu.memory_space<hbm>>) target(%dma_start3A_193 : memref<128x32xf32, #tpu.memory_space<vmem>>) offsets(%dma_start3A_200 : memref<128xi32, #tpu.memory_space<vmem>>) semaphore(%arg8 : memref<!tpu.dma_semaphore, #tpu.memory_space<semaphore_mem>>)
      %dma_wait3A_204 = arith.constant 1 : i32
      %dma_wait3A_205 = arith.constant 0 : i32
      %dma_wait3A_206 = arith.constant 0 : i32
      %dma_wait3A_207 = tpu.memref_slice %arg5[%dma_wait3A_204, %dma_wait3A_205, %dma_wait3A_206] : memref<2x5x128xi32, #tpu.memory_space<vmem>> -> memref<1x5x128xi32, #tpu.memory_space<vmem>>
      %dma_wait3A_208 = tpu.memref_squeeze %dma_wait3A_207 : memref<1x5x128xi32, #tpu.memory_space<vmem>> -> memref<5x128xi32, #tpu.memory_space<vmem>>
      %dma_wait3A_209 = arith.constant 0 : i32
      %dma_wait3A_210 = arith.constant 0 : i32
      %dma_wait3A_211 = tpu.memref_slice %arg2[%dma_wait3A_209, %dma_wait3A_210] : memref<6400x128xi32, #tpu.memory_space<hbm>> -> memref<5x128xi32, #tpu.memory_space<hbm>>
      %dma_wait3A_212 = arith.constant 0 : i32
      %dma_wait3A_213 = arith.constant 0 : i32
      %dma_wait3A_214 = tpu.memref_slice %arg5[%dma_wait3A_204, %dma_wait3A_212, %dma_wait3A_213] : memref<2x5x128xi32, #tpu.memory_space<vmem>> -> memref<1x5x128xi32, #tpu.memory_space<vmem>>
      %dma_wait3A_215 = tpu.memref_squeeze %dma_wait3A_214 : memref<1x5x128xi32, #tpu.memory_space<vmem>> -> memref<5x128xi32, #tpu.memory_space<vmem>>
      %dma_wait3A_216 = arith.constant 0 : i32
      %dma_wait3A_217 = arith.constant 0 : i32
      %dma_wait3A_218 = tpu.memref_slice %arg2[%dma_wait3A_216, %dma_wait3A_217] : memref<6400x128xi32, #tpu.memory_space<hbm>> -> memref<5x128xi32, #tpu.memory_space<hbm>>
      tpu.wait_dma2 semaphore(%arg13 : memref<!tpu.dma_semaphore, #tpu.memory_space<semaphore_mem>>) src(%dma_wait3A_218 : memref<5x128xi32, #tpu.memory_space<hbm>>) dst(%dma_wait3A_215 : memref<5x128xi32, #tpu.memory_space<vmem>>)
      %dma_start3A_219 = arith.constant 1 : i32
      %dma_start3A_220 = arith.constant 0 : i32
      %dma_start3A_221 = arith.constant 1 : i32
      %dma_start3A_222 = arith.constant 0 : i32
      %dma_start3A_223 = arith.constant 0 : i32
      %dma_start3A_224 = tpu.memref_slice %arg6[%dma_start3A_221, %dma_start3A_222, %dma_start3A_223] : memref<2x640x32xf32, #tpu.memory_space<vmem>> -> memref<1x640x32xf32, #tpu.memory_space<vmem>>
      %dma_start3A_225 = tpu.memref_squeeze %dma_start3A_224 : memref<1x640x32xf32, #tpu.memory_space<vmem>> -> memref<640x32xf32, #tpu.memory_space<vmem>>
      %dma_start3A_226 = arith.constant 0 : i32
      %dma_start3A_227 = arith.constant 0 : i32
      %dma_start3A_228 = tpu.memref_slice %dma_start3A_225[%dma_start3A_226, %dma_start3A_227] : memref<640x32xf32, #tpu.memory_space<vmem>> -> memref<128x32xf32, #tpu.memory_space<vmem>>
      %dma_start3A_229 = arith.constant 0 : i32
      %dma_start3A_230 = arith.constant 0 : i32
      %dma_start3A_231 = tpu.memref_slice %arg5[%dma_start3A_219, %dma_start3A_229, %dma_start3A_230] : memref<2x5x128xi32, #tpu.memory_space<vmem>> -> memref<1x5x128xi32, #tpu.memory_space<vmem>>
      %dma_start3A_232 = tpu.memref_squeeze %dma_start3A_231 : memref<1x5x128xi32, #tpu.memory_space<vmem>> -> memref<5x128xi32, #tpu.memory_space<vmem>>
      %dma_start3A_233 = arith.constant 0 : i32
      %dma_start3A_234 = tpu.memref_slice %dma_start3A_232[%dma_start3A_220, %dma_start3A_233] : memref<5x128xi32, #tpu.memory_space<vmem>> -> memref<1x128xi32, #tpu.memory_space<vmem>>
      %dma_start3A_235 = tpu.memref_squeeze %dma_start3A_234 : memref<1x128xi32, #tpu.memory_space<vmem>> -> memref<128xi32, #tpu.memory_space<vmem>>
      %dma_start3A_236 = arith.constant 0 : i32
      %dma_start3A_237 = arith.constant 0 : i32
      %dma_start3A_238 = tpu.memref_slice %arg3[%dma_start3A_236, %dma_start3A_237] : memref<1000000x32xf32, #tpu.memory_space<hbm>> -> memref<1000000x32xf32, #tpu.memory_space<hbm>>
      tpu.enqueue_indirect_dma source(%dma_start3A_238 : memref<1000000x32xf32, #tpu.memory_space<hbm>>) target(%dma_start3A_228 : memref<128x32xf32, #tpu.memory_space<vmem>>) offsets(%dma_start3A_235 : memref<128xi32, #tpu.memory_space<vmem>>) semaphore(%arg9 : memref<!tpu.dma_semaphore, #tpu.memory_space<semaphore_mem>>)
      %dma_start3A_239 = arith.constant 1 : i32
      %dma_start3A_240 = arith.constant 1 : i32
      %dma_start3A_241 = arith.constant 1 : i32
      %dma_start3A_242 = arith.constant 0 : i32
      %dma_start3A_243 = arith.constant 0 : i32
      %dma_start3A_244 = tpu.memref_slice %arg6[%dma_start3A_241, %dma_start3A_242, %dma_start3A_243] : memref<2x640x32xf32, #tpu.memory_space<vmem>> -> memref<1x640x32xf32, #tpu.memory_space<vmem>>
      %dma_start3A_245 = tpu.memref_squeeze %dma_start3A_244 : memref<1x640x32xf32, #tpu.memory_space<vmem>> -> memref<640x32xf32, #tpu.memory_space<vmem>>
      %dma_start3A_246 = arith.constant 128 : i32
      %dma_start3A_247 = arith.constant 0 : i32
      %dma_start3A_248 = tpu.memref_slice %dma_start3A_245[%dma_start3A_246, %dma_start3A_247] : memref<640x32xf32, #tpu.memory_space<vmem>> -> memref<128x32xf32, #tpu.memory_space<vmem>>
      %dma_start3A_249 = arith.constant 0 : i32
      %dma_start3A_250 = arith.constant 0 : i32
      %dma_start3A_251 = tpu.memref_slice %arg5[%dma_start3A_239, %dma_start3A_249, %dma_start3A_250] : memref<2x5x128xi32, #tpu.memory_space<vmem>> -> memref<1x5x128xi32, #tpu.memory_space<vmem>>
      %dma_start3A_252 = tpu.memref_squeeze %dma_start3A_251 : memref<1x5x128xi32, #tpu.memory_space<vmem>> -> memref<5x128xi32, #tpu.memory_space<vmem>>
      %dma_start3A_253 = arith.constant 0 : i32
      %dma_start3A_254 = tpu.memref_slice %dma_start3A_252[%dma_start3A_240, %dma_start3A_253] : memref<5x128xi32, #tpu.memory_space<vmem>> -> memref<1x128xi32, #tpu.memory_space<vmem>>
      %dma_start3A_255 = tpu.memref_squeeze %dma_start3A_254 : memref<1x128xi32, #tpu.memory_space<vmem>> -> memref<128xi32, #tpu.memory_space<vmem>>
      %dma_start3A_256 = arith.constant 0 : i32
      %dma_start3A_257 = arith.constant 0 : i32
      %dma_start3A_258 = tpu.memref_slice %arg3[%dma_start3A_256, %dma_start3A_257] : memref<1000000x32xf32, #tpu.memory_space<hbm>> -> memref<1000000x32xf32, #tpu.memory_space<hbm>>
      tpu.enqueue_indirect_dma source(%dma_start3A_258 : memref<1000000x32xf32, #tpu.memory_space<hbm>>) target(%dma_start3A_248 : memref<128x32xf32, #tpu.memory_space<vmem>>) offsets(%dma_start3A_255 : memref<128xi32, #tpu.memory_space<vmem>>) semaphore(%arg9 : memref<!tpu.dma_semaphore, #tpu.memory_space<semaphore_mem>>)
      %dma_start3A_259 = arith.constant 1 : i32
      %dma_start3A_260 = arith.constant 2 : i32
      %dma_start3A_261 = arith.constant 1 : i32
      %dma_start3A_262 = arith.constant 0 : i32
      %dma_start3A_263 = arith.constant 0 : i32
      %dma_start3A_264 = tpu.memref_slice %arg6[%dma_start3A_261, %dma_start3A_262, %dma_start3A_263] : memref<2x640x32xf32, #tpu.memory_space<vmem>> -> memref<1x640x32xf32, #tpu.memory_space<vmem>>
      %dma_start3A_265 = tpu.memref_squeeze %dma_start3A_264 : memref<1x640x32xf32, #tpu.memory_space<vmem>> -> memref<640x32xf32, #tpu.memory_space<vmem>>
      %dma_start3A_266 = arith.constant 256 : i32
      %dma_start3A_267 = arith.constant 0 : i32
      %dma_start3A_268 = tpu.memref_slice %dma_start3A_265[%dma_start3A_266, %dma_start3A_267] : memref<640x32xf32, #tpu.memory_space<vmem>> -> memref<128x32xf32, #tpu.memory_space<vmem>>
      %dma_start3A_269 = arith.constant 0 : i32
      %dma_start3A_270 = arith.constant 0 : i32
      %dma_start3A_271 = tpu.memref_slice %arg5[%dma_start3A_259, %dma_start3A_269, %dma_start3A_270] : memref<2x5x128xi32, #tpu.memory_space<vmem>> -> memref<1x5x128xi32, #tpu.memory_space<vmem>>
      %dma_start3A_272 = tpu.memref_squeeze %dma_start3A_271 : memref<1x5x128xi32, #tpu.memory_space<vmem>> -> memref<5x128xi32, #tpu.memory_space<vmem>>
      %dma_start3A_273 = arith.constant 0 : i32
      %dma_start3A_274 = tpu.memref_slice %dma_start3A_272[%dma_start3A_260, %dma_start3A_273] : memref<5x128xi32, #tpu.memory_space<vmem>> -> memref<1x128xi32, #tpu.memory_space<vmem>>
      %dma_start3A_275 = tpu.memref_squeeze %dma_start3A_274 : memref<1x128xi32, #tpu.memory_space<vmem>> -> memref<128xi32, #tpu.memory_space<vmem>>
      %dma_start3A_276 = arith.constant 0 : i32
      %dma_start3A_277 = arith.constant 0 : i32
      %dma_start3A_278 = tpu.memref_slice %arg3[%dma_start3A_276, %dma_start3A_277] : memref<1000000x32xf32, #tpu.memory_space<hbm>> -> memref<1000000x32xf32, #tpu.memory_space<hbm>>
      tpu.enqueue_indirect_dma source(%dma_start3A_278 : memref<1000000x32xf32, #tpu.memory_space<hbm>>) target(%dma_start3A_268 : memref<128x32xf32, #tpu.memory_space<vmem>>) offsets(%dma_start3A_275 : memref<128xi32, #tpu.memory_space<vmem>>) semaphore(%arg9 : memref<!tpu.dma_semaphore, #tpu.memory_space<semaphore_mem>>)
      %dma_start3A_279 = arith.constant 1 : i32
      %dma_start3A_280 = arith.constant 3 : i32
      %dma_start3A_281 = arith.constant 1 : i32
      %dma_start3A_282 = arith.constant 0 : i32
      %dma_start3A_283 = arith.constant 0 : i32
      %dma_start3A_284 = tpu.memref_slice %arg6[%dma_start3A_281, %dma_start3A_282, %dma_start3A_283] : memref<2x640x32xf32, #tpu.memory_space<vmem>> -> memref<1x640x32xf32, #tpu.memory_space<vmem>>
      %dma_start3A_285 = tpu.memref_squeeze %dma_start3A_284 : memref<1x640x32xf32, #tpu.memory_space<vmem>> -> memref<640x32xf32, #tpu.memory_space<vmem>>
      %dma_start3A_286 = arith.constant 384 : i32
      %dma_start3A_287 = arith.constant 0 : i32
      %dma_start3A_288 = tpu.memref_slice %dma_start3A_285[%dma_start3A_286, %dma_start3A_287] : memref<640x32xf32, #tpu.memory_space<vmem>> -> memref<128x32xf32, #tpu.memory_space<vmem>>
      %dma_start3A_289 = arith.constant 0 : i32
      %dma_start3A_290 = arith.constant 0 : i32
      %dma_start3A_291 = tpu.memref_slice %arg5[%dma_start3A_279, %dma_start3A_289, %dma_start3A_290] : memref<2x5x128xi32, #tpu.memory_space<vmem>> -> memref<1x5x128xi32, #tpu.memory_space<vmem>>
      %dma_start3A_292 = tpu.memref_squeeze %dma_start3A_291 : memref<1x5x128xi32, #tpu.memory_space<vmem>> -> memref<5x128xi32, #tpu.memory_space<vmem>>
      %dma_start3A_293 = arith.constant 0 : i32
      %dma_start3A_294 = tpu.memref_slice %dma_start3A_292[%dma_start3A_280, %dma_start3A_293] : memref<5x128xi32, #tpu.memory_space<vmem>> -> memref<1x128xi32, #tpu.memory_space<vmem>>
      %dma_start3A_295 = tpu.memref_squeeze %dma_start3A_294 : memref<1x128xi32, #tpu.memory_space<vmem>> -> memref<128xi32, #tpu.memory_space<vmem>>
      %dma_start3A_296 = arith.constant 0 : i32
      %dma_start3A_297 = arith.constant 0 : i32
      %dma_start3A_298 = tpu.memref_slice %arg3[%dma_start3A_296, %dma_start3A_297] : memref<1000000x32xf32, #tpu.memory_space<hbm>> -> memref<1000000x32xf32, #tpu.memory_space<hbm>>
      tpu.enqueue_indirect_dma source(%dma_start3A_298 : memref<1000000x32xf32, #tpu.memory_space<hbm>>) target(%dma_start3A_288 : memref<128x32xf32, #tpu.memory_space<vmem>>) offsets(%dma_start3A_295 : memref<128xi32, #tpu.memory_space<vmem>>) semaphore(%arg9 : memref<!tpu.dma_semaphore, #tpu.memory_space<semaphore_mem>>)
      %dma_start3A_299 = arith.constant 1 : i32
      %dma_start3A_300 = arith.constant 4 : i32
      %dma_start3A_301 = arith.constant 1 : i32
      %dma_start3A_302 = arith.constant 0 : i32
      %dma_start3A_303 = arith.constant 0 : i32
      %dma_start3A_304 = tpu.memref_slice %arg6[%dma_start3A_301, %dma_start3A_302, %dma_start3A_303] : memref<2x640x32xf32, #tpu.memory_space<vmem>> -> memref<1x640x32xf32, #tpu.memory_space<vmem>>
      %dma_start3A_305 = tpu.memref_squeeze %dma_start3A_304 : memref<1x640x32xf32, #tpu.memory_space<vmem>> -> memref<640x32xf32, #tpu.memory_space<vmem>>
      %dma_start3A_306 = arith.constant 512 : i32
      %dma_start3A_307 = arith.constant 0 : i32
      %dma_start3A_308 = tpu.memref_slice %dma_start3A_305[%dma_start3A_306, %dma_start3A_307] : memref<640x32xf32, #tpu.memory_space<vmem>> -> memref<128x32xf32, #tpu.memory_space<vmem>>
      %dma_start3A_309 = arith.constant 0 : i32
      %dma_start3A_310 = arith.constant 0 : i32
      %dma_start3A_311 = tpu.memref_slice %arg5[%dma_start3A_299, %dma_start3A_309, %dma_start3A_310] : memref<2x5x128xi32, #tpu.memory_space<vmem>> -> memref<1x5x128xi32, #tpu.memory_space<vmem>>
      %dma_start3A_312 = tpu.memref_squeeze %dma_start3A_311 : memref<1x5x128xi32, #tpu.memory_space<vmem>> -> memref<5x128xi32, #tpu.memory_space<vmem>>
      %dma_start3A_313 = arith.constant 0 : i32
      %dma_start3A_314 = tpu.memref_slice %dma_start3A_312[%dma_start3A_300, %dma_start3A_313] : memref<5x128xi32, #tpu.memory_space<vmem>> -> memref<1x128xi32, #tpu.memory_space<vmem>>
      %dma_start3A_315 = tpu.memref_squeeze %dma_start3A_314 : memref<1x128xi32, #tpu.memory_space<vmem>> -> memref<128xi32, #tpu.memory_space<vmem>>
      %dma_start3A_316 = arith.constant 0 : i32
      %dma_start3A_317 = arith.constant 0 : i32
      %dma_start3A_318 = tpu.memref_slice %arg3[%dma_start3A_316, %dma_start3A_317] : memref<1000000x32xf32, #tpu.memory_space<hbm>> -> memref<1000000x32xf32, #tpu.memory_space<hbm>>
      tpu.enqueue_indirect_dma source(%dma_start3A_318 : memref<1000000x32xf32, #tpu.memory_space<hbm>>) target(%dma_start3A_308 : memref<128x32xf32, #tpu.memory_space<vmem>>) offsets(%dma_start3A_315 : memref<128xi32, #tpu.memory_space<vmem>>) semaphore(%arg9 : memref<!tpu.dma_semaphore, #tpu.memory_space<semaphore_mem>>)
      %dma_wait3A_319 = arith.constant 0 : i32
      %dma_wait3A_320 = arith.constant 0 : i32
      %dma_wait3A_321 = arith.constant 0 : i32
      %dma_wait3A_322 = tpu.memref_slice %arg6[%dma_wait3A_319, %dma_wait3A_320, %dma_wait3A_321] : memref<2x640x32xf32, #tpu.memory_space<vmem>> -> memref<1x640x32xf32, #tpu.memory_space<vmem>>
      %dma_wait3A_323 = tpu.memref_squeeze %dma_wait3A_322 : memref<1x640x32xf32, #tpu.memory_space<vmem>> -> memref<640x32xf32, #tpu.memory_space<vmem>>
      %dma_wait3A_324 = arith.constant 0 : i32
      %dma_wait3A_325 = arith.constant 0 : i32
      %dma_wait3A_326 = tpu.memref_slice %arg3[%dma_wait3A_324, %dma_wait3A_325] : memref<1000000x32xf32, #tpu.memory_space<hbm>> -> memref<640x32xf32, #tpu.memory_space<hbm>>
      %dma_wait3A_327 = arith.constant 0 : i32
      %dma_wait3A_328 = arith.constant 0 : i32
      %dma_wait3A_329 = tpu.memref_slice %arg6[%dma_wait3A_319, %dma_wait3A_327, %dma_wait3A_328] : memref<2x640x32xf32, #tpu.memory_space<vmem>> -> memref<1x640x32xf32, #tpu.memory_space<vmem>>
      %dma_wait3A_330 = tpu.memref_squeeze %dma_wait3A_329 : memref<1x640x32xf32, #tpu.memory_space<vmem>> -> memref<640x32xf32, #tpu.memory_space<vmem>>
      %dma_wait3A_331 = arith.constant 0 : i32
      %dma_wait3A_332 = arith.constant 0 : i32
      %dma_wait3A_333 = tpu.memref_slice %arg3[%dma_wait3A_331, %dma_wait3A_332] : memref<1000000x32xf32, #tpu.memory_space<hbm>> -> memref<640x32xf32, #tpu.memory_space<hbm>>
      tpu.wait_dma2 semaphore(%arg8 : memref<!tpu.dma_semaphore, #tpu.memory_space<semaphore_mem>>) src(%dma_wait3A_333 : memref<640x32xf32, #tpu.memory_space<hbm>>) dst(%dma_wait3A_330 : memref<640x32xf32, #tpu.memory_space<vmem>>)
      %parallel_loop3A = arith.constant 0 : i32
      %parallel_loop3A_334 = arith.constant 128 : i32
      %parallel_loop3A_335 = arith.constant 1 : i32
      scf.for %parallel_loop3A_1658 = %parallel_loop3A to %parallel_loop3A_334 step %parallel_loop3A_335  : i32 {
        %parallel_loop3A_1659 = arith.constant 0 : i32
        %parallel_loop3A_1660 = arith.addi %parallel_loop3A_1659, %parallel_loop3A_1658 : i32
        %parallel_loop3A_1661 = arith.constant 0 : i32
        %parallel_loop3A_1662 = arith.addi %parallel_loop3A_1661, %parallel_loop3A_1658 : i32
        %parallel_loop3A_1663 = arith.constant 0 : i32
        %parallel_loop3A_1664 = arith.constant 0 : i32
        %parallel_loop3A_1665 = arith.constant 0 : i32
        %parallel_loop3A_1666 = tpu.memref_slice %arg6[%parallel_loop3A_1663, %parallel_loop3A_1664, %parallel_loop3A_1665] : memref<2x640x32xf32, #tpu.memory_space<vmem>> -> memref<1x640x32xf32, #tpu.memory_space<vmem>>
        %parallel_loop3A_1667 = tpu.memref_squeeze %parallel_loop3A_1666 : memref<1x640x32xf32, #tpu.memory_space<vmem>> -> memref<640x32xf32, #tpu.memory_space<vmem>>
        %parallel_loop3A_1668 = arith.constant 0 : i32
        %parallel_loop3A_1669 = tpu.memref_slice %parallel_loop3A_1667[%parallel_loop3A_1660, %parallel_loop3A_1668] : memref<640x32xf32, #tpu.memory_space<vmem>> -> memref<1x32xf32, #tpu.memory_space<vmem>>
        %parallel_loop3A_1670 = tpu.memref_squeeze %parallel_loop3A_1669 : memref<1x32xf32, #tpu.memory_space<vmem>> -> memref<32xf32, #tpu.memory_space<vmem>>
        %parallel_loop3A_1671 = arith.constant 0 : index
        %parallel_loop3A_1672 = tpu.vector_load %parallel_loop3A_1670[%parallel_loop3A_1671] {strides = array<i32>} : memref<32xf32, #tpu.memory_space<vmem>>, vector<16xf32>,
        %parallel_loop3A_1673 = vector.broadcast %parallel_loop3A_1662 : i32 to vector<16xi32>
        %parallel_loop3A_1674 = arith.addi %mul3A_6, %parallel_loop3A_1673 : vector<16xi32>
        %parallel_loop3A_1675 = arith.constant 0 : i32
        %parallel_loop3A_1676 = arith.constant 0 : i32
        %parallel_loop3A_1677 = tpu.memref_slice %arg7[%parallel_loop3A_1675, %parallel_loop3A_1676] : memref<2x20480xf32, #tpu.memory_space<vmem>> -> memref<1x20480xf32, #tpu.memory_space<vmem>>
        %parallel_loop3A_1678 = tpu.memref_squeeze %parallel_loop3A_1677 : memref<1x20480xf32, #tpu.memory_space<vmem>> -> memref<20480xf32, #tpu.memory_space<vmem>>
        tpu.vector_store_idx %parallel_loop3A_1678[%parallel_loop3A_1674], %parallel_loop3A_1672 : memref<20480xf32, #tpu.memory_space<vmem>>[vector<16xi32>], vector<16xf32>,
        %parallel_loop3A_1679 = arith.constant 0 : i32
        %parallel_loop3A_1680 = arith.constant 0 : i32
        %parallel_loop3A_1681 = arith.constant 0 : i32
        %parallel_loop3A_1682 = tpu.memref_slice %arg6[%parallel_loop3A_1679, %parallel_loop3A_1680, %parallel_loop3A_1681] : memref<2x640x32xf32, #tpu.memory_space<vmem>> -> memref<1x640x32xf32, #tpu.memory_space<vmem>>
        %parallel_loop3A_1683 = tpu.memref_squeeze %parallel_loop3A_1682 : memref<1x640x32xf32, #tpu.memory_space<vmem>> -> memref<640x32xf32, #tpu.memory_space<vmem>>
        %parallel_loop3A_1684 = arith.constant 0 : i32
        %parallel_loop3A_1685 = tpu.memref_slice %parallel_loop3A_1683[%parallel_loop3A_1660, %parallel_loop3A_1684] : memref<640x32xf32, #tpu.memory_space<vmem>> -> memref<1x32xf32, #tpu.memory_space<vmem>>
        %parallel_loop3A_1686 = tpu.memref_squeeze %parallel_loop3A_1685 : memref<1x32xf32, #tpu.memory_space<vmem>> -> memref<32xf32, #tpu.memory_space<vmem>>
        %parallel_loop3A_1687 = arith.constant 16 : index
        %parallel_loop3A_1688 = tpu.vector_load %parallel_loop3A_1686[%parallel_loop3A_1687] {strides = array<i32>} : memref<32xf32, #tpu.memory_space<vmem>>, vector<16xf32>,
        %parallel_loop3A_1689 = vector.broadcast %parallel_loop3A_1662 : i32 to vector<16xi32>
        %parallel_loop3A_1690 = arith.addi %mul3A_12, %parallel_loop3A_1689 : vector<16xi32>
        %parallel_loop3A_1691 = arith.constant 0 : i32
        %parallel_loop3A_1692 = arith.constant 0 : i32
        %parallel_loop3A_1693 = tpu.memref_slice %arg7[%parallel_loop3A_1691, %parallel_loop3A_1692] : memref<2x20480xf32, #tpu.memory_space<vmem>> -> memref<1x20480xf32, #tpu.memory_space<vmem>>
        %parallel_loop3A_1694 = tpu.memref_squeeze %parallel_loop3A_1693 : memref<1x20480xf32, #tpu.memory_space<vmem>> -> memref<20480xf32, #tpu.memory_space<vmem>>
        tpu.vector_store_idx %parallel_loop3A_1694[%parallel_loop3A_1690], %parallel_loop3A_1688 : memref<20480xf32, #tpu.memory_space<vmem>>[vector<16xi32>], vector<16xf32>,
        %parallel_loop3A_1695 = arith.constant 128 : i32
        %parallel_loop3A_1696 = arith.addi %parallel_loop3A_1695, %parallel_loop3A_1658 : i32
        %parallel_loop3A_1697 = arith.constant 4096 : i32
        %parallel_loop3A_1698 = arith.addi %parallel_loop3A_1697, %parallel_loop3A_1658 : i32
        %parallel_loop3A_1699 = arith.constant 0 : i32
        %parallel_loop3A_1700 = arith.constant 0 : i32
        %parallel_loop3A_1701 = arith.constant 0 : i32
        %parallel_loop3A_1702 = tpu.memref_slice %arg6[%parallel_loop3A_1699, %parallel_loop3A_1700, %parallel_loop3A_1701] : memref<2x640x32xf32, #tpu.memory_space<vmem>> -> memref<1x640x32xf32, #tpu.memory_space<vmem>>
        %parallel_loop3A_1703 = tpu.memref_squeeze %parallel_loop3A_1702 : memref<1x640x32xf32, #tpu.memory_space<vmem>> -> memref<640x32xf32, #tpu.memory_space<vmem>>
        %parallel_loop3A_1704 = arith.constant 0 : i32
        %parallel_loop3A_1705 = tpu.memref_slice %parallel_loop3A_1703[%parallel_loop3A_1696, %parallel_loop3A_1704] : memref<640x32xf32, #tpu.memory_space<vmem>> -> memref<1x32xf32, #tpu.memory_space<vmem>>
        %parallel_loop3A_1706 = tpu.memref_squeeze %parallel_loop3A_1705 : memref<1x32xf32, #tpu.memory_space<vmem>> -> memref<32xf32, #tpu.memory_space<vmem>>
        %parallel_loop3A_1707 = arith.constant 0 : index
        %parallel_loop3A_1708 = tpu.vector_load %parallel_loop3A_1706[%parallel_loop3A_1707] {strides = array<i32>} : memref<32xf32, #tpu.memory_space<vmem>>, vector<16xf32>,
        %parallel_loop3A_1709 = vector.broadcast %parallel_loop3A_1698 : i32 to vector<16xi32>
        %parallel_loop3A_1710 = arith.addi %mul3A_6, %parallel_loop3A_1709 : vector<16xi32>
        %parallel_loop3A_1711 = arith.constant 0 : i32
        %parallel_loop3A_1712 = arith.constant 0 : i32
        %parallel_loop3A_1713 = tpu.memref_slice %arg7[%parallel_loop3A_1711, %parallel_loop3A_1712] : memref<2x20480xf32, #tpu.memory_space<vmem>> -> memref<1x20480xf32, #tpu.memory_space<vmem>>
        %parallel_loop3A_1714 = tpu.memref_squeeze %parallel_loop3A_1713 : memref<1x20480xf32, #tpu.memory_space<vmem>> -> memref<20480xf32, #tpu.memory_space<vmem>>
        tpu.vector_store_idx %parallel_loop3A_1714[%parallel_loop3A_1710], %parallel_loop3A_1708 : memref<20480xf32, #tpu.memory_space<vmem>>[vector<16xi32>], vector<16xf32>,
        %parallel_loop3A_1715 = arith.constant 0 : i32
        %parallel_loop3A_1716 = arith.constant 0 : i32
        %parallel_loop3A_1717 = arith.constant 0 : i32
        %parallel_loop3A_1718 = tpu.memref_slice %arg6[%parallel_loop3A_1715, %parallel_loop3A_1716, %parallel_loop3A_1717] : memref<2x640x32xf32, #tpu.memory_space<vmem>> -> memref<1x640x32xf32, #tpu.memory_space<vmem>>
        %parallel_loop3A_1719 = tpu.memref_squeeze %parallel_loop3A_1718 : memref<1x640x32xf32, #tpu.memory_space<vmem>> -> memref<640x32xf32, #tpu.memory_space<vmem>>
        %parallel_loop3A_1720 = arith.constant 0 : i32
        %parallel_loop3A_1721 = tpu.memref_slice %parallel_loop3A_1719[%parallel_loop3A_1696, %parallel_loop3A_1720] : memref<640x32xf32, #tpu.memory_space<vmem>> -> memref<1x32xf32, #tpu.memory_space<vmem>>
        %parallel_loop3A_1722 = tpu.memref_squeeze %parallel_loop3A_1721 : memref<1x32xf32, #tpu.memory_space<vmem>> -> memref<32xf32, #tpu.memory_space<vmem>>
        %parallel_loop3A_1723 = arith.constant 16 : index
        %parallel_loop3A_1724 = tpu.vector_load %parallel_loop3A_1722[%parallel_loop3A_1723] {strides = array<i32>} : memref<32xf32, #tpu.memory_space<vmem>>, vector<16xf32>,
        %parallel_loop3A_1725 = vector.broadcast %parallel_loop3A_1698 : i32 to vector<16xi32>
        %parallel_loop3A_1726 = arith.addi %mul3A_12, %parallel_loop3A_1725 : vector<16xi32>
        %parallel_loop3A_1727 = arith.constant 0 : i32
        %parallel_loop3A_1728 = arith.constant 0 : i32
        %parallel_loop3A_1729 = tpu.memref_slice %arg7[%parallel_loop3A_1727, %parallel_loop3A_1728] : memref<2x20480xf32, #tpu.memory_space<vmem>> -> memref<1x20480xf32, #tpu.memory_space<vmem>>
        %parallel_loop3A_1730 = tpu.memref_squeeze %parallel_loop3A_1729 : memref<1x20480xf32, #tpu.memory_space<vmem>> -> memref<20480xf32, #tpu.memory_space<vmem>>
        tpu.vector_store_idx %parallel_loop3A_1730[%parallel_loop3A_1726], %parallel_loop3A_1724 : memref<20480xf32, #tpu.memory_space<vmem>>[vector<16xi32>], vector<16xf32>,
        %parallel_loop3A_1731 = arith.constant 256 : i32
        %parallel_loop3A_1732 = arith.addi %parallel_loop3A_1731, %parallel_loop3A_1658 : i32
        %parallel_loop3A_1733 = arith.constant 8192 : i32
        %parallel_loop3A_1734 = arith.addi %parallel_loop3A_1733, %parallel_loop3A_1658 : i32
        %parallel_loop3A_1735 = arith.constant 0 : i32
        %parallel_loop3A_1736 = arith.constant 0 : i32
        %parallel_loop3A_1737 = arith.constant 0 : i32
        %parallel_loop3A_1738 = tpu.memref_slice %arg6[%parallel_loop3A_1735, %parallel_loop3A_1736, %parallel_loop3A_1737] : memref<2x640x32xf32, #tpu.memory_space<vmem>> -> memref<1x640x32xf32, #tpu.memory_space<vmem>>
        %parallel_loop3A_1739 = tpu.memref_squeeze %parallel_loop3A_1738 : memref<1x640x32xf32, #tpu.memory_space<vmem>> -> memref<640x32xf32, #tpu.memory_space<vmem>>
        %parallel_loop3A_1740 = arith.constant 0 : i32
        %parallel_loop3A_1741 = tpu.memref_slice %parallel_loop3A_1739[%parallel_loop3A_1732, %parallel_loop3A_1740] : memref<640x32xf32, #tpu.memory_space<vmem>> -> memref<1x32xf32, #tpu.memory_space<vmem>>
        %parallel_loop3A_1742 = tpu.memref_squeeze %parallel_loop3A_1741 : memref<1x32xf32, #tpu.memory_space<vmem>> -> memref<32xf32, #tpu.memory_space<vmem>>
        %parallel_loop3A_1743 = arith.constant 0 : index
        %parallel_loop3A_1744 = tpu.vector_load %parallel_loop3A_1742[%parallel_loop3A_1743] {strides = array<i32>} : memref<32xf32, #tpu.memory_space<vmem>>, vector<16xf32>,
        %parallel_loop3A_1745 = vector.broadcast %parallel_loop3A_1734 : i32 to vector<16xi32>
        %parallel_loop3A_1746 = arith.addi %mul3A_6, %parallel_loop3A_1745 : vector<16xi32>
        %parallel_loop3A_1747 = arith.constant 0 : i32
        %parallel_loop3A_1748 = arith.constant 0 : i32
        %parallel_loop3A_1749 = tpu.memref_slice %arg7[%parallel_loop3A_1747, %parallel_loop3A_1748] : memref<2x20480xf32, #tpu.memory_space<vmem>> -> memref<1x20480xf32, #tpu.memory_space<vmem>>
        %parallel_loop3A_1750 = tpu.memref_squeeze %parallel_loop3A_1749 : memref<1x20480xf32, #tpu.memory_space<vmem>> -> memref<20480xf32, #tpu.memory_space<vmem>>
        tpu.vector_store_idx %parallel_loop3A_1750[%parallel_loop3A_1746], %parallel_loop3A_1744 : memref<20480xf32, #tpu.memory_space<vmem>>[vector<16xi32>], vector<16xf32>,
        %parallel_loop3A_1751 = arith.constant 0 : i32
        %parallel_loop3A_1752 = arith.constant 0 : i32
        %parallel_loop3A_1753 = arith.constant 0 : i32
        %parallel_loop3A_1754 = tpu.memref_slice %arg6[%parallel_loop3A_1751, %parallel_loop3A_1752, %parallel_loop3A_1753] : memref<2x640x32xf32, #tpu.memory_space<vmem>> -> memref<1x640x32xf32, #tpu.memory_space<vmem>>
        %parallel_loop3A_1755 = tpu.memref_squeeze %parallel_loop3A_1754 : memref<1x640x32xf32, #tpu.memory_space<vmem>> -> memref<640x32xf32, #tpu.memory_space<vmem>>
        %parallel_loop3A_1756 = arith.constant 0 : i32
        %parallel_loop3A_1757 = tpu.memref_slice %parallel_loop3A_1755[%parallel_loop3A_1732, %parallel_loop3A_1756] : memref<640x32xf32, #tpu.memory_space<vmem>> -> memref<1x32xf32, #tpu.memory_space<vmem>>
        %parallel_loop3A_1758 = tpu.memref_squeeze %parallel_loop3A_1757 : memref<1x32xf32, #tpu.memory_space<vmem>> -> memref<32xf32, #tpu.memory_space<vmem>>
        %parallel_loop3A_1759 = arith.constant 16 : index
        %parallel_loop3A_1760 = tpu.vector_load %parallel_loop3A_1758[%parallel_loop3A_1759] {strides = array<i32>} : memref<32xf32, #tpu.memory_space<vmem>>, vector<16xf32>,
        %parallel_loop3A_1761 = vector.broadcast %parallel_loop3A_1734 : i32 to vector<16xi32>
        %parallel_loop3A_1762 = arith.addi %mul3A_12, %parallel_loop3A_1761 : vector<16xi32>
        %parallel_loop3A_1763 = arith.constant 0 : i32
        %parallel_loop3A_1764 = arith.constant 0 : i32
        %parallel_loop3A_1765 = tpu.memref_slice %arg7[%parallel_loop3A_1763, %parallel_loop3A_1764] : memref<2x20480xf32, #tpu.memory_space<vmem>> -> memref<1x20480xf32, #tpu.memory_space<vmem>>
        %parallel_loop3A_1766 = tpu.memref_squeeze %parallel_loop3A_1765 : memref<1x20480xf32, #tpu.memory_space<vmem>> -> memref<20480xf32, #tpu.memory_space<vmem>>
        tpu.vector_store_idx %parallel_loop3A_1766[%parallel_loop3A_1762], %parallel_loop3A_1760 : memref<20480xf32, #tpu.memory_space<vmem>>[vector<16xi32>], vector<16xf32>,
        %parallel_loop3A_1767 = arith.constant 384 : i32
        %parallel_loop3A_1768 = arith.addi %parallel_loop3A_1767, %parallel_loop3A_1658 : i32
        %parallel_loop3A_1769 = arith.constant 12288 : i32
        %parallel_loop3A_1770 = arith.addi %parallel_loop3A_1769, %parallel_loop3A_1658 : i32
        %parallel_loop3A_1771 = arith.constant 0 : i32
        %parallel_loop3A_1772 = arith.constant 0 : i32
        %parallel_loop3A_1773 = arith.constant 0 : i32
        %parallel_loop3A_1774 = tpu.memref_slice %arg6[%parallel_loop3A_1771, %parallel_loop3A_1772, %parallel_loop3A_1773] : memref<2x640x32xf32, #tpu.memory_space<vmem>> -> memref<1x640x32xf32, #tpu.memory_space<vmem>>
        %parallel_loop3A_1775 = tpu.memref_squeeze %parallel_loop3A_1774 : memref<1x640x32xf32, #tpu.memory_space<vmem>> -> memref<640x32xf32, #tpu.memory_space<vmem>>
        %parallel_loop3A_1776 = arith.constant 0 : i32
        %parallel_loop3A_1777 = tpu.memref_slice %parallel_loop3A_1775[%parallel_loop3A_1768, %parallel_loop3A_1776] : memref<640x32xf32, #tpu.memory_space<vmem>> -> memref<1x32xf32, #tpu.memory_space<vmem>>
        %parallel_loop3A_1778 = tpu.memref_squeeze %parallel_loop3A_1777 : memref<1x32xf32, #tpu.memory_space<vmem>> -> memref<32xf32, #tpu.memory_space<vmem>>
        %parallel_loop3A_1779 = arith.constant 0 : index
        %parallel_loop3A_1780 = tpu.vector_load %parallel_loop3A_1778[%parallel_loop3A_1779] {strides = array<i32>} : memref<32xf32, #tpu.memory_space<vmem>>, vector<16xf32>,
        %parallel_loop3A_1781 = vector.broadcast %parallel_loop3A_1770 : i32 to vector<16xi32>
        %parallel_loop3A_1782 = arith.addi %mul3A_6, %parallel_loop3A_1781 : vector<16xi32>
        %parallel_loop3A_1783 = arith.constant 0 : i32
        %parallel_loop3A_1784 = arith.constant 0 : i32
        %parallel_loop3A_1785 = tpu.memref_slice %arg7[%parallel_loop3A_1783, %parallel_loop3A_1784] : memref<2x20480xf32, #tpu.memory_space<vmem>> -> memref<1x20480xf32, #tpu.memory_space<vmem>>
        %parallel_loop3A_1786 = tpu.memref_squeeze %parallel_loop3A_1785 : memref<1x20480xf32, #tpu.memory_space<vmem>> -> memref<20480xf32, #tpu.memory_space<vmem>>
        tpu.vector_store_idx %parallel_loop3A_1786[%parallel_loop3A_1782], %parallel_loop3A_1780 : memref<20480xf32, #tpu.memory_space<vmem>>[vector<16xi32>], vector<16xf32>,
        %parallel_loop3A_1787 = arith.constant 0 : i32
        %parallel_loop3A_1788 = arith.constant 0 : i32
        %parallel_loop3A_1789 = arith.constant 0 : i32
        %parallel_loop3A_1790 = tpu.memref_slice %arg6[%parallel_loop3A_1787, %parallel_loop3A_1788, %parallel_loop3A_1789] : memref<2x640x32xf32, #tpu.memory_space<vmem>> -> memref<1x640x32xf32, #tpu.memory_space<vmem>>
        %parallel_loop3A_1791 = tpu.memref_squeeze %parallel_loop3A_1790 : memref<1x640x32xf32, #tpu.memory_space<vmem>> -> memref<640x32xf32, #tpu.memory_space<vmem>>
        %parallel_loop3A_1792 = arith.constant 0 : i32
        %parallel_loop3A_1793 = tpu.memref_slice %parallel_loop3A_1791[%parallel_loop3A_1768, %parallel_loop3A_1792] : memref<640x32xf32, #tpu.memory_space<vmem>> -> memref<1x32xf32, #tpu.memory_space<vmem>>
        %parallel_loop3A_1794 = tpu.memref_squeeze %parallel_loop3A_1793 : memref<1x32xf32, #tpu.memory_space<vmem>> -> memref<32xf32, #tpu.memory_space<vmem>>
        %parallel_loop3A_1795 = arith.constant 16 : index
        %parallel_loop3A_1796 = tpu.vector_load %parallel_loop3A_1794[%parallel_loop3A_1795] {strides = array<i32>} : memref<32xf32, #tpu.memory_space<vmem>>, vector<16xf32>,
        %parallel_loop3A_1797 = vector.broadcast %parallel_loop3A_1770 : i32 to vector<16xi32>
        %parallel_loop3A_1798 = arith.addi %mul3A_12, %parallel_loop3A_1797 : vector<16xi32>
        %parallel_loop3A_1799 = arith.constant 0 : i32
        %parallel_loop3A_1800 = arith.constant 0 : i32
        %parallel_loop3A_1801 = tpu.memref_slice %arg7[%parallel_loop3A_1799, %parallel_loop3A_1800] : memref<2x20480xf32, #tpu.memory_space<vmem>> -> memref<1x20480xf32, #tpu.memory_space<vmem>>
        %parallel_loop3A_1802 = tpu.memref_squeeze %parallel_loop3A_1801 : memref<1x20480xf32, #tpu.memory_space<vmem>> -> memref<20480xf32, #tpu.memory_space<vmem>>
        tpu.vector_store_idx %parallel_loop3A_1802[%parallel_loop3A_1798], %parallel_loop3A_1796 : memref<20480xf32, #tpu.memory_space<vmem>>[vector<16xi32>], vector<16xf32>,
        %parallel_loop3A_1803 = arith.constant 512 : i32
        %parallel_loop3A_1804 = arith.addi %parallel_loop3A_1803, %parallel_loop3A_1658 : i32
        %parallel_loop3A_1805 = arith.constant 16384 : i32
        %parallel_loop3A_1806 = arith.addi %parallel_loop3A_1805, %parallel_loop3A_1658 : i32
        %parallel_loop3A_1807 = arith.constant 0 : i32
        %parallel_loop3A_1808 = arith.constant 0 : i32
        %parallel_loop3A_1809 = arith.constant 0 : i32
        %parallel_loop3A_1810 = tpu.memref_slice %arg6[%parallel_loop3A_1807, %parallel_loop3A_1808, %parallel_loop3A_1809] : memref<2x640x32xf32, #tpu.memory_space<vmem>> -> memref<1x640x32xf32, #tpu.memory_space<vmem>>
        %parallel_loop3A_1811 = tpu.memref_squeeze %parallel_loop3A_1810 : memref<1x640x32xf32, #tpu.memory_space<vmem>> -> memref<640x32xf32, #tpu.memory_space<vmem>>
        %parallel_loop3A_1812 = arith.constant 0 : i32
        %parallel_loop3A_1813 = tpu.memref_slice %parallel_loop3A_1811[%parallel_loop3A_1804, %parallel_loop3A_1812] : memref<640x32xf32, #tpu.memory_space<vmem>> -> memref<1x32xf32, #tpu.memory_space<vmem>>
        %parallel_loop3A_1814 = tpu.memref_squeeze %parallel_loop3A_1813 : memref<1x32xf32, #tpu.memory_space<vmem>> -> memref<32xf32, #tpu.memory_space<vmem>>
        %parallel_loop3A_1815 = arith.constant 0 : index
        %parallel_loop3A_1816 = tpu.vector_load %parallel_loop3A_1814[%parallel_loop3A_1815] {strides = array<i32>} : memref<32xf32, #tpu.memory_space<vmem>>, vector<16xf32>,
        %parallel_loop3A_1817 = vector.broadcast %parallel_loop3A_1806 : i32 to vector<16xi32>
        %parallel_loop3A_1818 = arith.addi %mul3A_6, %parallel_loop3A_1817 : vector<16xi32>
        %parallel_loop3A_1819 = arith.constant 0 : i32
        %parallel_loop3A_1820 = arith.constant 0 : i32
        %parallel_loop3A_1821 = tpu.memref_slice %arg7[%parallel_loop3A_1819, %parallel_loop3A_1820] : memref<2x20480xf32, #tpu.memory_space<vmem>> -> memref<1x20480xf32, #tpu.memory_space<vmem>>
        %parallel_loop3A_1822 = tpu.memref_squeeze %parallel_loop3A_1821 : memref<1x20480xf32, #tpu.memory_space<vmem>> -> memref<20480xf32, #tpu.memory_space<vmem>>
        tpu.vector_store_idx %parallel_loop3A_1822[%parallel_loop3A_1818], %parallel_loop3A_1816 : memref<20480xf32, #tpu.memory_space<vmem>>[vector<16xi32>], vector<16xf32>,
        %parallel_loop3A_1823 = arith.constant 0 : i32
        %parallel_loop3A_1824 = arith.constant 0 : i32
        %parallel_loop3A_1825 = arith.constant 0 : i32
        %parallel_loop3A_1826 = tpu.memref_slice %arg6[%parallel_loop3A_1823, %parallel_loop3A_1824, %parallel_loop3A_1825] : memref<2x640x32xf32, #tpu.memory_space<vmem>> -> memref<1x640x32xf32, #tpu.memory_space<vmem>>
        %parallel_loop3A_1827 = tpu.memref_squeeze %parallel_loop3A_1826 : memref<1x640x32xf32, #tpu.memory_space<vmem>> -> memref<640x32xf32, #tpu.memory_space<vmem>>
        %parallel_loop3A_1828 = arith.constant 0 : i32
        %parallel_loop3A_1829 = tpu.memref_slice %parallel_loop3A_1827[%parallel_loop3A_1804, %parallel_loop3A_1828] : memref<640x32xf32, #tpu.memory_space<vmem>> -> memref<1x32xf32, #tpu.memory_space<vmem>>
        %parallel_loop3A_1830 = tpu.memref_squeeze %parallel_loop3A_1829 : memref<1x32xf32, #tpu.memory_space<vmem>> -> memref<32xf32, #tpu.memory_space<vmem>>
        %parallel_loop3A_1831 = arith.constant 16 : index
        %parallel_loop3A_1832 = tpu.vector_load %parallel_loop3A_1830[%parallel_loop3A_1831] {strides = array<i32>} : memref<32xf32, #tpu.memory_space<vmem>>, vector<16xf32>,
        %parallel_loop3A_1833 = vector.broadcast %parallel_loop3A_1806 : i32 to vector<16xi32>
        %parallel_loop3A_1834 = arith.addi %mul3A_12, %parallel_loop3A_1833 : vector<16xi32>
        %parallel_loop3A_1835 = arith.constant 0 : i32
        %parallel_loop3A_1836 = arith.constant 0 : i32
        %parallel_loop3A_1837 = tpu.memref_slice %arg7[%parallel_loop3A_1835, %parallel_loop3A_1836] : memref<2x20480xf32, #tpu.memory_space<vmem>> -> memref<1x20480xf32, #tpu.memory_space<vmem>>
        %parallel_loop3A_1838 = tpu.memref_squeeze %parallel_loop3A_1837 : memref<1x20480xf32, #tpu.memory_space<vmem>> -> memref<20480xf32, #tpu.memory_space<vmem>>
        tpu.vector_store_idx %parallel_loop3A_1838[%parallel_loop3A_1834], %parallel_loop3A_1832 : memref<20480xf32, #tpu.memory_space<vmem>>[vector<16xi32>], vector<16xf32>,
      } {sc.loop_unroll_factor = 4 : i64, sc.parallel_access}
      %mul3A_336 = arith.constant 200 : i32
      %mul3A_337 = arith.muli %add3A, %mul3A_336 : i32
      %add3A_338 = arith.constant 0 : i32
      %add3A_339 = arith.addi %add3A_42, %add3A_338 : i32
      %mul3A_340 = arith.constant 5 : i32
      %mul3A_341 = arith.muli %add3A_339, %mul3A_340 : i32
      %add3A_342 = arith.addi %mul3A_337, %mul3A_341 : i32
      %add3A_343 = arith.constant 0 : i32
      %add3A_344 = arith.addi %add3A_342, %add3A_343 : i32
      %jit3A = arith.constant 32 : i32
      %div3A = arith.divsi %add3A_344, %jit3A : i32
      %sign3A = arith.constant 0 : i32
      %sign3A_345 = arith.cmpi sgt, %add3A_344, %sign3A : i32
      %sign3A_346 = arith.extui %sign3A_345 : i1 to i32
      %sign3A_347 = arith.constant 0 : i32
      %sign3A_348 = arith.cmpi slt, %add3A_344, %sign3A_347 : i32
      %sign3A_349 = arith.extui %sign3A_348 : i1 to i32
      %sign3A_350 = arith.subi %sign3A_346, %sign3A_349 : i32
      %sign3A_351 = arith.constant 0 : i32
      %sign3A_352 = arith.cmpi sgt, %jit3A, %sign3A_351 : i32
      %sign3A_353 = arith.extui %sign3A_352 : i1 to i32
      %sign3A_354 = arith.constant 0 : i32
      %sign3A_355 = arith.cmpi slt, %jit3A, %sign3A_354 : i32
      %sign3A_356 = arith.extui %sign3A_355 : i1 to i32
      %sign3A_357 = arith.subi %sign3A_353, %sign3A_356 : i32
      %ne3A = arith.cmpi ne, %sign3A_350, %sign3A_357 : i32
      %rem3A = arith.remsi %add3A_344, %jit3A : i32
      %ne3A_358 = arith.constant 0 : i32
      %ne3A_359 = arith.cmpi ne, %rem3A, %ne3A_358 : i32
      %and3A = arith.andi %ne3A, %ne3A_359 : i1
      %sub3A = arith.constant 1 : i32
      %sub3A_360 = arith.subi %div3A, %sub3A : i32
      %select_n3A = arith.select %and3A, %sub3A_360, %div3A : i32
      %jit3A_361 = arith.constant 32 : i32
      %eq3A = arith.constant 0 : i32
      %eq3A_362 = arith.cmpi eq, %jit3A_361, %eq3A : i32
      %jit3A_363 = arith.constant 1 : i32
      %select_n3A_364 = arith.select %eq3A_362, %jit3A_363, %jit3A_361 : i32
      %rem3A_365 = arith.remsi %add3A_344, %select_n3A_364 : i32
      %ne3A_366 = arith.constant 0 : i32
      %ne3A_367 = arith.cmpi ne, %rem3A_365, %ne3A_366 : i32
      %lt3A = arith.constant 0 : i32
      %lt3A_368 = arith.cmpi slt, %rem3A_365, %lt3A : i32
      %lt3A_369 = arith.constant 0 : i32
      %lt3A_370 = arith.cmpi slt, %select_n3A_364, %lt3A_369 : i32
      %ne3A_371 = arith.xori %lt3A_368, %lt3A_370 : i1
      %and3A_372 = arith.andi %ne3A_371, %ne3A_367 : i1
      %add3A_373 = arith.addi %rem3A_365, %select_n3A_364 : i32
      %select_n3A_374 = arith.select %and3A_372, %add3A_373, %rem3A_365 : i32
      %mul3A_375 = arith.constant 4 : i32
      %mul3A_376 = arith.muli %select_n3A, %mul3A_375 : i32
      %add3A_377 = arith.constant 0 : i32
      %add3A_378 = arith.addi %mul3A_376, %add3A_377 : i32
      %mul3A_379 = arith.constant 32 : i32
      %mul3A_380 = arith.muli %add3A_378, %mul3A_379 : i32
      %add3A_381 = arith.addi %mul3A_380, %select_n3A_374 : i32
      %mul3A_382 = arith.constant 1024 : i32
      %mul3A_383 = arith.muli %add3A_381, %mul3A_382 : i32
      %dma_start3A_384 = arith.constant 0 : i32
      %dma_start3A_385 = arith.constant 0 : i32
      %dma_start3A_386 = tpu.memref_slice %arg7[%dma_start3A_384, %dma_start3A_385] : memref<2x20480xf32, #tpu.memory_space<vmem>> -> memref<1x20480xf32, #tpu.memory_space<vmem>>
      %dma_start3A_387 = tpu.memref_squeeze %dma_start3A_386 : memref<1x20480xf32, #tpu.memory_space<vmem>> -> memref<20480xf32, #tpu.memory_space<vmem>>
      %dma_start3A_388 = arith.constant 0 : i32
      %dma_start3A_389 = tpu.memref_slice %dma_start3A_387[%dma_start3A_388] : memref<20480xf32, #tpu.memory_space<vmem>> -> memref<1024xf32, #tpu.memory_space<vmem>>
      %dma_start3A_390 = tpu.memref_slice %arg4[%mul3A_383] : memref<26214400xf32, #tpu.memory_space<hbm>> -> memref<1024xf32, #tpu.memory_space<hbm>>
      %dma_start3A_391 = tpu.memref_slice %arg4[%mul3A_383] : memref<26214400xf32, #tpu.memory_space<hbm>> -> memref<1024xf32, #tpu.memory_space<hbm>>
      %dma_start3A_392 = arith.constant 0 : i32
      %dma_start3A_393 = tpu.memref_slice %arg7[%dma_start3A_384, %dma_start3A_392] : memref<2x20480xf32, #tpu.memory_space<vmem>> -> memref<1x20480xf32, #tpu.memory_space<vmem>>
      %dma_start3A_394 = tpu.memref_squeeze %dma_start3A_393 : memref<1x20480xf32, #tpu.memory_space<vmem>> -> memref<20480xf32, #tpu.memory_space<vmem>>
      %dma_start3A_395 = arith.constant 0 : i32
      %dma_start3A_396 = tpu.memref_slice %dma_start3A_394[%dma_start3A_395] : memref<20480xf32, #tpu.memory_space<vmem>> -> memref<1024xf32, #tpu.memory_space<vmem>>
      tpu.enqueue_dma source(%dma_start3A_396 : memref<1024xf32, #tpu.memory_space<vmem>>) target(%dma_start3A_391 : memref<1024xf32, #tpu.memory_space<hbm>>) target_semaphore(%arg10 : memref<!tpu.dma_semaphore, #tpu.memory_space<semaphore_mem>>)
      %mul3A_397 = arith.constant 4 : i32
      %mul3A_398 = arith.muli %select_n3A, %mul3A_397 : i32
      %add3A_399 = arith.constant 1 : i32
      %add3A_400 = arith.addi %mul3A_398, %add3A_399 : i32
      %mul3A_401 = arith.constant 32 : i32
      %mul3A_402 = arith.muli %add3A_400, %mul3A_401 : i32
      %add3A_403 = arith.addi %mul3A_402, %select_n3A_374 : i32
      %mul3A_404 = arith.constant 1024 : i32
      %mul3A_405 = arith.muli %add3A_403, %mul3A_404 : i32
      %dma_start3A_406 = arith.constant 0 : i32
      %dma_start3A_407 = arith.constant 0 : i32
      %dma_start3A_408 = tpu.memref_slice %arg7[%dma_start3A_406, %dma_start3A_407] : memref<2x20480xf32, #tpu.memory_space<vmem>> -> memref<1x20480xf32, #tpu.memory_space<vmem>>
      %dma_start3A_409 = tpu.memref_squeeze %dma_start3A_408 : memref<1x20480xf32, #tpu.memory_space<vmem>> -> memref<20480xf32, #tpu.memory_space<vmem>>
      %dma_start3A_410 = arith.constant 1024 : i32
      %dma_start3A_411 = tpu.memref_slice %dma_start3A_409[%dma_start3A_410] : memref<20480xf32, #tpu.memory_space<vmem>> -> memref<1024xf32, #tpu.memory_space<vmem>>
      %dma_start3A_412 = tpu.memref_slice %arg4[%mul3A_405] : memref<26214400xf32, #tpu.memory_space<hbm>> -> memref<1024xf32, #tpu.memory_space<hbm>>
      %dma_start3A_413 = tpu.memref_slice %arg4[%mul3A_405] : memref<26214400xf32, #tpu.memory_space<hbm>> -> memref<1024xf32, #tpu.memory_space<hbm>>
      %dma_start3A_414 = arith.constant 0 : i32
      %dma_start3A_415 = tpu.memref_slice %arg7[%dma_start3A_406, %dma_start3A_414] : memref<2x20480xf32, #tpu.memory_space<vmem>> -> memref<1x20480xf32, #tpu.memory_space<vmem>>
      %dma_start3A_416 = tpu.memref_squeeze %dma_start3A_415 : memref<1x20480xf32, #tpu.memory_space<vmem>> -> memref<20480xf32, #tpu.memory_space<vmem>>
      %dma_start3A_417 = arith.constant 1024 : i32
      %dma_start3A_418 = tpu.memref_slice %dma_start3A_416[%dma_start3A_417] : memref<20480xf32, #tpu.memory_space<vmem>> -> memref<1024xf32, #tpu.memory_space<vmem>>
      tpu.enqueue_dma source(%dma_start3A_418 : memref<1024xf32, #tpu.memory_space<vmem>>) target(%dma_start3A_413 : memref<1024xf32, #tpu.memory_space<hbm>>) target_semaphore(%arg10 : memref<!tpu.dma_semaphore, #tpu.memory_space<semaphore_mem>>)
      %mul3A_419 = arith.constant 4 : i32
      %mul3A_420 = arith.muli %select_n3A, %mul3A_419 : i32
      %add3A_421 = arith.constant 2 : i32
      %add3A_422 = arith.addi %mul3A_420, %add3A_421 : i32
      %mul3A_423 = arith.constant 32 : i32
      %mul3A_424 = arith.muli %add3A_422, %mul3A_423 : i32
      %add3A_425 = arith.addi %mul3A_424, %select_n3A_374 : i32
      %mul3A_426 = arith.constant 1024 : i32
      %mul3A_427 = arith.muli %add3A_425, %mul3A_426 : i32
      %dma_start3A_428 = arith.constant 0 : i32
      %dma_start3A_429 = arith.constant 0 : i32
      %dma_start3A_430 = tpu.memref_slice %arg7[%dma_start3A_428, %dma_start3A_429] : memref<2x20480xf32, #tpu.memory_space<vmem>> -> memref<1x20480xf32, #tpu.memory_space<vmem>>
      %dma_start3A_431 = tpu.memref_squeeze %dma_start3A_430 : memref<1x20480xf32, #tpu.memory_space<vmem>> -> memref<20480xf32, #tpu.memory_space<vmem>>
      %dma_start3A_432 = arith.constant 2048 : i32
      %dma_start3A_433 = tpu.memref_slice %dma_start3A_431[%dma_start3A_432] : memref<20480xf32, #tpu.memory_space<vmem>> -> memref<1024xf32, #tpu.memory_space<vmem>>
      %dma_start3A_434 = tpu.memref_slice %arg4[%mul3A_427] : memref<26214400xf32, #tpu.memory_space<hbm>> -> memref<1024xf32, #tpu.memory_space<hbm>>
      %dma_start3A_435 = tpu.memref_slice %arg4[%mul3A_427] : memref<26214400xf32, #tpu.memory_space<hbm>> -> memref<1024xf32, #tpu.memory_space<hbm>>
      %dma_start3A_436 = arith.constant 0 : i32
      %dma_start3A_437 = tpu.memref_slice %arg7[%dma_start3A_428, %dma_start3A_436] : memref<2x20480xf32, #tpu.memory_space<vmem>> -> memref<1x20480xf32, #tpu.memory_space<vmem>>
      %dma_start3A_438 = tpu.memref_squeeze %dma_start3A_437 : memref<1x20480xf32, #tpu.memory_space<vmem>> -> memref<20480xf32, #tpu.memory_space<vmem>>
      %dma_start3A_439 = arith.constant 2048 : i32
      %dma_start3A_440 = tpu.memref_slice %dma_start3A_438[%dma_start3A_439] : memref<20480xf32, #tpu.memory_space<vmem>> -> memref<1024xf32, #tpu.memory_space<vmem>>
      tpu.enqueue_dma source(%dma_start3A_440 : memref<1024xf32, #tpu.memory_space<vmem>>) target(%dma_start3A_435 : memref<1024xf32, #tpu.memory_space<hbm>>) target_semaphore(%arg10 : memref<!tpu.dma_semaphore, #tpu.memory_space<semaphore_mem>>)
      %mul3A_441 = arith.constant 4 : i32
      %mul3A_442 = arith.muli %select_n3A, %mul3A_441 : i32
      %add3A_443 = arith.constant 3 : i32
      %add3A_444 = arith.addi %mul3A_442, %add3A_443 : i32
      %mul3A_445 = arith.constant 32 : i32
      %mul3A_446 = arith.muli %add3A_444, %mul3A_445 : i32
      %add3A_447 = arith.addi %mul3A_446, %select_n3A_374 : i32
      %mul3A_448 = arith.constant 1024 : i32
      %mul3A_449 = arith.muli %add3A_447, %mul3A_448 : i32
      %dma_start3A_450 = arith.constant 0 : i32
      %dma_start3A_451 = arith.constant 0 : i32
      %dma_start3A_452 = tpu.memref_slice %arg7[%dma_start3A_450, %dma_start3A_451] : memref<2x20480xf32, #tpu.memory_space<vmem>> -> memref<1x20480xf32, #tpu.memory_space<vmem>>
      %dma_start3A_453 = tpu.memref_squeeze %dma_start3A_452 : memref<1x20480xf32, #tpu.memory_space<vmem>> -> memref<20480xf32, #tpu.memory_space<vmem>>
      %dma_start3A_454 = arith.constant 3072 : i32
      %dma_start3A_455 = tpu.memref_slice %dma_start3A_453[%dma_start3A_454] : memref<20480xf32, #tpu.memory_space<vmem>> -> memref<1024xf32, #tpu.memory_space<vmem>>
      %dma_start3A_456 = tpu.memref_slice %arg4[%mul3A_449] : memref<26214400xf32, #tpu.memory_space<hbm>> -> memref<1024xf32, #tpu.memory_space<hbm>>
      %dma_start3A_457 = tpu.memref_slice %arg4[%mul3A_449] : memref<26214400xf32, #tpu.memory_space<hbm>> -> memref<1024xf32, #tpu.memory_space<hbm>>
      %dma_start3A_458 = arith.constant 0 : i32
      %dma_start3A_459 = tpu.memref_slice %arg7[%dma_start3A_450, %dma_start3A_458] : memref<2x20480xf32, #tpu.memory_space<vmem>> -> memref<1x20480xf32, #tpu.memory_space<vmem>>
      %dma_start3A_460 = tpu.memref_squeeze %dma_start3A_459 : memref<1x20480xf32, #tpu.memory_space<vmem>> -> memref<20480xf32, #tpu.memory_space<vmem>>
      %dma_start3A_461 = arith.constant 3072 : i32
      %dma_start3A_462 = tpu.memref_slice %dma_start3A_460[%dma_start3A_461] : memref<20480xf32, #tpu.memory_space<vmem>> -> memref<1024xf32, #tpu.memory_space<vmem>>
      tpu.enqueue_dma source(%dma_start3A_462 : memref<1024xf32, #tpu.memory_space<vmem>>) target(%dma_start3A_457 : memref<1024xf32, #tpu.memory_space<hbm>>) target_semaphore(%arg10 : memref<!tpu.dma_semaphore, #tpu.memory_space<semaphore_mem>>)
      %add3A_463 = arith.constant 1 : i32
      %add3A_464 = arith.addi %add3A_342, %add3A_463 : i32
      %jit3A_465 = arith.constant 32 : i32
      %div3A_466 = arith.divsi %add3A_464, %jit3A_465 : i32
      %sign3A_467 = arith.constant 0 : i32
      %sign3A_468 = arith.cmpi sgt, %add3A_464, %sign3A_467 : i32
      %sign3A_469 = arith.extui %sign3A_468 : i1 to i32
      %sign3A_470 = arith.constant 0 : i32
      %sign3A_471 = arith.cmpi slt, %add3A_464, %sign3A_470 : i32
      %sign3A_472 = arith.extui %sign3A_471 : i1 to i32
      %sign3A_473 = arith.subi %sign3A_469, %sign3A_472 : i32
      %sign3A_474 = arith.constant 0 : i32
      %sign3A_475 = arith.cmpi sgt, %jit3A_465, %sign3A_474 : i32
      %sign3A_476 = arith.extui %sign3A_475 : i1 to i32
      %sign3A_477 = arith.constant 0 : i32
      %sign3A_478 = arith.cmpi slt, %jit3A_465, %sign3A_477 : i32
      %sign3A_479 = arith.extui %sign3A_478 : i1 to i32
      %sign3A_480 = arith.subi %sign3A_476, %sign3A_479 : i32
      %ne3A_481 = arith.cmpi ne, %sign3A_473, %sign3A_480 : i32
      %rem3A_482 = arith.remsi %add3A_464, %jit3A_465 : i32
      %ne3A_483 = arith.constant 0 : i32
      %ne3A_484 = arith.cmpi ne, %rem3A_482, %ne3A_483 : i32
      %and3A_485 = arith.andi %ne3A_481, %ne3A_484 : i1
      %sub3A_486 = arith.constant 1 : i32
      %sub3A_487 = arith.subi %div3A_466, %sub3A_486 : i32
      %select_n3A_488 = arith.select %and3A_485, %sub3A_487, %div3A_466 : i32
      %jit3A_489 = arith.constant 32 : i32
      %eq3A_490 = arith.constant 0 : i32
      %eq3A_491 = arith.cmpi eq, %jit3A_489, %eq3A_490 : i32
      %jit3A_492 = arith.constant 1 : i32
      %select_n3A_493 = arith.select %eq3A_491, %jit3A_492, %jit3A_489 : i32
      %rem3A_494 = arith.remsi %add3A_464, %select_n3A_493 : i32
      %ne3A_495 = arith.constant 0 : i32
      %ne3A_496 = arith.cmpi ne, %rem3A_494, %ne3A_495 : i32
      %lt3A_497 = arith.constant 0 : i32
      %lt3A_498 = arith.cmpi slt, %rem3A_494, %lt3A_497 : i32
      %lt3A_499 = arith.constant 0 : i32
      %lt3A_500 = arith.cmpi slt, %select_n3A_493, %lt3A_499 : i32
      %ne3A_501 = arith.xori %lt3A_498, %lt3A_500 : i1
      %and3A_502 = arith.andi %ne3A_501, %ne3A_496 : i1
      %add3A_503 = arith.addi %rem3A_494, %select_n3A_493 : i32
      %select_n3A_504 = arith.select %and3A_502, %add3A_503, %rem3A_494 : i32
      %mul3A_505 = arith.constant 4 : i32
      %mul3A_506 = arith.muli %select_n3A_488, %mul3A_505 : i32
      %add3A_507 = arith.constant 0 : i32
      %add3A_508 = arith.addi %mul3A_506, %add3A_507 : i32
      %mul3A_509 = arith.constant 32 : i32
      %mul3A_510 = arith.muli %add3A_508, %mul3A_509 : i32
      %add3A_511 = arith.addi %mul3A_510, %select_n3A_504 : i32
      %mul3A_512 = arith.constant 1024 : i32
      %mul3A_513 = arith.muli %add3A_511, %mul3A_512 : i32
      %dma_start3A_514 = arith.constant 0 : i32
      %dma_start3A_515 = arith.constant 0 : i32
      %dma_start3A_516 = tpu.memref_slice %arg7[%dma_start3A_514, %dma_start3A_515] : memref<2x20480xf32, #tpu.memory_space<vmem>> -> memref<1x20480xf32, #tpu.memory_space<vmem>>
      %dma_start3A_517 = tpu.memref_squeeze %dma_start3A_516 : memref<1x20480xf32, #tpu.memory_space<vmem>> -> memref<20480xf32, #tpu.memory_space<vmem>>
      %dma_start3A_518 = arith.constant 4096 : i32
      %dma_start3A_519 = tpu.memref_slice %dma_start3A_517[%dma_start3A_518] : memref<20480xf32, #tpu.memory_space<vmem>> -> memref<1024xf32, #tpu.memory_space<vmem>>
      %dma_start3A_520 = tpu.memref_slice %arg4[%mul3A_513] : memref<26214400xf32, #tpu.memory_space<hbm>> -> memref<1024xf32, #tpu.memory_space<hbm>>
      %dma_start3A_521 = tpu.memref_slice %arg4[%mul3A_513] : memref<26214400xf32, #tpu.memory_space<hbm>> -> memref<1024xf32, #tpu.memory_space<hbm>>
      %dma_start3A_522 = arith.constant 0 : i32
      %dma_start3A_523 = tpu.memref_slice %arg7[%dma_start3A_514, %dma_start3A_522] : memref<2x20480xf32, #tpu.memory_space<vmem>> -> memref<1x20480xf32, #tpu.memory_space<vmem>>
      %dma_start3A_524 = tpu.memref_squeeze %dma_start3A_523 : memref<1x20480xf32, #tpu.memory_space<vmem>> -> memref<20480xf32, #tpu.memory_space<vmem>>
      %dma_start3A_525 = arith.constant 4096 : i32
      %dma_start3A_526 = tpu.memref_slice %dma_start3A_524[%dma_start3A_525] : memref<20480xf32, #tpu.memory_space<vmem>> -> memref<1024xf32, #tpu.memory_space<vmem>>
      tpu.enqueue_dma source(%dma_start3A_526 : memref<1024xf32, #tpu.memory_space<vmem>>) target(%dma_start3A_521 : memref<1024xf32, #tpu.memory_space<hbm>>) target_semaphore(%arg10 : memref<!tpu.dma_semaphore, #tpu.memory_space<semaphore_mem>>)
      %mul3A_527 = arith.constant 4 : i32
      %mul3A_528 = arith.muli %select_n3A_488, %mul3A_527 : i32
      %add3A_529 = arith.constant 1 : i32
      %add3A_530 = arith.addi %mul3A_528, %add3A_529 : i32
      %mul3A_531 = arith.constant 32 : i32
      %mul3A_532 = arith.muli %add3A_530, %mul3A_531 : i32
      %add3A_533 = arith.addi %mul3A_532, %select_n3A_504 : i32
      %mul3A_534 = arith.constant 1024 : i32
      %mul3A_535 = arith.muli %add3A_533, %mul3A_534 : i32
      %dma_start3A_536 = arith.constant 0 : i32
      %dma_start3A_537 = arith.constant 0 : i32
      %dma_start3A_538 = tpu.memref_slice %arg7[%dma_start3A_536, %dma_start3A_537] : memref<2x20480xf32, #tpu.memory_space<vmem>> -> memref<1x20480xf32, #tpu.memory_space<vmem>>
      %dma_start3A_539 = tpu.memref_squeeze %dma_start3A_538 : memref<1x20480xf32, #tpu.memory_space<vmem>> -> memref<20480xf32, #tpu.memory_space<vmem>>
      %dma_start3A_540 = arith.constant 5120 : i32
      %dma_start3A_541 = tpu.memref_slice %dma_start3A_539[%dma_start3A_540] : memref<20480xf32, #tpu.memory_space<vmem>> -> memref<1024xf32, #tpu.memory_space<vmem>>
      %dma_start3A_542 = tpu.memref_slice %arg4[%mul3A_535] : memref<26214400xf32, #tpu.memory_space<hbm>> -> memref<1024xf32, #tpu.memory_space<hbm>>
      %dma_start3A_543 = tpu.memref_slice %arg4[%mul3A_535] : memref<26214400xf32, #tpu.memory_space<hbm>> -> memref<1024xf32, #tpu.memory_space<hbm>>
      %dma_start3A_544 = arith.constant 0 : i32
      %dma_start3A_545 = tpu.memref_slice %arg7[%dma_start3A_536, %dma_start3A_544] : memref<2x20480xf32, #tpu.memory_space<vmem>> -> memref<1x20480xf32, #tpu.memory_space<vmem>>
      %dma_start3A_546 = tpu.memref_squeeze %dma_start3A_545 : memref<1x20480xf32, #tpu.memory_space<vmem>> -> memref<20480xf32, #tpu.memory_space<vmem>>
      %dma_start3A_547 = arith.constant 5120 : i32
      %dma_start3A_548 = tpu.memref_slice %dma_start3A_546[%dma_start3A_547] : memref<20480xf32, #tpu.memory_space<vmem>> -> memref<1024xf32, #tpu.memory_space<vmem>>
      tpu.enqueue_dma source(%dma_start3A_548 : memref<1024xf32, #tpu.memory_space<vmem>>) target(%dma_start3A_543 : memref<1024xf32, #tpu.memory_space<hbm>>) target_semaphore(%arg10 : memref<!tpu.dma_semaphore, #tpu.memory_space<semaphore_mem>>)
      %mul3A_549 = arith.constant 4 : i32
      %mul3A_550 = arith.muli %select_n3A_488, %mul3A_549 : i32
      %add3A_551 = arith.constant 2 : i32
      %add3A_552 = arith.addi %mul3A_550, %add3A_551 : i32
      %mul3A_553 = arith.constant 32 : i32
      %mul3A_554 = arith.muli %add3A_552, %mul3A_553 : i32
      %add3A_555 = arith.addi %mul3A_554, %select_n3A_504 : i32
      %mul3A_556 = arith.constant 1024 : i32
      %mul3A_557 = arith.muli %add3A_555, %mul3A_556 : i32
      %dma_start3A_558 = arith.constant 0 : i32
      %dma_start3A_559 = arith.constant 0 : i32
      %dma_start3A_560 = tpu.memref_slice %arg7[%dma_start3A_558, %dma_start3A_559] : memref<2x20480xf32, #tpu.memory_space<vmem>> -> memref<1x20480xf32, #tpu.memory_space<vmem>>
      %dma_start3A_561 = tpu.memref_squeeze %dma_start3A_560 : memref<1x20480xf32, #tpu.memory_space<vmem>> -> memref<20480xf32, #tpu.memory_space<vmem>>
      %dma_start3A_562 = arith.constant 6144 : i32
      %dma_start3A_563 = tpu.memref_slice %dma_start3A_561[%dma_start3A_562] : memref<20480xf32, #tpu.memory_space<vmem>> -> memref<1024xf32, #tpu.memory_space<vmem>>
      %dma_start3A_564 = tpu.memref_slice %arg4[%mul3A_557] : memref<26214400xf32, #tpu.memory_space<hbm>> -> memref<1024xf32, #tpu.memory_space<hbm>>
      %dma_start3A_565 = tpu.memref_slice %arg4[%mul3A_557] : memref<26214400xf32, #tpu.memory_space<hbm>> -> memref<1024xf32, #tpu.memory_space<hbm>>
      %dma_start3A_566 = arith.constant 0 : i32
      %dma_start3A_567 = tpu.memref_slice %arg7[%dma_start3A_558, %dma_start3A_566] : memref<2x20480xf32, #tpu.memory_space<vmem>> -> memref<1x20480xf32, #tpu.memory_space<vmem>>
      %dma_start3A_568 = tpu.memref_squeeze %dma_start3A_567 : memref<1x20480xf32, #tpu.memory_space<vmem>> -> memref<20480xf32, #tpu.memory_space<vmem>>
      %dma_start3A_569 = arith.constant 6144 : i32
      %dma_start3A_570 = tpu.memref_slice %dma_start3A_568[%dma_start3A_569] : memref<20480xf32, #tpu.memory_space<vmem>> -> memref<1024xf32, #tpu.memory_space<vmem>>
      tpu.enqueue_dma source(%dma_start3A_570 : memref<1024xf32, #tpu.memory_space<vmem>>) target(%dma_start3A_565 : memref<1024xf32, #tpu.memory_space<hbm>>) target_semaphore(%arg10 : memref<!tpu.dma_semaphore, #tpu.memory_space<semaphore_mem>>)
      %mul3A_571 = arith.constant 4 : i32
      %mul3A_572 = arith.muli %select_n3A_488, %mul3A_571 : i32
      %add3A_573 = arith.constant 3 : i32
      %add3A_574 = arith.addi %mul3A_572, %add3A_573 : i32
      %mul3A_575 = arith.constant 32 : i32
      %mul3A_576 = arith.muli %add3A_574, %mul3A_575 : i32
      %add3A_577 = arith.addi %mul3A_576, %select_n3A_504 : i32
      %mul3A_578 = arith.constant 1024 : i32
      %mul3A_579 = arith.muli %add3A_577, %mul3A_578 : i32
      %dma_start3A_580 = arith.constant 0 : i32
      %dma_start3A_581 = arith.constant 0 : i32
      %dma_start3A_582 = tpu.memref_slice %arg7[%dma_start3A_580, %dma_start3A_581] : memref<2x20480xf32, #tpu.memory_space<vmem>> -> memref<1x20480xf32, #tpu.memory_space<vmem>>
      %dma_start3A_583 = tpu.memref_squeeze %dma_start3A_582 : memref<1x20480xf32, #tpu.memory_space<vmem>> -> memref<20480xf32, #tpu.memory_space<vmem>>
      %dma_start3A_584 = arith.constant 7168 : i32
      %dma_start3A_585 = tpu.memref_slice %dma_start3A_583[%dma_start3A_584] : memref<20480xf32, #tpu.memory_space<vmem>> -> memref<1024xf32, #tpu.memory_space<vmem>>
      %dma_start3A_586 = tpu.memref_slice %arg4[%mul3A_579] : memref<26214400xf32, #tpu.memory_space<hbm>> -> memref<1024xf32, #tpu.memory_space<hbm>>
      %dma_start3A_587 = tpu.memref_slice %arg4[%mul3A_579] : memref<26214400xf32, #tpu.memory_space<hbm>> -> memref<1024xf32, #tpu.memory_space<hbm>>
      %dma_start3A_588 = arith.constant 0 : i32
      %dma_start3A_589 = tpu.memref_slice %arg7[%dma_start3A_580, %dma_start3A_588] : memref<2x20480xf32, #tpu.memory_space<vmem>> -> memref<1x20480xf32, #tpu.memory_space<vmem>>
      %dma_start3A_590 = tpu.memref_squeeze %dma_start3A_589 : memref<1x20480xf32, #tpu.memory_space<vmem>> -> memref<20480xf32, #tpu.memory_space<vmem>>
      %dma_start3A_591 = arith.constant 7168 : i32
      %dma_start3A_592 = tpu.memref_slice %dma_start3A_590[%dma_start3A_591] : memref<20480xf32, #tpu.memory_space<vmem>> -> memref<1024xf32, #tpu.memory_space<vmem>>
      tpu.enqueue_dma source(%dma_start3A_592 : memref<1024xf32, #tpu.memory_space<vmem>>) target(%dma_start3A_587 : memref<1024xf32, #tpu.memory_space<hbm>>) target_semaphore(%arg10 : memref<!tpu.dma_semaphore, #tpu.memory_space<semaphore_mem>>)
      %add3A_593 = arith.constant 2 : i32
      %add3A_594 = arith.addi %add3A_342, %add3A_593 : i32
      %jit3A_595 = arith.constant 32 : i32
      %div3A_596 = arith.divsi %add3A_594, %jit3A_595 : i32
      %sign3A_597 = arith.constant 0 : i32
      %sign3A_598 = arith.cmpi sgt, %add3A_594, %sign3A_597 : i32
      %sign3A_599 = arith.extui %sign3A_598 : i1 to i32
      %sign3A_600 = arith.constant 0 : i32
      %sign3A_601 = arith.cmpi slt, %add3A_594, %sign3A_600 : i32
      %sign3A_602 = arith.extui %sign3A_601 : i1 to i32
      %sign3A_603 = arith.subi %sign3A_599, %sign3A_602 : i32
      %sign3A_604 = arith.constant 0 : i32
      %sign3A_605 = arith.cmpi sgt, %jit3A_595, %sign3A_604 : i32
      %sign3A_606 = arith.extui %sign3A_605 : i1 to i32
      %sign3A_607 = arith.constant 0 : i32
      %sign3A_608 = arith.cmpi slt, %jit3A_595, %sign3A_607 : i32
      %sign3A_609 = arith.extui %sign3A_608 : i1 to i32
      %sign3A_610 = arith.subi %sign3A_606, %sign3A_609 : i32
      %ne3A_611 = arith.cmpi ne, %sign3A_603, %sign3A_610 : i32
      %rem3A_612 = arith.remsi %add3A_594, %jit3A_595 : i32
      %ne3A_613 = arith.constant 0 : i32
      %ne3A_614 = arith.cmpi ne, %rem3A_612, %ne3A_613 : i32
      %and3A_615 = arith.andi %ne3A_611, %ne3A_614 : i1
      %sub3A_616 = arith.constant 1 : i32
      %sub3A_617 = arith.subi %div3A_596, %sub3A_616 : i32
      %select_n3A_618 = arith.select %and3A_615, %sub3A_617, %div3A_596 : i32
      %jit3A_619 = arith.constant 32 : i32
      %eq3A_620 = arith.constant 0 : i32
      %eq3A_621 = arith.cmpi eq, %jit3A_619, %eq3A_620 : i32
      %jit3A_622 = arith.constant 1 : i32
      %select_n3A_623 = arith.select %eq3A_621, %jit3A_622, %jit3A_619 : i32
      %rem3A_624 = arith.remsi %add3A_594, %select_n3A_623 : i32
      %ne3A_625 = arith.constant 0 : i32
      %ne3A_626 = arith.cmpi ne, %rem3A_624, %ne3A_625 : i32
      %lt3A_627 = arith.constant 0 : i32
      %lt3A_628 = arith.cmpi slt, %rem3A_624, %lt3A_627 : i32
      %lt3A_629 = arith.constant 0 : i32
      %lt3A_630 = arith.cmpi slt, %select_n3A_623, %lt3A_629 : i32
      %ne3A_631 = arith.xori %lt3A_628, %lt3A_630 : i1
      %and3A_632 = arith.andi %ne3A_631, %ne3A_626 : i1
      %add3A_633 = arith.addi %rem3A_624, %select_n3A_623 : i32
      %select_n3A_634 = arith.select %and3A_632, %add3A_633, %rem3A_624 : i32
      %mul3A_635 = arith.constant 4 : i32
      %mul3A_636 = arith.muli %select_n3A_618, %mul3A_635 : i32
      %add3A_637 = arith.constant 0 : i32
      %add3A_638 = arith.addi %mul3A_636, %add3A_637 : i32
      %mul3A_639 = arith.constant 32 : i32
      %mul3A_640 = arith.muli %add3A_638, %mul3A_639 : i32
      %add3A_641 = arith.addi %mul3A_640, %select_n3A_634 : i32
      %mul3A_642 = arith.constant 1024 : i32
      %mul3A_643 = arith.muli %add3A_641, %mul3A_642 : i32
      %dma_start3A_644 = arith.constant 0 : i32
      %dma_start3A_645 = arith.constant 0 : i32
      %dma_start3A_646 = tpu.memref_slice %arg7[%dma_start3A_644, %dma_start3A_645] : memref<2x20480xf32, #tpu.memory_space<vmem>> -> memref<1x20480xf32, #tpu.memory_space<vmem>>
      %dma_start3A_647 = tpu.memref_squeeze %dma_start3A_646 : memref<1x20480xf32, #tpu.memory_space<vmem>> -> memref<20480xf32, #tpu.memory_space<vmem>>
      %dma_start3A_648 = arith.constant 8192 : i32
      %dma_start3A_649 = tpu.memref_slice %dma_start3A_647[%dma_start3A_648] : memref<20480xf32, #tpu.memory_space<vmem>> -> memref<1024xf32, #tpu.memory_space<vmem>>
      %dma_start3A_650 = tpu.memref_slice %arg4[%mul3A_643] : memref<26214400xf32, #tpu.memory_space<hbm>> -> memref<1024xf32, #tpu.memory_space<hbm>>
      %dma_start3A_651 = tpu.memref_slice %arg4[%mul3A_643] : memref<26214400xf32, #tpu.memory_space<hbm>> -> memref<1024xf32, #tpu.memory_space<hbm>>
      %dma_start3A_652 = arith.constant 0 : i32
      %dma_start3A_653 = tpu.memref_slice %arg7[%dma_start3A_644, %dma_start3A_652] : memref<2x20480xf32, #tpu.memory_space<vmem>> -> memref<1x20480xf32, #tpu.memory_space<vmem>>
      %dma_start3A_654 = tpu.memref_squeeze %dma_start3A_653 : memref<1x20480xf32, #tpu.memory_space<vmem>> -> memref<20480xf32, #tpu.memory_space<vmem>>
      %dma_start3A_655 = arith.constant 8192 : i32
      %dma_start3A_656 = tpu.memref_slice %dma_start3A_654[%dma_start3A_655] : memref<20480xf32, #tpu.memory_space<vmem>> -> memref<1024xf32, #tpu.memory_space<vmem>>
      tpu.enqueue_dma source(%dma_start3A_656 : memref<1024xf32, #tpu.memory_space<vmem>>) target(%dma_start3A_651 : memref<1024xf32, #tpu.memory_space<hbm>>) target_semaphore(%arg10 : memref<!tpu.dma_semaphore, #tpu.memory_space<semaphore_mem>>)
      %mul3A_657 = arith.constant 4 : i32
      %mul3A_658 = arith.muli %select_n3A_618, %mul3A_657 : i32
      %add3A_659 = arith.constant 1 : i32
      %add3A_660 = arith.addi %mul3A_658, %add3A_659 : i32
      %mul3A_661 = arith.constant 32 : i32
      %mul3A_662 = arith.muli %add3A_660, %mul3A_661 : i32
      %add3A_663 = arith.addi %mul3A_662, %select_n3A_634 : i32
      %mul3A_664 = arith.constant 1024 : i32
      %mul3A_665 = arith.muli %add3A_663, %mul3A_664 : i32
      %dma_start3A_666 = arith.constant 0 : i32
      %dma_start3A_667 = arith.constant 0 : i32
      %dma_start3A_668 = tpu.memref_slice %arg7[%dma_start3A_666, %dma_start3A_667] : memref<2x20480xf32, #tpu.memory_space<vmem>> -> memref<1x20480xf32, #tpu.memory_space<vmem>>
      %dma_start3A_669 = tpu.memref_squeeze %dma_start3A_668 : memref<1x20480xf32, #tpu.memory_space<vmem>> -> memref<20480xf32, #tpu.memory_space<vmem>>
      %dma_start3A_670 = arith.constant 9216 : i32
      %dma_start3A_671 = tpu.memref_slice %dma_start3A_669[%dma_start3A_670] : memref<20480xf32, #tpu.memory_space<vmem>> -> memref<1024xf32, #tpu.memory_space<vmem>>
      %dma_start3A_672 = tpu.memref_slice %arg4[%mul3A_665] : memref<26214400xf32, #tpu.memory_space<hbm>> -> memref<1024xf32, #tpu.memory_space<hbm>>
      %dma_start3A_673 = tpu.memref_slice %arg4[%mul3A_665] : memref<26214400xf32, #tpu.memory_space<hbm>> -> memref<1024xf32, #tpu.memory_space<hbm>>
      %dma_start3A_674 = arith.constant 0 : i32
      %dma_start3A_675 = tpu.memref_slice %arg7[%dma_start3A_666, %dma_start3A_674] : memref<2x20480xf32, #tpu.memory_space<vmem>> -> memref<1x20480xf32, #tpu.memory_space<vmem>>
      %dma_start3A_676 = tpu.memref_squeeze %dma_start3A_675 : memref<1x20480xf32, #tpu.memory_space<vmem>> -> memref<20480xf32, #tpu.memory_space<vmem>>
      %dma_start3A_677 = arith.constant 9216 : i32
      %dma_start3A_678 = tpu.memref_slice %dma_start3A_676[%dma_start3A_677] : memref<20480xf32, #tpu.memory_space<vmem>> -> memref<1024xf32, #tpu.memory_space<vmem>>
      tpu.enqueue_dma source(%dma_start3A_678 : memref<1024xf32, #tpu.memory_space<vmem>>) target(%dma_start3A_673 : memref<1024xf32, #tpu.memory_space<hbm>>) target_semaphore(%arg10 : memref<!tpu.dma_semaphore, #tpu.memory_space<semaphore_mem>>)
      %mul3A_679 = arith.constant 4 : i32
      %mul3A_680 = arith.muli %select_n3A_618, %mul3A_679 : i32
      %add3A_681 = arith.constant 2 : i32
      %add3A_682 = arith.addi %mul3A_680, %add3A_681 : i32
      %mul3A_683 = arith.constant 32 : i32
      %mul3A_684 = arith.muli %add3A_682, %mul3A_683 : i32
      %add3A_685 = arith.addi %mul3A_684, %select_n3A_634 : i32
      %mul3A_686 = arith.constant 1024 : i32
      %mul3A_687 = arith.muli %add3A_685, %mul3A_686 : i32
      %dma_start3A_688 = arith.constant 0 : i32
      %dma_start3A_689 = arith.constant 0 : i32
      %dma_start3A_690 = tpu.memref_slice %arg7[%dma_start3A_688, %dma_start3A_689] : memref<2x20480xf32, #tpu.memory_space<vmem>> -> memref<1x20480xf32, #tpu.memory_space<vmem>>
      %dma_start3A_691 = tpu.memref_squeeze %dma_start3A_690 : memref<1x20480xf32, #tpu.memory_space<vmem>> -> memref<20480xf32, #tpu.memory_space<vmem>>
      %dma_start3A_692 = arith.constant 10240 : i32
      %dma_start3A_693 = tpu.memref_slice %dma_start3A_691[%dma_start3A_692] : memref<20480xf32, #tpu.memory_space<vmem>> -> memref<1024xf32, #tpu.memory_space<vmem>>
      %dma_start3A_694 = tpu.memref_slice %arg4[%mul3A_687] : memref<26214400xf32, #tpu.memory_space<hbm>> -> memref<1024xf32, #tpu.memory_space<hbm>>
      %dma_start3A_695 = tpu.memref_slice %arg4[%mul3A_687] : memref<26214400xf32, #tpu.memory_space<hbm>> -> memref<1024xf32, #tpu.memory_space<hbm>>
      %dma_start3A_696 = arith.constant 0 : i32
      %dma_start3A_697 = tpu.memref_slice %arg7[%dma_start3A_688, %dma_start3A_696] : memref<2x20480xf32, #tpu.memory_space<vmem>> -> memref<1x20480xf32, #tpu.memory_space<vmem>>
      %dma_start3A_698 = tpu.memref_squeeze %dma_start3A_697 : memref<1x20480xf32, #tpu.memory_space<vmem>> -> memref<20480xf32, #tpu.memory_space<vmem>>
      %dma_start3A_699 = arith.constant 10240 : i32
      %dma_start3A_700 = tpu.memref_slice %dma_start3A_698[%dma_start3A_699] : memref<20480xf32, #tpu.memory_space<vmem>> -> memref<1024xf32, #tpu.memory_space<vmem>>
      tpu.enqueue_dma source(%dma_start3A_700 : memref<1024xf32, #tpu.memory_space<vmem>>) target(%dma_start3A_695 : memref<1024xf32, #tpu.memory_space<hbm>>) target_semaphore(%arg10 : memref<!tpu.dma_semaphore, #tpu.memory_space<semaphore_mem>>)
      %mul3A_701 = arith.constant 4 : i32
      %mul3A_702 = arith.muli %select_n3A_618, %mul3A_701 : i32
      %add3A_703 = arith.constant 3 : i32
      %add3A_704 = arith.addi %mul3A_702, %add3A_703 : i32
      %mul3A_705 = arith.constant 32 : i32
      %mul3A_706 = arith.muli %add3A_704, %mul3A_705 : i32
      %add3A_707 = arith.addi %mul3A_706, %select_n3A_634 : i32
      %mul3A_708 = arith.constant 1024 : i32
      %mul3A_709 = arith.muli %add3A_707, %mul3A_708 : i32
      %dma_start3A_710 = arith.constant 0 : i32
      %dma_start3A_711 = arith.constant 0 : i32
      %dma_start3A_712 = tpu.memref_slice %arg7[%dma_start3A_710, %dma_start3A_711] : memref<2x20480xf32, #tpu.memory_space<vmem>> -> memref<1x20480xf32, #tpu.memory_space<vmem>>
      %dma_start3A_713 = tpu.memref_squeeze %dma_start3A_712 : memref<1x20480xf32, #tpu.memory_space<vmem>> -> memref<20480xf32, #tpu.memory_space<vmem>>
      %dma_start3A_714 = arith.constant 11264 : i32
      %dma_start3A_715 = tpu.memref_slice %dma_start3A_713[%dma_start3A_714] : memref<20480xf32, #tpu.memory_space<vmem>> -> memref<1024xf32, #tpu.memory_space<vmem>>
      %dma_start3A_716 = tpu.memref_slice %arg4[%mul3A_709] : memref<26214400xf32, #tpu.memory_space<hbm>> -> memref<1024xf32, #tpu.memory_space<hbm>>
      %dma_start3A_717 = tpu.memref_slice %arg4[%mul3A_709] : memref<26214400xf32, #tpu.memory_space<hbm>> -> memref<1024xf32, #tpu.memory_space<hbm>>
      %dma_start3A_718 = arith.constant 0 : i32
      %dma_start3A_719 = tpu.memref_slice %arg7[%dma_start3A_710, %dma_start3A_718] : memref<2x20480xf32, #tpu.memory_space<vmem>> -> memref<1x20480xf32, #tpu.memory_space<vmem>>
      %dma_start3A_720 = tpu.memref_squeeze %dma_start3A_719 : memref<1x20480xf32, #tpu.memory_space<vmem>> -> memref<20480xf32, #tpu.memory_space<vmem>>
      %dma_start3A_721 = arith.constant 11264 : i32
      %dma_start3A_722 = tpu.memref_slice %dma_start3A_720[%dma_start3A_721] : memref<20480xf32, #tpu.memory_space<vmem>> -> memref<1024xf32, #tpu.memory_space<vmem>>
      tpu.enqueue_dma source(%dma_start3A_722 : memref<1024xf32, #tpu.memory_space<vmem>>) target(%dma_start3A_717 : memref<1024xf32, #tpu.memory_space<hbm>>) target_semaphore(%arg10 : memref<!tpu.dma_semaphore, #tpu.memory_space<semaphore_mem>>)
      %add3A_723 = arith.constant 3 : i32
      %add3A_724 = arith.addi %add3A_342, %add3A_723 : i32
      %jit3A_725 = arith.constant 32 : i32
      %div3A_726 = arith.divsi %add3A_724, %jit3A_725 : i32
      %sign3A_727 = arith.constant 0 : i32
      %sign3A_728 = arith.cmpi sgt, %add3A_724, %sign3A_727 : i32
      %sign3A_729 = arith.extui %sign3A_728 : i1 to i32
      %sign3A_730 = arith.constant 0 : i32
      %sign3A_731 = arith.cmpi slt, %add3A_724, %sign3A_730 : i32
      %sign3A_732 = arith.extui %sign3A_731 : i1 to i32
      %sign3A_733 = arith.subi %sign3A_729, %sign3A_732 : i32
      %sign3A_734 = arith.constant 0 : i32
      %sign3A_735 = arith.cmpi sgt, %jit3A_725, %sign3A_734 : i32
      %sign3A_736 = arith.extui %sign3A_735 : i1 to i32
      %sign3A_737 = arith.constant 0 : i32
      %sign3A_738 = arith.cmpi slt, %jit3A_725, %sign3A_737 : i32
      %sign3A_739 = arith.extui %sign3A_738 : i1 to i32
      %sign3A_740 = arith.subi %sign3A_736, %sign3A_739 : i32
      %ne3A_741 = arith.cmpi ne, %sign3A_733, %sign3A_740 : i32
      %rem3A_742 = arith.remsi %add3A_724, %jit3A_725 : i32
      %ne3A_743 = arith.constant 0 : i32
      %ne3A_744 = arith.cmpi ne, %rem3A_742, %ne3A_743 : i32
      %and3A_745 = arith.andi %ne3A_741, %ne3A_744 : i1
      %sub3A_746 = arith.constant 1 : i32
      %sub3A_747 = arith.subi %div3A_726, %sub3A_746 : i32
      %select_n3A_748 = arith.select %and3A_745, %sub3A_747, %div3A_726 : i32
      %jit3A_749 = arith.constant 32 : i32
      %eq3A_750 = arith.constant 0 : i32
      %eq3A_751 = arith.cmpi eq, %jit3A_749, %eq3A_750 : i32
      %jit3A_752 = arith.constant 1 : i32
      %select_n3A_753 = arith.select %eq3A_751, %jit3A_752, %jit3A_749 : i32
      %rem3A_754 = arith.remsi %add3A_724, %select_n3A_753 : i32
      %ne3A_755 = arith.constant 0 : i32
      %ne3A_756 = arith.cmpi ne, %rem3A_754, %ne3A_755 : i32
      %lt3A_757 = arith.constant 0 : i32
      %lt3A_758 = arith.cmpi slt, %rem3A_754, %lt3A_757 : i32
      %lt3A_759 = arith.constant 0 : i32
      %lt3A_760 = arith.cmpi slt, %select_n3A_753, %lt3A_759 : i32
      %ne3A_761 = arith.xori %lt3A_758, %lt3A_760 : i1
      %and3A_762 = arith.andi %ne3A_761, %ne3A_756 : i1
      %add3A_763 = arith.addi %rem3A_754, %select_n3A_753 : i32
      %select_n3A_764 = arith.select %and3A_762, %add3A_763, %rem3A_754 : i32
      %mul3A_765 = arith.constant 4 : i32
      %mul3A_766 = arith.muli %select_n3A_748, %mul3A_765 : i32
      %add3A_767 = arith.constant 0 : i32
      %add3A_768 = arith.addi %mul3A_766, %add3A_767 : i32
      %mul3A_769 = arith.constant 32 : i32
      %mul3A_770 = arith.muli %add3A_768, %mul3A_769 : i32
      %add3A_771 = arith.addi %mul3A_770, %select_n3A_764 : i32
      %mul3A_772 = arith.constant 1024 : i32
      %mul3A_773 = arith.muli %add3A_771, %mul3A_772 : i32
      %dma_start3A_774 = arith.constant 0 : i32
      %dma_start3A_775 = arith.constant 0 : i32
      %dma_start3A_776 = tpu.memref_slice %arg7[%dma_start3A_774, %dma_start3A_775] : memref<2x20480xf32, #tpu.memory_space<vmem>> -> memref<1x20480xf32, #tpu.memory_space<vmem>>
      %dma_start3A_777 = tpu.memref_squeeze %dma_start3A_776 : memref<1x20480xf32, #tpu.memory_space<vmem>> -> memref<20480xf32, #tpu.memory_space<vmem>>
      %dma_start3A_778 = arith.constant 12288 : i32
      %dma_start3A_779 = tpu.memref_slice %dma_start3A_777[%dma_start3A_778] : memref<20480xf32, #tpu.memory_space<vmem>> -> memref<1024xf32, #tpu.memory_space<vmem>>
      %dma_start3A_780 = tpu.memref_slice %arg4[%mul3A_773] : memref<26214400xf32, #tpu.memory_space<hbm>> -> memref<1024xf32, #tpu.memory_space<hbm>>
      %dma_start3A_781 = tpu.memref_slice %arg4[%mul3A_773] : memref<26214400xf32, #tpu.memory_space<hbm>> -> memref<1024xf32, #tpu.memory_space<hbm>>
      %dma_start3A_782 = arith.constant 0 : i32
      %dma_start3A_783 = tpu.memref_slice %arg7[%dma_start3A_774, %dma_start3A_782] : memref<2x20480xf32, #tpu.memory_space<vmem>> -> memref<1x20480xf32, #tpu.memory_space<vmem>>
      %dma_start3A_784 = tpu.memref_squeeze %dma_start3A_783 : memref<1x20480xf32, #tpu.memory_space<vmem>> -> memref<20480xf32, #tpu.memory_space<vmem>>
      %dma_start3A_785 = arith.constant 12288 : i32
      %dma_start3A_786 = tpu.memref_slice %dma_start3A_784[%dma_start3A_785] : memref<20480xf32, #tpu.memory_space<vmem>> -> memref<1024xf32, #tpu.memory_space<vmem>>
      tpu.enqueue_dma source(%dma_start3A_786 : memref<1024xf32, #tpu.memory_space<vmem>>) target(%dma_start3A_781 : memref<1024xf32, #tpu.memory_space<hbm>>) target_semaphore(%arg10 : memref<!tpu.dma_semaphore, #tpu.memory_space<semaphore_mem>>)
      %mul3A_787 = arith.constant 4 : i32
      %mul3A_788 = arith.muli %select_n3A_748, %mul3A_787 : i32
      %add3A_789 = arith.constant 1 : i32
      %add3A_790 = arith.addi %mul3A_788, %add3A_789 : i32
      %mul3A_791 = arith.constant 32 : i32
      %mul3A_792 = arith.muli %add3A_790, %mul3A_791 : i32
      %add3A_793 = arith.addi %mul3A_792, %select_n3A_764 : i32
      %mul3A_794 = arith.constant 1024 : i32
      %mul3A_795 = arith.muli %add3A_793, %mul3A_794 : i32
      %dma_start3A_796 = arith.constant 0 : i32
      %dma_start3A_797 = arith.constant 0 : i32
      %dma_start3A_798 = tpu.memref_slice %arg7[%dma_start3A_796, %dma_start3A_797] : memref<2x20480xf32, #tpu.memory_space<vmem>> -> memref<1x20480xf32, #tpu.memory_space<vmem>>
      %dma_start3A_799 = tpu.memref_squeeze %dma_start3A_798 : memref<1x20480xf32, #tpu.memory_space<vmem>> -> memref<20480xf32, #tpu.memory_space<vmem>>
      %dma_start3A_800 = arith.constant 13312 : i32
      %dma_start3A_801 = tpu.memref_slice %dma_start3A_799[%dma_start3A_800] : memref<20480xf32, #tpu.memory_space<vmem>> -> memref<1024xf32, #tpu.memory_space<vmem>>
      %dma_start3A_802 = tpu.memref_slice %arg4[%mul3A_795] : memref<26214400xf32, #tpu.memory_space<hbm>> -> memref<1024xf32, #tpu.memory_space<hbm>>
      %dma_start3A_803 = tpu.memref_slice %arg4[%mul3A_795] : memref<26214400xf32, #tpu.memory_space<hbm>> -> memref<1024xf32, #tpu.memory_space<hbm>>
      %dma_start3A_804 = arith.constant 0 : i32
      %dma_start3A_805 = tpu.memref_slice %arg7[%dma_start3A_796, %dma_start3A_804] : memref<2x20480xf32, #tpu.memory_space<vmem>> -> memref<1x20480xf32, #tpu.memory_space<vmem>>
      %dma_start3A_806 = tpu.memref_squeeze %dma_start3A_805 : memref<1x20480xf32, #tpu.memory_space<vmem>> -> memref<20480xf32, #tpu.memory_space<vmem>>
      %dma_start3A_807 = arith.constant 13312 : i32
      %dma_start3A_808 = tpu.memref_slice %dma_start3A_806[%dma_start3A_807] : memref<20480xf32, #tpu.memory_space<vmem>> -> memref<1024xf32, #tpu.memory_space<vmem>>
      tpu.enqueue_dma source(%dma_start3A_808 : memref<1024xf32, #tpu.memory_space<vmem>>) target(%dma_start3A_803 : memref<1024xf32, #tpu.memory_space<hbm>>) target_semaphore(%arg10 : memref<!tpu.dma_semaphore, #tpu.memory_space<semaphore_mem>>)
      %mul3A_809 = arith.constant 4 : i32
      %mul3A_810 = arith.muli %select_n3A_748, %mul3A_809 : i32
      %add3A_811 = arith.constant 2 : i32
      %add3A_812 = arith.addi %mul3A_810, %add3A_811 : i32
      %mul3A_813 = arith.constant 32 : i32
      %mul3A_814 = arith.muli %add3A_812, %mul3A_813 : i32
      %add3A_815 = arith.addi %mul3A_814, %select_n3A_764 : i32
      %mul3A_816 = arith.constant 1024 : i32
      %mul3A_817 = arith.muli %add3A_815, %mul3A_816 : i32
      %dma_start3A_818 = arith.constant 0 : i32
      %dma_start3A_819 = arith.constant 0 : i32
      %dma_start3A_820 = tpu.memref_slice %arg7[%dma_start3A_818, %dma_start3A_819] : memref<2x20480xf32, #tpu.memory_space<vmem>> -> memref<1x20480xf32, #tpu.memory_space<vmem>>
      %dma_start3A_821 = tpu.memref_squeeze %dma_start3A_820 : memref<1x20480xf32, #tpu.memory_space<vmem>> -> memref<20480xf32, #tpu.memory_space<vmem>>
      %dma_start3A_822 = arith.constant 14336 : i32
      %dma_start3A_823 = tpu.memref_slice %dma_start3A_821[%dma_start3A_822] : memref<20480xf32, #tpu.memory_space<vmem>> -> memref<1024xf32, #tpu.memory_space<vmem>>
      %dma_start3A_824 = tpu.memref_slice %arg4[%mul3A_817] : memref<26214400xf32, #tpu.memory_space<hbm>> -> memref<1024xf32, #tpu.memory_space<hbm>>
      %dma_start3A_825 = tpu.memref_slice %arg4[%mul3A_817] : memref<26214400xf32, #tpu.memory_space<hbm>> -> memref<1024xf32, #tpu.memory_space<hbm>>
      %dma_start3A_826 = arith.constant 0 : i32
      %dma_start3A_827 = tpu.memref_slice %arg7[%dma_start3A_818, %dma_start3A_826] : memref<2x20480xf32, #tpu.memory_space<vmem>> -> memref<1x20480xf32, #tpu.memory_space<vmem>>
      %dma_start3A_828 = tpu.memref_squeeze %dma_start3A_827 : memref<1x20480xf32, #tpu.memory_space<vmem>> -> memref<20480xf32, #tpu.memory_space<vmem>>
      %dma_start3A_829 = arith.constant 14336 : i32
      %dma_start3A_830 = tpu.memref_slice %dma_start3A_828[%dma_start3A_829] : memref<20480xf32, #tpu.memory_space<vmem>> -> memref<1024xf32, #tpu.memory_space<vmem>>
      tpu.enqueue_dma source(%dma_start3A_830 : memref<1024xf32, #tpu.memory_space<vmem>>) target(%dma_start3A_825 : memref<1024xf32, #tpu.memory_space<hbm>>) target_semaphore(%arg10 : memref<!tpu.dma_semaphore, #tpu.memory_space<semaphore_mem>>)
      %mul3A_831 = arith.constant 4 : i32
      %mul3A_832 = arith.muli %select_n3A_748, %mul3A_831 : i32
      %add3A_833 = arith.constant 3 : i32
      %add3A_834 = arith.addi %mul3A_832, %add3A_833 : i32
      %mul3A_835 = arith.constant 32 : i32
      %mul3A_836 = arith.muli %add3A_834, %mul3A_835 : i32
      %add3A_837 = arith.addi %mul3A_836, %select_n3A_764 : i32
      %mul3A_838 = arith.constant 1024 : i32
      %mul3A_839 = arith.muli %add3A_837, %mul3A_838 : i32
      %dma_start3A_840 = arith.constant 0 : i32
      %dma_start3A_841 = arith.constant 0 : i32
      %dma_start3A_842 = tpu.memref_slice %arg7[%dma_start3A_840, %dma_start3A_841] : memref<2x20480xf32, #tpu.memory_space<vmem>> -> memref<1x20480xf32, #tpu.memory_space<vmem>>
      %dma_start3A_843 = tpu.memref_squeeze %dma_start3A_842 : memref<1x20480xf32, #tpu.memory_space<vmem>> -> memref<20480xf32, #tpu.memory_space<vmem>>
      %dma_start3A_844 = arith.constant 15360 : i32
      %dma_start3A_845 = tpu.memref_slice %dma_start3A_843[%dma_start3A_844] : memref<20480xf32, #tpu.memory_space<vmem>> -> memref<1024xf32, #tpu.memory_space<vmem>>
      %dma_start3A_846 = tpu.memref_slice %arg4[%mul3A_839] : memref<26214400xf32, #tpu.memory_space<hbm>> -> memref<1024xf32, #tpu.memory_space<hbm>>
      %dma_start3A_847 = tpu.memref_slice %arg4[%mul3A_839] : memref<26214400xf32, #tpu.memory_space<hbm>> -> memref<1024xf32, #tpu.memory_space<hbm>>
      %dma_start3A_848 = arith.constant 0 : i32
      %dma_start3A_849 = tpu.memref_slice %arg7[%dma_start3A_840, %dma_start3A_848] : memref<2x20480xf32, #tpu.memory_space<vmem>> -> memref<1x20480xf32, #tpu.memory_space<vmem>>
      %dma_start3A_850 = tpu.memref_squeeze %dma_start3A_849 : memref<1x20480xf32, #tpu.memory_space<vmem>> -> memref<20480xf32, #tpu.memory_space<vmem>>
      %dma_start3A_851 = arith.constant 15360 : i32
      %dma_start3A_852 = tpu.memref_slice %dma_start3A_850[%dma_start3A_851] : memref<20480xf32, #tpu.memory_space<vmem>> -> memref<1024xf32, #tpu.memory_space<vmem>>
      tpu.enqueue_dma source(%dma_start3A_852 : memref<1024xf32, #tpu.memory_space<vmem>>) target(%dma_start3A_847 : memref<1024xf32, #tpu.memory_space<hbm>>) target_semaphore(%arg10 : memref<!tpu.dma_semaphore, #tpu.memory_space<semaphore_mem>>)
      %add3A_853 = arith.constant 4 : i32
      %add3A_854 = arith.addi %add3A_342, %add3A_853 : i32
      %jit3A_855 = arith.constant 32 : i32
      %div3A_856 = arith.divsi %add3A_854, %jit3A_855 : i32
      %sign3A_857 = arith.constant 0 : i32
      %sign3A_858 = arith.cmpi sgt, %add3A_854, %sign3A_857 : i32
      %sign3A_859 = arith.extui %sign3A_858 : i1 to i32
      %sign3A_860 = arith.constant 0 : i32
      %sign3A_861 = arith.cmpi slt, %add3A_854, %sign3A_860 : i32
      %sign3A_862 = arith.extui %sign3A_861 : i1 to i32
      %sign3A_863 = arith.subi %sign3A_859, %sign3A_862 : i32
      %sign3A_864 = arith.constant 0 : i32
      %sign3A_865 = arith.cmpi sgt, %jit3A_855, %sign3A_864 : i32
      %sign3A_866 = arith.extui %sign3A_865 : i1 to i32
      %sign3A_867 = arith.constant 0 : i32
      %sign3A_868 = arith.cmpi slt, %jit3A_855, %sign3A_867 : i32
      %sign3A_869 = arith.extui %sign3A_868 : i1 to i32
      %sign3A_870 = arith.subi %sign3A_866, %sign3A_869 : i32
      %ne3A_871 = arith.cmpi ne, %sign3A_863, %sign3A_870 : i32
      %rem3A_872 = arith.remsi %add3A_854, %jit3A_855 : i32
      %ne3A_873 = arith.constant 0 : i32
      %ne3A_874 = arith.cmpi ne, %rem3A_872, %ne3A_873 : i32
      %and3A_875 = arith.andi %ne3A_871, %ne3A_874 : i1
      %sub3A_876 = arith.constant 1 : i32
      %sub3A_877 = arith.subi %div3A_856, %sub3A_876 : i32
      %select_n3A_878 = arith.select %and3A_875, %sub3A_877, %div3A_856 : i32
      %jit3A_879 = arith.constant 32 : i32
      %eq3A_880 = arith.constant 0 : i32
      %eq3A_881 = arith.cmpi eq, %jit3A_879, %eq3A_880 : i32
      %jit3A_882 = arith.constant 1 : i32
      %select_n3A_883 = arith.select %eq3A_881, %jit3A_882, %jit3A_879 : i32
      %rem3A_884 = arith.remsi %add3A_854, %select_n3A_883 : i32
      %ne3A_885 = arith.constant 0 : i32
      %ne3A_886 = arith.cmpi ne, %rem3A_884, %ne3A_885 : i32
      %lt3A_887 = arith.constant 0 : i32
      %lt3A_888 = arith.cmpi slt, %rem3A_884, %lt3A_887 : i32
      %lt3A_889 = arith.constant 0 : i32
      %lt3A_890 = arith.cmpi slt, %select_n3A_883, %lt3A_889 : i32
      %ne3A_891 = arith.xori %lt3A_888, %lt3A_890 : i1
      %and3A_892 = arith.andi %ne3A_891, %ne3A_886 : i1
      %add3A_893 = arith.addi %rem3A_884, %select_n3A_883 : i32
      %select_n3A_894 = arith.select %and3A_892, %add3A_893, %rem3A_884 : i32
      %mul3A_895 = arith.constant 4 : i32
      %mul3A_896 = arith.muli %select_n3A_878, %mul3A_895 : i32
      %add3A_897 = arith.constant 0 : i32
      %add3A_898 = arith.addi %mul3A_896, %add3A_897 : i32
      %mul3A_899 = arith.constant 32 : i32
      %mul3A_900 = arith.muli %add3A_898, %mul3A_899 : i32
      %add3A_901 = arith.addi %mul3A_900, %select_n3A_894 : i32
      %mul3A_902 = arith.constant 1024 : i32
      %mul3A_903 = arith.muli %add3A_901, %mul3A_902 : i32
      %dma_start3A_904 = arith.constant 0 : i32
      %dma_start3A_905 = arith.constant 0 : i32
      %dma_start3A_906 = tpu.memref_slice %arg7[%dma_start3A_904, %dma_start3A_905] : memref<2x20480xf32, #tpu.memory_space<vmem>> -> memref<1x20480xf32, #tpu.memory_space<vmem>>
      %dma_start3A_907 = tpu.memref_squeeze %dma_start3A_906 : memref<1x20480xf32, #tpu.memory_space<vmem>> -> memref<20480xf32, #tpu.memory_space<vmem>>
      %dma_start3A_908 = arith.constant 16384 : i32
      %dma_start3A_909 = tpu.memref_slice %dma_start3A_907[%dma_start3A_908] : memref<20480xf32, #tpu.memory_space<vmem>> -> memref<1024xf32, #tpu.memory_space<vmem>>
      %dma_start3A_910 = tpu.memref_slice %arg4[%mul3A_903] : memref<26214400xf32, #tpu.memory_space<hbm>> -> memref<1024xf32, #tpu.memory_space<hbm>>
      %dma_start3A_911 = tpu.memref_slice %arg4[%mul3A_903] : memref<26214400xf32, #tpu.memory_space<hbm>> -> memref<1024xf32, #tpu.memory_space<hbm>>
      %dma_start3A_912 = arith.constant 0 : i32
      %dma_start3A_913 = tpu.memref_slice %arg7[%dma_start3A_904, %dma_start3A_912] : memref<2x20480xf32, #tpu.memory_space<vmem>> -> memref<1x20480xf32, #tpu.memory_space<vmem>>
      %dma_start3A_914 = tpu.memref_squeeze %dma_start3A_913 : memref<1x20480xf32, #tpu.memory_space<vmem>> -> memref<20480xf32, #tpu.memory_space<vmem>>
      %dma_start3A_915 = arith.constant 16384 : i32
      %dma_start3A_916 = tpu.memref_slice %dma_start3A_914[%dma_start3A_915] : memref<20480xf32, #tpu.memory_space<vmem>> -> memref<1024xf32, #tpu.memory_space<vmem>>
      tpu.enqueue_dma source(%dma_start3A_916 : memref<1024xf32, #tpu.memory_space<vmem>>) target(%dma_start3A_911 : memref<1024xf32, #tpu.memory_space<hbm>>) target_semaphore(%arg10 : memref<!tpu.dma_semaphore, #tpu.memory_space<semaphore_mem>>)
      %mul3A_917 = arith.constant 4 : i32
      %mul3A_918 = arith.muli %select_n3A_878, %mul3A_917 : i32
      %add3A_919 = arith.constant 1 : i32
      %add3A_920 = arith.addi %mul3A_918, %add3A_919 : i32
      %mul3A_921 = arith.constant 32 : i32
      %mul3A_922 = arith.muli %add3A_920, %mul3A_921 : i32
      %add3A_923 = arith.addi %mul3A_922, %select_n3A_894 : i32
      %mul3A_924 = arith.constant 1024 : i32
      %mul3A_925 = arith.muli %add3A_923, %mul3A_924 : i32
      %dma_start3A_926 = arith.constant 0 : i32
      %dma_start3A_927 = arith.constant 0 : i32
      %dma_start3A_928 = tpu.memref_slice %arg7[%dma_start3A_926, %dma_start3A_927] : memref<2x20480xf32, #tpu.memory_space<vmem>> -> memref<1x20480xf32, #tpu.memory_space<vmem>>
      %dma_start3A_929 = tpu.memref_squeeze %dma_start3A_928 : memref<1x20480xf32, #tpu.memory_space<vmem>> -> memref<20480xf32, #tpu.memory_space<vmem>>
      %dma_start3A_930 = arith.constant 17408 : i32
      %dma_start3A_931 = tpu.memref_slice %dma_start3A_929[%dma_start3A_930] : memref<20480xf32, #tpu.memory_space<vmem>> -> memref<1024xf32, #tpu.memory_space<vmem>>
      %dma_start3A_932 = tpu.memref_slice %arg4[%mul3A_925] : memref<26214400xf32, #tpu.memory_space<hbm>> -> memref<1024xf32, #tpu.memory_space<hbm>>
      %dma_start3A_933 = tpu.memref_slice %arg4[%mul3A_925] : memref<26214400xf32, #tpu.memory_space<hbm>> -> memref<1024xf32, #tpu.memory_space<hbm>>
      %dma_start3A_934 = arith.constant 0 : i32
      %dma_start3A_935 = tpu.memref_slice %arg7[%dma_start3A_926, %dma_start3A_934] : memref<2x20480xf32, #tpu.memory_space<vmem>> -> memref<1x20480xf32, #tpu.memory_space<vmem>>
      %dma_start3A_936 = tpu.memref_squeeze %dma_start3A_935 : memref<1x20480xf32, #tpu.memory_space<vmem>> -> memref<20480xf32, #tpu.memory_space<vmem>>
      %dma_start3A_937 = arith.constant 17408 : i32
      %dma_start3A_938 = tpu.memref_slice %dma_start3A_936[%dma_start3A_937] : memref<20480xf32, #tpu.memory_space<vmem>> -> memref<1024xf32, #tpu.memory_space<vmem>>
      tpu.enqueue_dma source(%dma_start3A_938 : memref<1024xf32, #tpu.memory_space<vmem>>) target(%dma_start3A_933 : memref<1024xf32, #tpu.memory_space<hbm>>) target_semaphore(%arg10 : memref<!tpu.dma_semaphore, #tpu.memory_space<semaphore_mem>>)
      %mul3A_939 = arith.constant 4 : i32
      %mul3A_940 = arith.muli %select_n3A_878, %mul3A_939 : i32
      %add3A_941 = arith.constant 2 : i32
      %add3A_942 = arith.addi %mul3A_940, %add3A_941 : i32
      %mul3A_943 = arith.constant 32 : i32
      %mul3A_944 = arith.muli %add3A_942, %mul3A_943 : i32
      %add3A_945 = arith.addi %mul3A_944, %select_n3A_894 : i32
      %mul3A_946 = arith.constant 1024 : i32
      %mul3A_947 = arith.muli %add3A_945, %mul3A_946 : i32
      %dma_start3A_948 = arith.constant 0 : i32
      %dma_start3A_949 = arith.constant 0 : i32
      %dma_start3A_950 = tpu.memref_slice %arg7[%dma_start3A_948, %dma_start3A_949] : memref<2x20480xf32, #tpu.memory_space<vmem>> -> memref<1x20480xf32, #tpu.memory_space<vmem>>
      %dma_start3A_951 = tpu.memref_squeeze %dma_start3A_950 : memref<1x20480xf32, #tpu.memory_space<vmem>> -> memref<20480xf32, #tpu.memory_space<vmem>>
      %dma_start3A_952 = arith.constant 18432 : i32
      %dma_start3A_953 = tpu.memref_slice %dma_start3A_951[%dma_start3A_952] : memref<20480xf32, #tpu.memory_space<vmem>> -> memref<1024xf32, #tpu.memory_space<vmem>>
      %dma_start3A_954 = tpu.memref_slice %arg4[%mul3A_947] : memref<26214400xf32, #tpu.memory_space<hbm>> -> memref<1024xf32, #tpu.memory_space<hbm>>
      %dma_start3A_955 = tpu.memref_slice %arg4[%mul3A_947] : memref<26214400xf32, #tpu.memory_space<hbm>> -> memref<1024xf32, #tpu.memory_space<hbm>>
      %dma_start3A_956 = arith.constant 0 : i32
      %dma_start3A_957 = tpu.memref_slice %arg7[%dma_start3A_948, %dma_start3A_956] : memref<2x20480xf32, #tpu.memory_space<vmem>> -> memref<1x20480xf32, #tpu.memory_space<vmem>>
      %dma_start3A_958 = tpu.memref_squeeze %dma_start3A_957 : memref<1x20480xf32, #tpu.memory_space<vmem>> -> memref<20480xf32, #tpu.memory_space<vmem>>
      %dma_start3A_959 = arith.constant 18432 : i32
      %dma_start3A_960 = tpu.memref_slice %dma_start3A_958[%dma_start3A_959] : memref<20480xf32, #tpu.memory_space<vmem>> -> memref<1024xf32, #tpu.memory_space<vmem>>
      tpu.enqueue_dma source(%dma_start3A_960 : memref<1024xf32, #tpu.memory_space<vmem>>) target(%dma_start3A_955 : memref<1024xf32, #tpu.memory_space<hbm>>) target_semaphore(%arg10 : memref<!tpu.dma_semaphore, #tpu.memory_space<semaphore_mem>>)
      %mul3A_961 = arith.constant 4 : i32
      %mul3A_962 = arith.muli %select_n3A_878, %mul3A_961 : i32
      %add3A_963 = arith.constant 3 : i32
      %add3A_964 = arith.addi %mul3A_962, %add3A_963 : i32
      %mul3A_965 = arith.constant 32 : i32
      %mul3A_966 = arith.muli %add3A_964, %mul3A_965 : i32
      %add3A_967 = arith.addi %mul3A_966, %select_n3A_894 : i32
      %mul3A_968 = arith.constant 1024 : i32
      %mul3A_969 = arith.muli %add3A_967, %mul3A_968 : i32
      %dma_start3A_970 = arith.constant 0 : i32
      %dma_start3A_971 = arith.constant 0 : i32
      %dma_start3A_972 = tpu.memref_slice %arg7[%dma_start3A_970, %dma_start3A_971] : memref<2x20480xf32, #tpu.memory_space<vmem>> -> memref<1x20480xf32, #tpu.memory_space<vmem>>
      %dma_start3A_973 = tpu.memref_squeeze %dma_start3A_972 : memref<1x20480xf32, #tpu.memory_space<vmem>> -> memref<20480xf32, #tpu.memory_space<vmem>>
      %dma_start3A_974 = arith.constant 19456 : i32
      %dma_start3A_975 = tpu.memref_slice %dma_start3A_973[%dma_start3A_974] : memref<20480xf32, #tpu.memory_space<vmem>> -> memref<1024xf32, #tpu.memory_space<vmem>>
      %dma_start3A_976 = tpu.memref_slice %arg4[%mul3A_969] : memref<26214400xf32, #tpu.memory_space<hbm>> -> memref<1024xf32, #tpu.memory_space<hbm>>
      %dma_start3A_977 = tpu.memref_slice %arg4[%mul3A_969] : memref<26214400xf32, #tpu.memory_space<hbm>> -> memref<1024xf32, #tpu.memory_space<hbm>>
      %dma_start3A_978 = arith.constant 0 : i32
      %dma_start3A_979 = tpu.memref_slice %arg7[%dma_start3A_970, %dma_start3A_978] : memref<2x20480xf32, #tpu.memory_space<vmem>> -> memref<1x20480xf32, #tpu.memory_space<vmem>>
      %dma_start3A_980 = tpu.memref_squeeze %dma_start3A_979 : memref<1x20480xf32, #tpu.memory_space<vmem>> -> memref<20480xf32, #tpu.memory_space<vmem>>
      %dma_start3A_981 = arith.constant 19456 : i32
      %dma_start3A_982 = tpu.memref_slice %dma_start3A_980[%dma_start3A_981] : memref<20480xf32, #tpu.memory_space<vmem>> -> memref<1024xf32, #tpu.memory_space<vmem>>
      tpu.enqueue_dma source(%dma_start3A_982 : memref<1024xf32, #tpu.memory_space<vmem>>) target(%dma_start3A_977 : memref<1024xf32, #tpu.memory_space<hbm>>) target_semaphore(%arg10 : memref<!tpu.dma_semaphore, #tpu.memory_space<semaphore_mem>>)
      %dma_wait3A_983 = arith.constant 1 : i32
      %dma_wait3A_984 = arith.constant 0 : i32
      %dma_wait3A_985 = arith.constant 0 : i32
      %dma_wait3A_986 = tpu.memref_slice %arg6[%dma_wait3A_983, %dma_wait3A_984, %dma_wait3A_985] : memref<2x640x32xf32, #tpu.memory_space<vmem>> -> memref<1x640x32xf32, #tpu.memory_space<vmem>>
      %dma_wait3A_987 = tpu.memref_squeeze %dma_wait3A_986 : memref<1x640x32xf32, #tpu.memory_space<vmem>> -> memref<640x32xf32, #tpu.memory_space<vmem>>
      %dma_wait3A_988 = arith.constant 0 : i32
      %dma_wait3A_989 = arith.constant 0 : i32
      %dma_wait3A_990 = tpu.memref_slice %arg3[%dma_wait3A_988, %dma_wait3A_989] : memref<1000000x32xf32, #tpu.memory_space<hbm>> -> memref<640x32xf32, #tpu.memory_space<hbm>>
      %dma_wait3A_991 = arith.constant 0 : i32
      %dma_wait3A_992 = arith.constant 0 : i32
      %dma_wait3A_993 = tpu.memref_slice %arg6[%dma_wait3A_983, %dma_wait3A_991, %dma_wait3A_992] : memref<2x640x32xf32, #tpu.memory_space<vmem>> -> memref<1x640x32xf32, #tpu.memory_space<vmem>>
      %dma_wait3A_994 = tpu.memref_squeeze %dma_wait3A_993 : memref<1x640x32xf32, #tpu.memory_space<vmem>> -> memref<640x32xf32, #tpu.memory_space<vmem>>
      %dma_wait3A_995 = arith.constant 0 : i32
      %dma_wait3A_996 = arith.constant 0 : i32
      %dma_wait3A_997 = tpu.memref_slice %arg3[%dma_wait3A_995, %dma_wait3A_996] : memref<1000000x32xf32, #tpu.memory_space<hbm>> -> memref<640x32xf32, #tpu.memory_space<hbm>>
      tpu.wait_dma2 semaphore(%arg9 : memref<!tpu.dma_semaphore, #tpu.memory_space<semaphore_mem>>) src(%dma_wait3A_997 : memref<640x32xf32, #tpu.memory_space<hbm>>) dst(%dma_wait3A_994 : memref<640x32xf32, #tpu.memory_space<vmem>>)
      %parallel_loop3A_998 = arith.constant 0 : i32
      %parallel_loop3A_999 = arith.constant 128 : i32
      %parallel_loop3A_1000 = arith.constant 1 : i32
      scf.for %parallel_loop3A_1658 = %parallel_loop3A_998 to %parallel_loop3A_999 step %parallel_loop3A_1000  : i32 {
        %parallel_loop3A_1659 = arith.constant 0 : i32
        %parallel_loop3A_1660 = arith.addi %parallel_loop3A_1659, %parallel_loop3A_1658 : i32
        %parallel_loop3A_1661 = arith.constant 0 : i32
        %parallel_loop3A_1662 = arith.addi %parallel_loop3A_1661, %parallel_loop3A_1658 : i32
        %parallel_loop3A_1663 = arith.constant 1 : i32
        %parallel_loop3A_1664 = arith.constant 0 : i32
        %parallel_loop3A_1665 = arith.constant 0 : i32
        %parallel_loop3A_1666 = tpu.memref_slice %arg6[%parallel_loop3A_1663, %parallel_loop3A_1664, %parallel_loop3A_1665] : memref<2x640x32xf32, #tpu.memory_space<vmem>> -> memref<1x640x32xf32, #tpu.memory_space<vmem>>
        %parallel_loop3A_1667 = tpu.memref_squeeze %parallel_loop3A_1666 : memref<1x640x32xf32, #tpu.memory_space<vmem>> -> memref<640x32xf32, #tpu.memory_space<vmem>>
        %parallel_loop3A_1668 = arith.constant 0 : i32
        %parallel_loop3A_1669 = tpu.memref_slice %parallel_loop3A_1667[%parallel_loop3A_1660, %parallel_loop3A_1668] : memref<640x32xf32, #tpu.memory_space<vmem>> -> memref<1x32xf32, #tpu.memory_space<vmem>>
        %parallel_loop3A_1670 = tpu.memref_squeeze %parallel_loop3A_1669 : memref<1x32xf32, #tpu.memory_space<vmem>> -> memref<32xf32, #tpu.memory_space<vmem>>
        %parallel_loop3A_1671 = arith.constant 0 : index
        %parallel_loop3A_1672 = tpu.vector_load %parallel_loop3A_1670[%parallel_loop3A_1671] {strides = array<i32>} : memref<32xf32, #tpu.memory_space<vmem>>, vector<16xf32>,
        %parallel_loop3A_1673 = vector.broadcast %parallel_loop3A_1662 : i32 to vector<16xi32>
        %parallel_loop3A_1674 = arith.addi %mul3A_6, %parallel_loop3A_1673 : vector<16xi32>
        %parallel_loop3A_1675 = arith.constant 1 : i32
        %parallel_loop3A_1676 = arith.constant 0 : i32
        %parallel_loop3A_1677 = tpu.memref_slice %arg7[%parallel_loop3A_1675, %parallel_loop3A_1676] : memref<2x20480xf32, #tpu.memory_space<vmem>> -> memref<1x20480xf32, #tpu.memory_space<vmem>>
        %parallel_loop3A_1678 = tpu.memref_squeeze %parallel_loop3A_1677 : memref<1x20480xf32, #tpu.memory_space<vmem>> -> memref<20480xf32, #tpu.memory_space<vmem>>
        tpu.vector_store_idx %parallel_loop3A_1678[%parallel_loop3A_1674], %parallel_loop3A_1672 : memref<20480xf32, #tpu.memory_space<vmem>>[vector<16xi32>], vector<16xf32>,
        %parallel_loop3A_1679 = arith.constant 1 : i32
        %parallel_loop3A_1680 = arith.constant 0 : i32
        %parallel_loop3A_1681 = arith.constant 0 : i32
        %parallel_loop3A_1682 = tpu.memref_slice %arg6[%parallel_loop3A_1679, %parallel_loop3A_1680, %parallel_loop3A_1681] : memref<2x640x32xf32, #tpu.memory_space<vmem>> -> memref<1x640x32xf32, #tpu.memory_space<vmem>>
        %parallel_loop3A_1683 = tpu.memref_squeeze %parallel_loop3A_1682 : memref<1x640x32xf32, #tpu.memory_space<vmem>> -> memref<640x32xf32, #tpu.memory_space<vmem>>
        %parallel_loop3A_1684 = arith.constant 0 : i32
        %parallel_loop3A_1685 = tpu.memref_slice %parallel_loop3A_1683[%parallel_loop3A_1660, %parallel_loop3A_1684] : memref<640x32xf32, #tpu.memory_space<vmem>> -> memref<1x32xf32, #tpu.memory_space<vmem>>
        %parallel_loop3A_1686 = tpu.memref_squeeze %parallel_loop3A_1685 : memref<1x32xf32, #tpu.memory_space<vmem>> -> memref<32xf32, #tpu.memory_space<vmem>>
        %parallel_loop3A_1687 = arith.constant 16 : index
        %parallel_loop3A_1688 = tpu.vector_load %parallel_loop3A_1686[%parallel_loop3A_1687] {strides = array<i32>} : memref<32xf32, #tpu.memory_space<vmem>>, vector<16xf32>,
        %parallel_loop3A_1689 = vector.broadcast %parallel_loop3A_1662 : i32 to vector<16xi32>
        %parallel_loop3A_1690 = arith.addi %mul3A_12, %parallel_loop3A_1689 : vector<16xi32>
        %parallel_loop3A_1691 = arith.constant 1 : i32
        %parallel_loop3A_1692 = arith.constant 0 : i32
        %parallel_loop3A_1693 = tpu.memref_slice %arg7[%parallel_loop3A_1691, %parallel_loop3A_1692] : memref<2x20480xf32, #tpu.memory_space<vmem>> -> memref<1x20480xf32, #tpu.memory_space<vmem>>
        %parallel_loop3A_1694 = tpu.memref_squeeze %parallel_loop3A_1693 : memref<1x20480xf32, #tpu.memory_space<vmem>> -> memref<20480xf32, #tpu.memory_space<vmem>>
        tpu.vector_store_idx %parallel_loop3A_1694[%parallel_loop3A_1690], %parallel_loop3A_1688 : memref<20480xf32, #tpu.memory_space<vmem>>[vector<16xi32>], vector<16xf32>,
        %parallel_loop3A_1695 = arith.constant 128 : i32
        %parallel_loop3A_1696 = arith.addi %parallel_loop3A_1695, %parallel_loop3A_1658 : i32
        %parallel_loop3A_1697 = arith.constant 4096 : i32
        %parallel_loop3A_1698 = arith.addi %parallel_loop3A_1697, %parallel_loop3A_1658 : i32
        %parallel_loop3A_1699 = arith.constant 1 : i32
        %parallel_loop3A_1700 = arith.constant 0 : i32
        %parallel_loop3A_1701 = arith.constant 0 : i32
        %parallel_loop3A_1702 = tpu.memref_slice %arg6[%parallel_loop3A_1699, %parallel_loop3A_1700, %parallel_loop3A_1701] : memref<2x640x32xf32, #tpu.memory_space<vmem>> -> memref<1x640x32xf32, #tpu.memory_space<vmem>>
        %parallel_loop3A_1703 = tpu.memref_squeeze %parallel_loop3A_1702 : memref<1x640x32xf32, #tpu.memory_space<vmem>> -> memref<640x32xf32, #tpu.memory_space<vmem>>
        %parallel_loop3A_1704 = arith.constant 0 : i32
        %parallel_loop3A_1705 = tpu.memref_slice %parallel_loop3A_1703[%parallel_loop3A_1696, %parallel_loop3A_1704] : memref<640x32xf32, #tpu.memory_space<vmem>> -> memref<1x32xf32, #tpu.memory_space<vmem>>
        %parallel_loop3A_1706 = tpu.memref_squeeze %parallel_loop3A_1705 : memref<1x32xf32, #tpu.memory_space<vmem>> -> memref<32xf32, #tpu.memory_space<vmem>>
        %parallel_loop3A_1707 = arith.constant 0 : index
        %parallel_loop3A_1708 = tpu.vector_load %parallel_loop3A_1706[%parallel_loop3A_1707] {strides = array<i32>} : memref<32xf32, #tpu.memory_space<vmem>>, vector<16xf32>,
        %parallel_loop3A_1709 = vector.broadcast %parallel_loop3A_1698 : i32 to vector<16xi32>
        %parallel_loop3A_1710 = arith.addi %mul3A_6, %parallel_loop3A_1709 : vector<16xi32>
        %parallel_loop3A_1711 = arith.constant 1 : i32
        %parallel_loop3A_1712 = arith.constant 0 : i32
        %parallel_loop3A_1713 = tpu.memref_slice %arg7[%parallel_loop3A_1711, %parallel_loop3A_1712] : memref<2x20480xf32, #tpu.memory_space<vmem>> -> memref<1x20480xf32, #tpu.memory_space<vmem>>
        %parallel_loop3A_1714 = tpu.memref_squeeze %parallel_loop3A_1713 : memref<1x20480xf32, #tpu.memory_space<vmem>> -> memref<20480xf32, #tpu.memory_space<vmem>>
        tpu.vector_store_idx %parallel_loop3A_1714[%parallel_loop3A_1710], %parallel_loop3A_1708 : memref<20480xf32, #tpu.memory_space<vmem>>[vector<16xi32>], vector<16xf32>,
        %parallel_loop3A_1715 = arith.constant 1 : i32
        %parallel_loop3A_1716 = arith.constant 0 : i32
        %parallel_loop3A_1717 = arith.constant 0 : i32
        %parallel_loop3A_1718 = tpu.memref_slice %arg6[%parallel_loop3A_1715, %parallel_loop3A_1716, %parallel_loop3A_1717] : memref<2x640x32xf32, #tpu.memory_space<vmem>> -> memref<1x640x32xf32, #tpu.memory_space<vmem>>
        %parallel_loop3A_1719 = tpu.memref_squeeze %parallel_loop3A_1718 : memref<1x640x32xf32, #tpu.memory_space<vmem>> -> memref<640x32xf32, #tpu.memory_space<vmem>>
        %parallel_loop3A_1720 = arith.constant 0 : i32
        %parallel_loop3A_1721 = tpu.memref_slice %parallel_loop3A_1719[%parallel_loop3A_1696, %parallel_loop3A_1720] : memref<640x32xf32, #tpu.memory_space<vmem>> -> memref<1x32xf32, #tpu.memory_space<vmem>>
        %parallel_loop3A_1722 = tpu.memref_squeeze %parallel_loop3A_1721 : memref<1x32xf32, #tpu.memory_space<vmem>> -> memref<32xf32, #tpu.memory_space<vmem>>
        %parallel_loop3A_1723 = arith.constant 16 : index
        %parallel_loop3A_1724 = tpu.vector_load %parallel_loop3A_1722[%parallel_loop3A_1723] {strides = array<i32>} : memref<32xf32, #tpu.memory_space<vmem>>, vector<16xf32>,
        %parallel_loop3A_1725 = vector.broadcast %parallel_loop3A_1698 : i32 to vector<16xi32>
        %parallel_loop3A_1726 = arith.addi %mul3A_12, %parallel_loop3A_1725 : vector<16xi32>
        %parallel_loop3A_1727 = arith.constant 1 : i32
        %parallel_loop3A_1728 = arith.constant 0 : i32
        %parallel_loop3A_1729 = tpu.memref_slice %arg7[%parallel_loop3A_1727, %parallel_loop3A_1728] : memref<2x20480xf32, #tpu.memory_space<vmem>> -> memref<1x20480xf32, #tpu.memory_space<vmem>>
        %parallel_loop3A_1730 = tpu.memref_squeeze %parallel_loop3A_1729 : memref<1x20480xf32, #tpu.memory_space<vmem>> -> memref<20480xf32, #tpu.memory_space<vmem>>
        tpu.vector_store_idx %parallel_loop3A_1730[%parallel_loop3A_1726], %parallel_loop3A_1724 : memref<20480xf32, #tpu.memory_space<vmem>>[vector<16xi32>], vector<16xf32>,
        %parallel_loop3A_1731 = arith.constant 256 : i32
        %parallel_loop3A_1732 = arith.addi %parallel_loop3A_1731, %parallel_loop3A_1658 : i32
        %parallel_loop3A_1733 = arith.constant 8192 : i32
        %parallel_loop3A_1734 = arith.addi %parallel_loop3A_1733, %parallel_loop3A_1658 : i32
        %parallel_loop3A_1735 = arith.constant 1 : i32
        %parallel_loop3A_1736 = arith.constant 0 : i32
        %parallel_loop3A_1737 = arith.constant 0 : i32
        %parallel_loop3A_1738 = tpu.memref_slice %arg6[%parallel_loop3A_1735, %parallel_loop3A_1736, %parallel_loop3A_1737] : memref<2x640x32xf32, #tpu.memory_space<vmem>> -> memref<1x640x32xf32, #tpu.memory_space<vmem>>
        %parallel_loop3A_1739 = tpu.memref_squeeze %parallel_loop3A_1738 : memref<1x640x32xf32, #tpu.memory_space<vmem>> -> memref<640x32xf32, #tpu.memory_space<vmem>>
        %parallel_loop3A_1740 = arith.constant 0 : i32
        %parallel_loop3A_1741 = tpu.memref_slice %parallel_loop3A_1739[%parallel_loop3A_1732, %parallel_loop3A_1740] : memref<640x32xf32, #tpu.memory_space<vmem>> -> memref<1x32xf32, #tpu.memory_space<vmem>>
        %parallel_loop3A_1742 = tpu.memref_squeeze %parallel_loop3A_1741 : memref<1x32xf32, #tpu.memory_space<vmem>> -> memref<32xf32, #tpu.memory_space<vmem>>
        %parallel_loop3A_1743 = arith.constant 0 : index
        %parallel_loop3A_1744 = tpu.vector_load %parallel_loop3A_1742[%parallel_loop3A_1743] {strides = array<i32>} : memref<32xf32, #tpu.memory_space<vmem>>, vector<16xf32>,
        %parallel_loop3A_1745 = vector.broadcast %parallel_loop3A_1734 : i32 to vector<16xi32>
        %parallel_loop3A_1746 = arith.addi %mul3A_6, %parallel_loop3A_1745 : vector<16xi32>
        %parallel_loop3A_1747 = arith.constant 1 : i32
        %parallel_loop3A_1748 = arith.constant 0 : i32
        %parallel_loop3A_1749 = tpu.memref_slice %arg7[%parallel_loop3A_1747, %parallel_loop3A_1748] : memref<2x20480xf32, #tpu.memory_space<vmem>> -> memref<1x20480xf32, #tpu.memory_space<vmem>>
        %parallel_loop3A_1750 = tpu.memref_squeeze %parallel_loop3A_1749 : memref<1x20480xf32, #tpu.memory_space<vmem>> -> memref<20480xf32, #tpu.memory_space<vmem>>
        tpu.vector_store_idx %parallel_loop3A_1750[%parallel_loop3A_1746], %parallel_loop3A_1744 : memref<20480xf32, #tpu.memory_space<vmem>>[vector<16xi32>], vector<16xf32>,
        %parallel_loop3A_1751 = arith.constant 1 : i32
        %parallel_loop3A_1752 = arith.constant 0 : i32
        %parallel_loop3A_1753 = arith.constant 0 : i32
        %parallel_loop3A_1754 = tpu.memref_slice %arg6[%parallel_loop3A_1751, %parallel_loop3A_1752, %parallel_loop3A_1753] : memref<2x640x32xf32, #tpu.memory_space<vmem>> -> memref<1x640x32xf32, #tpu.memory_space<vmem>>
        %parallel_loop3A_1755 = tpu.memref_squeeze %parallel_loop3A_1754 : memref<1x640x32xf32, #tpu.memory_space<vmem>> -> memref<640x32xf32, #tpu.memory_space<vmem>>
        %parallel_loop3A_1756 = arith.constant 0 : i32
        %parallel_loop3A_1757 = tpu.memref_slice %parallel_loop3A_1755[%parallel_loop3A_1732, %parallel_loop3A_1756] : memref<640x32xf32, #tpu.memory_space<vmem>> -> memref<1x32xf32, #tpu.memory_space<vmem>>
        %parallel_loop3A_1758 = tpu.memref_squeeze %parallel_loop3A_1757 : memref<1x32xf32, #tpu.memory_space<vmem>> -> memref<32xf32, #tpu.memory_space<vmem>>
        %parallel_loop3A_1759 = arith.constant 16 : index
        %parallel_loop3A_1760 = tpu.vector_load %parallel_loop3A_1758[%parallel_loop3A_1759] {strides = array<i32>} : memref<32xf32, #tpu.memory_space<vmem>>, vector<16xf32>,
        %parallel_loop3A_1761 = vector.broadcast %parallel_loop3A_1734 : i32 to vector<16xi32>
        %parallel_loop3A_1762 = arith.addi %mul3A_12, %parallel_loop3A_1761 : vector<16xi32>
        %parallel_loop3A_1763 = arith.constant 1 : i32
        %parallel_loop3A_1764 = arith.constant 0 : i32
        %parallel_loop3A_1765 = tpu.memref_slice %arg7[%parallel_loop3A_1763, %parallel_loop3A_1764] : memref<2x20480xf32, #tpu.memory_space<vmem>> -> memref<1x20480xf32, #tpu.memory_space<vmem>>
        %parallel_loop3A_1766 = tpu.memref_squeeze %parallel_loop3A_1765 : memref<1x20480xf32, #tpu.memory_space<vmem>> -> memref<20480xf32, #tpu.memory_space<vmem>>
        tpu.vector_store_idx %parallel_loop3A_1766[%parallel_loop3A_1762], %parallel_loop3A_1760 : memref<20480xf32, #tpu.memory_space<vmem>>[vector<16xi32>], vector<16xf32>,
        %parallel_loop3A_1767 = arith.constant 384 : i32
        %parallel_loop3A_1768 = arith.addi %parallel_loop3A_1767, %parallel_loop3A_1658 : i32
        %parallel_loop3A_1769 = arith.constant 12288 : i32
        %parallel_loop3A_1770 = arith.addi %parallel_loop3A_1769, %parallel_loop3A_1658 : i32
        %parallel_loop3A_1771 = arith.constant 1 : i32
        %parallel_loop3A_1772 = arith.constant 0 : i32
        %parallel_loop3A_1773 = arith.constant 0 : i32
        %parallel_loop3A_1774 = tpu.memref_slice %arg6[%parallel_loop3A_1771, %parallel_loop3A_1772, %parallel_loop3A_1773] : memref<2x640x32xf32, #tpu.memory_space<vmem>> -> memref<1x640x32xf32, #tpu.memory_space<vmem>>
        %parallel_loop3A_1775 = tpu.memref_squeeze %parallel_loop3A_1774 : memref<1x640x32xf32, #tpu.memory_space<vmem>> -> memref<640x32xf32, #tpu.memory_space<vmem>>
        %parallel_loop3A_1776 = arith.constant 0 : i32
        %parallel_loop3A_1777 = tpu.memref_slice %parallel_loop3A_1775[%parallel_loop3A_1768, %parallel_loop3A_1776] : memref<640x32xf32, #tpu.memory_space<vmem>> -> memref<1x32xf32, #tpu.memory_space<vmem>>
        %parallel_loop3A_1778 = tpu.memref_squeeze %parallel_loop3A_1777 : memref<1x32xf32, #tpu.memory_space<vmem>> -> memref<32xf32, #tpu.memory_space<vmem>>
        %parallel_loop3A_1779 = arith.constant 0 : index
        %parallel_loop3A_1780 = tpu.vector_load %parallel_loop3A_1778[%parallel_loop3A_1779] {strides = array<i32>} : memref<32xf32, #tpu.memory_space<vmem>>, vector<16xf32>,
        %parallel_loop3A_1781 = vector.broadcast %parallel_loop3A_1770 : i32 to vector<16xi32>
        %parallel_loop3A_1782 = arith.addi %mul3A_6, %parallel_loop3A_1781 : vector<16xi32>
        %parallel_loop3A_1783 = arith.constant 1 : i32
        %parallel_loop3A_1784 = arith.constant 0 : i32
        %parallel_loop3A_1785 = tpu.memref_slice %arg7[%parallel_loop3A_1783, %parallel_loop3A_1784] : memref<2x20480xf32, #tpu.memory_space<vmem>> -> memref<1x20480xf32, #tpu.memory_space<vmem>>
        %parallel_loop3A_1786 = tpu.memref_squeeze %parallel_loop3A_1785 : memref<1x20480xf32, #tpu.memory_space<vmem>> -> memref<20480xf32, #tpu.memory_space<vmem>>
        tpu.vector_store_idx %parallel_loop3A_1786[%parallel_loop3A_1782], %parallel_loop3A_1780 : memref<20480xf32, #tpu.memory_space<vmem>>[vector<16xi32>], vector<16xf32>,
        %parallel_loop3A_1787 = arith.constant 1 : i32
        %parallel_loop3A_1788 = arith.constant 0 : i32
        %parallel_loop3A_1789 = arith.constant 0 : i32
        %parallel_loop3A_1790 = tpu.memref_slice %arg6[%parallel_loop3A_1787, %parallel_loop3A_1788, %parallel_loop3A_1789] : memref<2x640x32xf32, #tpu.memory_space<vmem>> -> memref<1x640x32xf32, #tpu.memory_space<vmem>>
        %parallel_loop3A_1791 = tpu.memref_squeeze %parallel_loop3A_1790 : memref<1x640x32xf32, #tpu.memory_space<vmem>> -> memref<640x32xf32, #tpu.memory_space<vmem>>
        %parallel_loop3A_1792 = arith.constant 0 : i32
        %parallel_loop3A_1793 = tpu.memref_slice %parallel_loop3A_1791[%parallel_loop3A_1768, %parallel_loop3A_1792] : memref<640x32xf32, #tpu.memory_space<vmem>> -> memref<1x32xf32, #tpu.memory_space<vmem>>
        %parallel_loop3A_1794 = tpu.memref_squeeze %parallel_loop3A_1793 : memref<1x32xf32, #tpu.memory_space<vmem>> -> memref<32xf32, #tpu.memory_space<vmem>>
        %parallel_loop3A_1795 = arith.constant 16 : index
        %parallel_loop3A_1796 = tpu.vector_load %parallel_loop3A_1794[%parallel_loop3A_1795] {strides = array<i32>} : memref<32xf32, #tpu.memory_space<vmem>>, vector<16xf32>,
        %parallel_loop3A_1797 = vector.broadcast %parallel_loop3A_1770 : i32 to vector<16xi32>
        %parallel_loop3A_1798 = arith.addi %mul3A_12, %parallel_loop3A_1797 : vector<16xi32>
        %parallel_loop3A_1799 = arith.constant 1 : i32
        %parallel_loop3A_1800 = arith.constant 0 : i32
        %parallel_loop3A_1801 = tpu.memref_slice %arg7[%parallel_loop3A_1799, %parallel_loop3A_1800] : memref<2x20480xf32, #tpu.memory_space<vmem>> -> memref<1x20480xf32, #tpu.memory_space<vmem>>
        %parallel_loop3A_1802 = tpu.memref_squeeze %parallel_loop3A_1801 : memref<1x20480xf32, #tpu.memory_space<vmem>> -> memref<20480xf32, #tpu.memory_space<vmem>>
        tpu.vector_store_idx %parallel_loop3A_1802[%parallel_loop3A_1798], %parallel_loop3A_1796 : memref<20480xf32, #tpu.memory_space<vmem>>[vector<16xi32>], vector<16xf32>,
        %parallel_loop3A_1803 = arith.constant 512 : i32
        %parallel_loop3A_1804 = arith.addi %parallel_loop3A_1803, %parallel_loop3A_1658 : i32
        %parallel_loop3A_1805 = arith.constant 16384 : i32
        %parallel_loop3A_1806 = arith.addi %parallel_loop3A_1805, %parallel_loop3A_1658 : i32
        %parallel_loop3A_1807 = arith.constant 1 : i32
        %parallel_loop3A_1808 = arith.constant 0 : i32
        %parallel_loop3A_1809 = arith.constant 0 : i32
        %parallel_loop3A_1810 = tpu.memref_slice %arg6[%parallel_loop3A_1807, %parallel_loop3A_1808, %parallel_loop3A_1809] : memref<2x640x32xf32, #tpu.memory_space<vmem>> -> memref<1x640x32xf32, #tpu.memory_space<vmem>>
        %parallel_loop3A_1811 = tpu.memref_squeeze %parallel_loop3A_1810 : memref<1x640x32xf32, #tpu.memory_space<vmem>> -> memref<640x32xf32, #tpu.memory_space<vmem>>
        %parallel_loop3A_1812 = arith.constant 0 : i32
        %parallel_loop3A_1813 = tpu.memref_slice %parallel_loop3A_1811[%parallel_loop3A_1804, %parallel_loop3A_1812] : memref<640x32xf32, #tpu.memory_space<vmem>> -> memref<1x32xf32, #tpu.memory_space<vmem>>
        %parallel_loop3A_1814 = tpu.memref_squeeze %parallel_loop3A_1813 : memref<1x32xf32, #tpu.memory_space<vmem>> -> memref<32xf32, #tpu.memory_space<vmem>>
        %parallel_loop3A_1815 = arith.constant 0 : index
        %parallel_loop3A_1816 = tpu.vector_load %parallel_loop3A_1814[%parallel_loop3A_1815] {strides = array<i32>} : memref<32xf32, #tpu.memory_space<vmem>>, vector<16xf32>,
        %parallel_loop3A_1817 = vector.broadcast %parallel_loop3A_1806 : i32 to vector<16xi32>
        %parallel_loop3A_1818 = arith.addi %mul3A_6, %parallel_loop3A_1817 : vector<16xi32>
        %parallel_loop3A_1819 = arith.constant 1 : i32
        %parallel_loop3A_1820 = arith.constant 0 : i32
        %parallel_loop3A_1821 = tpu.memref_slice %arg7[%parallel_loop3A_1819, %parallel_loop3A_1820] : memref<2x20480xf32, #tpu.memory_space<vmem>> -> memref<1x20480xf32, #tpu.memory_space<vmem>>
        %parallel_loop3A_1822 = tpu.memref_squeeze %parallel_loop3A_1821 : memref<1x20480xf32, #tpu.memory_space<vmem>> -> memref<20480xf32, #tpu.memory_space<vmem>>
        tpu.vector_store_idx %parallel_loop3A_1822[%parallel_loop3A_1818], %parallel_loop3A_1816 : memref<20480xf32, #tpu.memory_space<vmem>>[vector<16xi32>], vector<16xf32>,
        %parallel_loop3A_1823 = arith.constant 1 : i32
        %parallel_loop3A_1824 = arith.constant 0 : i32
        %parallel_loop3A_1825 = arith.constant 0 : i32
        %parallel_loop3A_1826 = tpu.memref_slice %arg6[%parallel_loop3A_1823, %parallel_loop3A_1824, %parallel_loop3A_1825] : memref<2x640x32xf32, #tpu.memory_space<vmem>> -> memref<1x640x32xf32, #tpu.memory_space<vmem>>
        %parallel_loop3A_1827 = tpu.memref_squeeze %parallel_loop3A_1826 : memref<1x640x32xf32, #tpu.memory_space<vmem>> -> memref<640x32xf32, #tpu.memory_space<vmem>>
        %parallel_loop3A_1828 = arith.constant 0 : i32
        %parallel_loop3A_1829 = tpu.memref_slice %parallel_loop3A_1827[%parallel_loop3A_1804, %parallel_loop3A_1828] : memref<640x32xf32, #tpu.memory_space<vmem>> -> memref<1x32xf32, #tpu.memory_space<vmem>>
        %parallel_loop3A_1830 = tpu.memref_squeeze %parallel_loop3A_1829 : memref<1x32xf32, #tpu.memory_space<vmem>> -> memref<32xf32, #tpu.memory_space<vmem>>
        %parallel_loop3A_1831 = arith.constant 16 : index
        %parallel_loop3A_1832 = tpu.vector_load %parallel_loop3A_1830[%parallel_loop3A_1831] {strides = array<i32>} : memref<32xf32, #tpu.memory_space<vmem>>, vector<16xf32>,
        %parallel_loop3A_1833 = vector.broadcast %parallel_loop3A_1806 : i32 to vector<16xi32>
        %parallel_loop3A_1834 = arith.addi %mul3A_12, %parallel_loop3A_1833 : vector<16xi32>
        %parallel_loop3A_1835 = arith.constant 1 : i32
        %parallel_loop3A_1836 = arith.constant 0 : i32
        %parallel_loop3A_1837 = tpu.memref_slice %arg7[%parallel_loop3A_1835, %parallel_loop3A_1836] : memref<2x20480xf32, #tpu.memory_space<vmem>> -> memref<1x20480xf32, #tpu.memory_space<vmem>>
        %parallel_loop3A_1838 = tpu.memref_squeeze %parallel_loop3A_1837 : memref<1x20480xf32, #tpu.memory_space<vmem>> -> memref<20480xf32, #tpu.memory_space<vmem>>
        tpu.vector_store_idx %parallel_loop3A_1838[%parallel_loop3A_1834], %parallel_loop3A_1832 : memref<20480xf32, #tpu.memory_space<vmem>>[vector<16xi32>], vector<16xf32>,
      } {sc.loop_unroll_factor = 4 : i64, sc.parallel_access}
      %mul3A_1001 = arith.constant 200 : i32
      %mul3A_1002 = arith.muli %add3A, %mul3A_1001 : i32
      %add3A_1003 = arith.constant 1 : i32
      %add3A_1004 = arith.addi %add3A_42, %add3A_1003 : i32
      %mul3A_1005 = arith.constant 5 : i32
      %mul3A_1006 = arith.muli %add3A_1004, %mul3A_1005 : i32
      %add3A_1007 = arith.addi %mul3A_1002, %mul3A_1006 : i32
      %add3A_1008 = arith.constant 0 : i32
      %add3A_1009 = arith.addi %add3A_1007, %add3A_1008 : i32
      %jit3A_1010 = arith.constant 32 : i32
      %div3A_1011 = arith.divsi %add3A_1009, %jit3A_1010 : i32
      %sign3A_1012 = arith.constant 0 : i32
      %sign3A_1013 = arith.cmpi sgt, %add3A_1009, %sign3A_1012 : i32
      %sign3A_1014 = arith.extui %sign3A_1013 : i1 to i32
      %sign3A_1015 = arith.constant 0 : i32
      %sign3A_1016 = arith.cmpi slt, %add3A_1009, %sign3A_1015 : i32
      %sign3A_1017 = arith.extui %sign3A_1016 : i1 to i32
      %sign3A_1018 = arith.subi %sign3A_1014, %sign3A_1017 : i32
      %sign3A_1019 = arith.constant 0 : i32
      %sign3A_1020 = arith.cmpi sgt, %jit3A_1010, %sign3A_1019 : i32
      %sign3A_1021 = arith.extui %sign3A_1020 : i1 to i32
      %sign3A_1022 = arith.constant 0 : i32
      %sign3A_1023 = arith.cmpi slt, %jit3A_1010, %sign3A_1022 : i32
      %sign3A_1024 = arith.extui %sign3A_1023 : i1 to i32
      %sign3A_1025 = arith.subi %sign3A_1021, %sign3A_1024 : i32
      %ne3A_1026 = arith.cmpi ne, %sign3A_1018, %sign3A_1025 : i32
      %rem3A_1027 = arith.remsi %add3A_1009, %jit3A_1010 : i32
      %ne3A_1028 = arith.constant 0 : i32
      %ne3A_1029 = arith.cmpi ne, %rem3A_1027, %ne3A_1028 : i32
      %and3A_1030 = arith.andi %ne3A_1026, %ne3A_1029 : i1
      %sub3A_1031 = arith.constant 1 : i32
      %sub3A_1032 = arith.subi %div3A_1011, %sub3A_1031 : i32
      %select_n3A_1033 = arith.select %and3A_1030, %sub3A_1032, %div3A_1011 : i32
      %jit3A_1034 = arith.constant 32 : i32
      %eq3A_1035 = arith.constant 0 : i32
      %eq3A_1036 = arith.cmpi eq, %jit3A_1034, %eq3A_1035 : i32
      %jit3A_1037 = arith.constant 1 : i32
      %select_n3A_1038 = arith.select %eq3A_1036, %jit3A_1037, %jit3A_1034 : i32
      %rem3A_1039 = arith.remsi %add3A_1009, %select_n3A_1038 : i32
      %ne3A_1040 = arith.constant 0 : i32
      %ne3A_1041 = arith.cmpi ne, %rem3A_1039, %ne3A_1040 : i32
      %lt3A_1042 = arith.constant 0 : i32
      %lt3A_1043 = arith.cmpi slt, %rem3A_1039, %lt3A_1042 : i32
      %lt3A_1044 = arith.constant 0 : i32
      %lt3A_1045 = arith.cmpi slt, %select_n3A_1038, %lt3A_1044 : i32
      %ne3A_1046 = arith.xori %lt3A_1043, %lt3A_1045 : i1
      %and3A_1047 = arith.andi %ne3A_1046, %ne3A_1041 : i1
      %add3A_1048 = arith.addi %rem3A_1039, %select_n3A_1038 : i32
      %select_n3A_1049 = arith.select %and3A_1047, %add3A_1048, %rem3A_1039 : i32
      %mul3A_1050 = arith.constant 4 : i32
      %mul3A_1051 = arith.muli %select_n3A_1033, %mul3A_1050 : i32
      %add3A_1052 = arith.constant 0 : i32
      %add3A_1053 = arith.addi %mul3A_1051, %add3A_1052 : i32
      %mul3A_1054 = arith.constant 32 : i32
      %mul3A_1055 = arith.muli %add3A_1053, %mul3A_1054 : i32
      %add3A_1056 = arith.addi %mul3A_1055, %select_n3A_1049 : i32
      %mul3A_1057 = arith.constant 1024 : i32
      %mul3A_1058 = arith.muli %add3A_1056, %mul3A_1057 : i32
      %dma_start3A_1059 = arith.constant 1 : i32
      %dma_start3A_1060 = arith.constant 0 : i32
      %dma_start3A_1061 = tpu.memref_slice %arg7[%dma_start3A_1059, %dma_start3A_1060] : memref<2x20480xf32, #tpu.memory_space<vmem>> -> memref<1x20480xf32, #tpu.memory_space<vmem>>
      %dma_start3A_1062 = tpu.memref_squeeze %dma_start3A_1061 : memref<1x20480xf32, #tpu.memory_space<vmem>> -> memref<20480xf32, #tpu.memory_space<vmem>>
      %dma_start3A_1063 = arith.constant 0 : i32
      %dma_start3A_1064 = tpu.memref_slice %dma_start3A_1062[%dma_start3A_1063] : memref<20480xf32, #tpu.memory_space<vmem>> -> memref<1024xf32, #tpu.memory_space<vmem>>
      %dma_start3A_1065 = tpu.memref_slice %arg4[%mul3A_1058] : memref<26214400xf32, #tpu.memory_space<hbm>> -> memref<1024xf32, #tpu.memory_space<hbm>>
      %dma_start3A_1066 = tpu.memref_slice %arg4[%mul3A_1058] : memref<26214400xf32, #tpu.memory_space<hbm>> -> memref<1024xf32, #tpu.memory_space<hbm>>
      %dma_start3A_1067 = arith.constant 0 : i32
      %dma_start3A_1068 = tpu.memref_slice %arg7[%dma_start3A_1059, %dma_start3A_1067] : memref<2x20480xf32, #tpu.memory_space<vmem>> -> memref<1x20480xf32, #tpu.memory_space<vmem>>
      %dma_start3A_1069 = tpu.memref_squeeze %dma_start3A_1068 : memref<1x20480xf32, #tpu.memory_space<vmem>> -> memref<20480xf32, #tpu.memory_space<vmem>>
      %dma_start3A_1070 = arith.constant 0 : i32
      %dma_start3A_1071 = tpu.memref_slice %dma_start3A_1069[%dma_start3A_1070] : memref<20480xf32, #tpu.memory_space<vmem>> -> memref<1024xf32, #tpu.memory_space<vmem>>
      tpu.enqueue_dma source(%dma_start3A_1071 : memref<1024xf32, #tpu.memory_space<vmem>>) target(%dma_start3A_1066 : memref<1024xf32, #tpu.memory_space<hbm>>) target_semaphore(%arg11 : memref<!tpu.dma_semaphore, #tpu.memory_space<semaphore_mem>>)
      %mul3A_1072 = arith.constant 4 : i32
      %mul3A_1073 = arith.muli %select_n3A_1033, %mul3A_1072 : i32
      %add3A_1074 = arith.constant 1 : i32
      %add3A_1075 = arith.addi %mul3A_1073, %add3A_1074 : i32
      %mul3A_1076 = arith.constant 32 : i32
      %mul3A_1077 = arith.muli %add3A_1075, %mul3A_1076 : i32
      %add3A_1078 = arith.addi %mul3A_1077, %select_n3A_1049 : i32
      %mul3A_1079 = arith.constant 1024 : i32
      %mul3A_1080 = arith.muli %add3A_1078, %mul3A_1079 : i32
      %dma_start3A_1081 = arith.constant 1 : i32
      %dma_start3A_1082 = arith.constant 0 : i32
      %dma_start3A_1083 = tpu.memref_slice %arg7[%dma_start3A_1081, %dma_start3A_1082] : memref<2x20480xf32, #tpu.memory_space<vmem>> -> memref<1x20480xf32, #tpu.memory_space<vmem>>
      %dma_start3A_1084 = tpu.memref_squeeze %dma_start3A_1083 : memref<1x20480xf32, #tpu.memory_space<vmem>> -> memref<20480xf32, #tpu.memory_space<vmem>>
      %dma_start3A_1085 = arith.constant 1024 : i32
      %dma_start3A_1086 = tpu.memref_slice %dma_start3A_1084[%dma_start3A_1085] : memref<20480xf32, #tpu.memory_space<vmem>> -> memref<1024xf32, #tpu.memory_space<vmem>>
      %dma_start3A_1087 = tpu.memref_slice %arg4[%mul3A_1080] : memref<26214400xf32, #tpu.memory_space<hbm>> -> memref<1024xf32, #tpu.memory_space<hbm>>
      %dma_start3A_1088 = tpu.memref_slice %arg4[%mul3A_1080] : memref<26214400xf32, #tpu.memory_space<hbm>> -> memref<1024xf32, #tpu.memory_space<hbm>>
      %dma_start3A_1089 = arith.constant 0 : i32
      %dma_start3A_1090 = tpu.memref_slice %arg7[%dma_start3A_1081, %dma_start3A_1089] : memref<2x20480xf32, #tpu.memory_space<vmem>> -> memref<1x20480xf32, #tpu.memory_space<vmem>>
      %dma_start3A_1091 = tpu.memref_squeeze %dma_start3A_1090 : memref<1x20480xf32, #tpu.memory_space<vmem>> -> memref<20480xf32, #tpu.memory_space<vmem>>
      %dma_start3A_1092 = arith.constant 1024 : i32
      %dma_start3A_1093 = tpu.memref_slice %dma_start3A_1091[%dma_start3A_1092] : memref<20480xf32, #tpu.memory_space<vmem>> -> memref<1024xf32, #tpu.memory_space<vmem>>
      tpu.enqueue_dma source(%dma_start3A_1093 : memref<1024xf32, #tpu.memory_space<vmem>>) target(%dma_start3A_1088 : memref<1024xf32, #tpu.memory_space<hbm>>) target_semaphore(%arg11 : memref<!tpu.dma_semaphore, #tpu.memory_space<semaphore_mem>>)
      %mul3A_1094 = arith.constant 4 : i32
      %mul3A_1095 = arith.muli %select_n3A_1033, %mul3A_1094 : i32
      %add3A_1096 = arith.constant 2 : i32
      %add3A_1097 = arith.addi %mul3A_1095, %add3A_1096 : i32
      %mul3A_1098 = arith.constant 32 : i32
      %mul3A_1099 = arith.muli %add3A_1097, %mul3A_1098 : i32
      %add3A_1100 = arith.addi %mul3A_1099, %select_n3A_1049 : i32
      %mul3A_1101 = arith.constant 1024 : i32
      %mul3A_1102 = arith.muli %add3A_1100, %mul3A_1101 : i32
      %dma_start3A_1103 = arith.constant 1 : i32
      %dma_start3A_1104 = arith.constant 0 : i32
      %dma_start3A_1105 = tpu.memref_slice %arg7[%dma_start3A_1103, %dma_start3A_1104] : memref<2x20480xf32, #tpu.memory_space<vmem>> -> memref<1x20480xf32, #tpu.memory_space<vmem>>
      %dma_start3A_1106 = tpu.memref_squeeze %dma_start3A_1105 : memref<1x20480xf32, #tpu.memory_space<vmem>> -> memref<20480xf32, #tpu.memory_space<vmem>>
      %dma_start3A_1107 = arith.constant 2048 : i32
      %dma_start3A_1108 = tpu.memref_slice %dma_start3A_1106[%dma_start3A_1107] : memref<20480xf32, #tpu.memory_space<vmem>> -> memref<1024xf32, #tpu.memory_space<vmem>>
      %dma_start3A_1109 = tpu.memref_slice %arg4[%mul3A_1102] : memref<26214400xf32, #tpu.memory_space<hbm>> -> memref<1024xf32, #tpu.memory_space<hbm>>
      %dma_start3A_1110 = tpu.memref_slice %arg4[%mul3A_1102] : memref<26214400xf32, #tpu.memory_space<hbm>> -> memref<1024xf32, #tpu.memory_space<hbm>>
      %dma_start3A_1111 = arith.constant 0 : i32
      %dma_start3A_1112 = tpu.memref_slice %arg7[%dma_start3A_1103, %dma_start3A_1111] : memref<2x20480xf32, #tpu.memory_space<vmem>> -> memref<1x20480xf32, #tpu.memory_space<vmem>>
      %dma_start3A_1113 = tpu.memref_squeeze %dma_start3A_1112 : memref<1x20480xf32, #tpu.memory_space<vmem>> -> memref<20480xf32, #tpu.memory_space<vmem>>
      %dma_start3A_1114 = arith.constant 2048 : i32
      %dma_start3A_1115 = tpu.memref_slice %dma_start3A_1113[%dma_start3A_1114] : memref<20480xf32, #tpu.memory_space<vmem>> -> memref<1024xf32, #tpu.memory_space<vmem>>
      tpu.enqueue_dma source(%dma_start3A_1115 : memref<1024xf32, #tpu.memory_space<vmem>>) target(%dma_start3A_1110 : memref<1024xf32, #tpu.memory_space<hbm>>) target_semaphore(%arg11 : memref<!tpu.dma_semaphore, #tpu.memory_space<semaphore_mem>>)
      %mul3A_1116 = arith.constant 4 : i32
      %mul3A_1117 = arith.muli %select_n3A_1033, %mul3A_1116 : i32
      %add3A_1118 = arith.constant 3 : i32
      %add3A_1119 = arith.addi %mul3A_1117, %add3A_1118 : i32
      %mul3A_1120 = arith.constant 32 : i32
      %mul3A_1121 = arith.muli %add3A_1119, %mul3A_1120 : i32
      %add3A_1122 = arith.addi %mul3A_1121, %select_n3A_1049 : i32
      %mul3A_1123 = arith.constant 1024 : i32
      %mul3A_1124 = arith.muli %add3A_1122, %mul3A_1123 : i32
      %dma_start3A_1125 = arith.constant 1 : i32
      %dma_start3A_1126 = arith.constant 0 : i32
      %dma_start3A_1127 = tpu.memref_slice %arg7[%dma_start3A_1125, %dma_start3A_1126] : memref<2x20480xf32, #tpu.memory_space<vmem>> -> memref<1x20480xf32, #tpu.memory_space<vmem>>
      %dma_start3A_1128 = tpu.memref_squeeze %dma_start3A_1127 : memref<1x20480xf32, #tpu.memory_space<vmem>> -> memref<20480xf32, #tpu.memory_space<vmem>>
      %dma_start3A_1129 = arith.constant 3072 : i32
      %dma_start3A_1130 = tpu.memref_slice %dma_start3A_1128[%dma_start3A_1129] : memref<20480xf32, #tpu.memory_space<vmem>> -> memref<1024xf32, #tpu.memory_space<vmem>>
      %dma_start3A_1131 = tpu.memref_slice %arg4[%mul3A_1124] : memref<26214400xf32, #tpu.memory_space<hbm>> -> memref<1024xf32, #tpu.memory_space<hbm>>
      %dma_start3A_1132 = tpu.memref_slice %arg4[%mul3A_1124] : memref<26214400xf32, #tpu.memory_space<hbm>> -> memref<1024xf32, #tpu.memory_space<hbm>>
      %dma_start3A_1133 = arith.constant 0 : i32
      %dma_start3A_1134 = tpu.memref_slice %arg7[%dma_start3A_1125, %dma_start3A_1133] : memref<2x20480xf32, #tpu.memory_space<vmem>> -> memref<1x20480xf32, #tpu.memory_space<vmem>>
      %dma_start3A_1135 = tpu.memref_squeeze %dma_start3A_1134 : memref<1x20480xf32, #tpu.memory_space<vmem>> -> memref<20480xf32, #tpu.memory_space<vmem>>
      %dma_start3A_1136 = arith.constant 3072 : i32
      %dma_start3A_1137 = tpu.memref_slice %dma_start3A_1135[%dma_start3A_1136] : memref<20480xf32, #tpu.memory_space<vmem>> -> memref<1024xf32, #tpu.memory_space<vmem>>
      tpu.enqueue_dma source(%dma_start3A_1137 : memref<1024xf32, #tpu.memory_space<vmem>>) target(%dma_start3A_1132 : memref<1024xf32, #tpu.memory_space<hbm>>) target_semaphore(%arg11 : memref<!tpu.dma_semaphore, #tpu.memory_space<semaphore_mem>>)
      %add3A_1138 = arith.constant 1 : i32
      %add3A_1139 = arith.addi %add3A_1007, %add3A_1138 : i32
      %jit3A_1140 = arith.constant 32 : i32
      %div3A_1141 = arith.divsi %add3A_1139, %jit3A_1140 : i32
      %sign3A_1142 = arith.constant 0 : i32
      %sign3A_1143 = arith.cmpi sgt, %add3A_1139, %sign3A_1142 : i32
      %sign3A_1144 = arith.extui %sign3A_1143 : i1 to i32
      %sign3A_1145 = arith.constant 0 : i32
      %sign3A_1146 = arith.cmpi slt, %add3A_1139, %sign3A_1145 : i32
      %sign3A_1147 = arith.extui %sign3A_1146 : i1 to i32
      %sign3A_1148 = arith.subi %sign3A_1144, %sign3A_1147 : i32
      %sign3A_1149 = arith.constant 0 : i32
      %sign3A_1150 = arith.cmpi sgt, %jit3A_1140, %sign3A_1149 : i32
      %sign3A_1151 = arith.extui %sign3A_1150 : i1 to i32
      %sign3A_1152 = arith.constant 0 : i32
      %sign3A_1153 = arith.cmpi slt, %jit3A_1140, %sign3A_1152 : i32
      %sign3A_1154 = arith.extui %sign3A_1153 : i1 to i32
      %sign3A_1155 = arith.subi %sign3A_1151, %sign3A_1154 : i32
      %ne3A_1156 = arith.cmpi ne, %sign3A_1148, %sign3A_1155 : i32
      %rem3A_1157 = arith.remsi %add3A_1139, %jit3A_1140 : i32
      %ne3A_1158 = arith.constant 0 : i32
      %ne3A_1159 = arith.cmpi ne, %rem3A_1157, %ne3A_1158 : i32
      %and3A_1160 = arith.andi %ne3A_1156, %ne3A_1159 : i1
      %sub3A_1161 = arith.constant 1 : i32
      %sub3A_1162 = arith.subi %div3A_1141, %sub3A_1161 : i32
      %select_n3A_1163 = arith.select %and3A_1160, %sub3A_1162, %div3A_1141 : i32
      %jit3A_1164 = arith.constant 32 : i32
      %eq3A_1165 = arith.constant 0 : i32
      %eq3A_1166 = arith.cmpi eq, %jit3A_1164, %eq3A_1165 : i32
      %jit3A_1167 = arith.constant 1 : i32
      %select_n3A_1168 = arith.select %eq3A_1166, %jit3A_1167, %jit3A_1164 : i32
      %rem3A_1169 = arith.remsi %add3A_1139, %select_n3A_1168 : i32
      %ne3A_1170 = arith.constant 0 : i32
      %ne3A_1171 = arith.cmpi ne, %rem3A_1169, %ne3A_1170 : i32
      %lt3A_1172 = arith.constant 0 : i32
      %lt3A_1173 = arith.cmpi slt, %rem3A_1169, %lt3A_1172 : i32
      %lt3A_1174 = arith.constant 0 : i32
      %lt3A_1175 = arith.cmpi slt, %select_n3A_1168, %lt3A_1174 : i32
      %ne3A_1176 = arith.xori %lt3A_1173, %lt3A_1175 : i1
      %and3A_1177 = arith.andi %ne3A_1176, %ne3A_1171 : i1
      %add3A_1178 = arith.addi %rem3A_1169, %select_n3A_1168 : i32
      %select_n3A_1179 = arith.select %and3A_1177, %add3A_1178, %rem3A_1169 : i32
      %mul3A_1180 = arith.constant 4 : i32
      %mul3A_1181 = arith.muli %select_n3A_1163, %mul3A_1180 : i32
      %add3A_1182 = arith.constant 0 : i32
      %add3A_1183 = arith.addi %mul3A_1181, %add3A_1182 : i32
      %mul3A_1184 = arith.constant 32 : i32
      %mul3A_1185 = arith.muli %add3A_1183, %mul3A_1184 : i32
      %add3A_1186 = arith.addi %mul3A_1185, %select_n3A_1179 : i32
      %mul3A_1187 = arith.constant 1024 : i32
      %mul3A_1188 = arith.muli %add3A_1186, %mul3A_1187 : i32
      %dma_start3A_1189 = arith.constant 1 : i32
      %dma_start3A_1190 = arith.constant 0 : i32
      %dma_start3A_1191 = tpu.memref_slice %arg7[%dma_start3A_1189, %dma_start3A_1190] : memref<2x20480xf32, #tpu.memory_space<vmem>> -> memref<1x20480xf32, #tpu.memory_space<vmem>>
      %dma_start3A_1192 = tpu.memref_squeeze %dma_start3A_1191 : memref<1x20480xf32, #tpu.memory_space<vmem>> -> memref<20480xf32, #tpu.memory_space<vmem>>
      %dma_start3A_1193 = arith.constant 4096 : i32
      %dma_start3A_1194 = tpu.memref_slice %dma_start3A_1192[%dma_start3A_1193] : memref<20480xf32, #tpu.memory_space<vmem>> -> memref<1024xf32, #tpu.memory_space<vmem>>
      %dma_start3A_1195 = tpu.memref_slice %arg4[%mul3A_1188] : memref<26214400xf32, #tpu.memory_space<hbm>> -> memref<1024xf32, #tpu.memory_space<hbm>>
      %dma_start3A_1196 = tpu.memref_slice %arg4[%mul3A_1188] : memref<26214400xf32, #tpu.memory_space<hbm>> -> memref<1024xf32, #tpu.memory_space<hbm>>
      %dma_start3A_1197 = arith.constant 0 : i32
      %dma_start3A_1198 = tpu.memref_slice %arg7[%dma_start3A_1189, %dma_start3A_1197] : memref<2x20480xf32, #tpu.memory_space<vmem>> -> memref<1x20480xf32, #tpu.memory_space<vmem>>
      %dma_start3A_1199 = tpu.memref_squeeze %dma_start3A_1198 : memref<1x20480xf32, #tpu.memory_space<vmem>> -> memref<20480xf32, #tpu.memory_space<vmem>>
      %dma_start3A_1200 = arith.constant 4096 : i32
      %dma_start3A_1201 = tpu.memref_slice %dma_start3A_1199[%dma_start3A_1200] : memref<20480xf32, #tpu.memory_space<vmem>> -> memref<1024xf32, #tpu.memory_space<vmem>>
      tpu.enqueue_dma source(%dma_start3A_1201 : memref<1024xf32, #tpu.memory_space<vmem>>) target(%dma_start3A_1196 : memref<1024xf32, #tpu.memory_space<hbm>>) target_semaphore(%arg11 : memref<!tpu.dma_semaphore, #tpu.memory_space<semaphore_mem>>)
      %mul3A_1202 = arith.constant 4 : i32
      %mul3A_1203 = arith.muli %select_n3A_1163, %mul3A_1202 : i32
      %add3A_1204 = arith.constant 1 : i32
      %add3A_1205 = arith.addi %mul3A_1203, %add3A_1204 : i32
      %mul3A_1206 = arith.constant 32 : i32
      %mul3A_1207 = arith.muli %add3A_1205, %mul3A_1206 : i32
      %add3A_1208 = arith.addi %mul3A_1207, %select_n3A_1179 : i32
      %mul3A_1209 = arith.constant 1024 : i32
      %mul3A_1210 = arith.muli %add3A_1208, %mul3A_1209 : i32
      %dma_start3A_1211 = arith.constant 1 : i32
      %dma_start3A_1212 = arith.constant 0 : i32
      %dma_start3A_1213 = tpu.memref_slice %arg7[%dma_start3A_1211, %dma_start3A_1212] : memref<2x20480xf32, #tpu.memory_space<vmem>> -> memref<1x20480xf32, #tpu.memory_space<vmem>>
      %dma_start3A_1214 = tpu.memref_squeeze %dma_start3A_1213 : memref<1x20480xf32, #tpu.memory_space<vmem>> -> memref<20480xf32, #tpu.memory_space<vmem>>
      %dma_start3A_1215 = arith.constant 5120 : i32
      %dma_start3A_1216 = tpu.memref_slice %dma_start3A_1214[%dma_start3A_1215] : memref<20480xf32, #tpu.memory_space<vmem>> -> memref<1024xf32, #tpu.memory_space<vmem>>
      %dma_start3A_1217 = tpu.memref_slice %arg4[%mul3A_1210] : memref<26214400xf32, #tpu.memory_space<hbm>> -> memref<1024xf32, #tpu.memory_space<hbm>>
      %dma_start3A_1218 = tpu.memref_slice %arg4[%mul3A_1210] : memref<26214400xf32, #tpu.memory_space<hbm>> -> memref<1024xf32, #tpu.memory_space<hbm>>
      %dma_start3A_1219 = arith.constant 0 : i32
      %dma_start3A_1220 = tpu.memref_slice %arg7[%dma_start3A_1211, %dma_start3A_1219] : memref<2x20480xf32, #tpu.memory_space<vmem>> -> memref<1x20480xf32, #tpu.memory_space<vmem>>
      %dma_start3A_1221 = tpu.memref_squeeze %dma_start3A_1220 : memref<1x20480xf32, #tpu.memory_space<vmem>> -> memref<20480xf32, #tpu.memory_space<vmem>>
      %dma_start3A_1222 = arith.constant 5120 : i32
      %dma_start3A_1223 = tpu.memref_slice %dma_start3A_1221[%dma_start3A_1222] : memref<20480xf32, #tpu.memory_space<vmem>> -> memref<1024xf32, #tpu.memory_space<vmem>>
      tpu.enqueue_dma source(%dma_start3A_1223 : memref<1024xf32, #tpu.memory_space<vmem>>) target(%dma_start3A_1218 : memref<1024xf32, #tpu.memory_space<hbm>>) target_semaphore(%arg11 : memref<!tpu.dma_semaphore, #tpu.memory_space<semaphore_mem>>)
      %mul3A_1224 = arith.constant 4 : i32
      %mul3A_1225 = arith.muli %select_n3A_1163, %mul3A_1224 : i32
      %add3A_1226 = arith.constant 2 : i32
      %add3A_1227 = arith.addi %mul3A_1225, %add3A_1226 : i32
      %mul3A_1228 = arith.constant 32 : i32
      %mul3A_1229 = arith.muli %add3A_1227, %mul3A_1228 : i32
      %add3A_1230 = arith.addi %mul3A_1229, %select_n3A_1179 : i32
      %mul3A_1231 = arith.constant 1024 : i32
      %mul3A_1232 = arith.muli %add3A_1230, %mul3A_1231 : i32
      %dma_start3A_1233 = arith.constant 1 : i32
      %dma_start3A_1234 = arith.constant 0 : i32
      %dma_start3A_1235 = tpu.memref_slice %arg7[%dma_start3A_1233, %dma_start3A_1234] : memref<2x20480xf32, #tpu.memory_space<vmem>> -> memref<1x20480xf32, #tpu.memory_space<vmem>>
      %dma_start3A_1236 = tpu.memref_squeeze %dma_start3A_1235 : memref<1x20480xf32, #tpu.memory_space<vmem>> -> memref<20480xf32, #tpu.memory_space<vmem>>
      %dma_start3A_1237 = arith.constant 6144 : i32
      %dma_start3A_1238 = tpu.memref_slice %dma_start3A_1236[%dma_start3A_1237] : memref<20480xf32, #tpu.memory_space<vmem>> -> memref<1024xf32, #tpu.memory_space<vmem>>
      %dma_start3A_1239 = tpu.memref_slice %arg4[%mul3A_1232] : memref<26214400xf32, #tpu.memory_space<hbm>> -> memref<1024xf32, #tpu.memory_space<hbm>>
      %dma_start3A_1240 = tpu.memref_slice %arg4[%mul3A_1232] : memref<26214400xf32, #tpu.memory_space<hbm>> -> memref<1024xf32, #tpu.memory_space<hbm>>
      %dma_start3A_1241 = arith.constant 0 : i32
      %dma_start3A_1242 = tpu.memref_slice %arg7[%dma_start3A_1233, %dma_start3A_1241] : memref<2x20480xf32, #tpu.memory_space<vmem>> -> memref<1x20480xf32, #tpu.memory_space<vmem>>
      %dma_start3A_1243 = tpu.memref_squeeze %dma_start3A_1242 : memref<1x20480xf32, #tpu.memory_space<vmem>> -> memref<20480xf32, #tpu.memory_space<vmem>>
      %dma_start3A_1244 = arith.constant 6144 : i32
      %dma_start3A_1245 = tpu.memref_slice %dma_start3A_1243[%dma_start3A_1244] : memref<20480xf32, #tpu.memory_space<vmem>> -> memref<1024xf32, #tpu.memory_space<vmem>>
      tpu.enqueue_dma source(%dma_start3A_1245 : memref<1024xf32, #tpu.memory_space<vmem>>) target(%dma_start3A_1240 : memref<1024xf32, #tpu.memory_space<hbm>>) target_semaphore(%arg11 : memref<!tpu.dma_semaphore, #tpu.memory_space<semaphore_mem>>)
      %mul3A_1246 = arith.constant 4 : i32
      %mul3A_1247 = arith.muli %select_n3A_1163, %mul3A_1246 : i32
      %add3A_1248 = arith.constant 3 : i32
      %add3A_1249 = arith.addi %mul3A_1247, %add3A_1248 : i32
      %mul3A_1250 = arith.constant 32 : i32
      %mul3A_1251 = arith.muli %add3A_1249, %mul3A_1250 : i32
      %add3A_1252 = arith.addi %mul3A_1251, %select_n3A_1179 : i32
      %mul3A_1253 = arith.constant 1024 : i32
      %mul3A_1254 = arith.muli %add3A_1252, %mul3A_1253 : i32
      %dma_start3A_1255 = arith.constant 1 : i32
      %dma_start3A_1256 = arith.constant 0 : i32
      %dma_start3A_1257 = tpu.memref_slice %arg7[%dma_start3A_1255, %dma_start3A_1256] : memref<2x20480xf32, #tpu.memory_space<vmem>> -> memref<1x20480xf32, #tpu.memory_space<vmem>>
      %dma_start3A_1258 = tpu.memref_squeeze %dma_start3A_1257 : memref<1x20480xf32, #tpu.memory_space<vmem>> -> memref<20480xf32, #tpu.memory_space<vmem>>
      %dma_start3A_1259 = arith.constant 7168 : i32
      %dma_start3A_1260 = tpu.memref_slice %dma_start3A_1258[%dma_start3A_1259] : memref<20480xf32, #tpu.memory_space<vmem>> -> memref<1024xf32, #tpu.memory_space<vmem>>
      %dma_start3A_1261 = tpu.memref_slice %arg4[%mul3A_1254] : memref<26214400xf32, #tpu.memory_space<hbm>> -> memref<1024xf32, #tpu.memory_space<hbm>>
      %dma_start3A_1262 = tpu.memref_slice %arg4[%mul3A_1254] : memref<26214400xf32, #tpu.memory_space<hbm>> -> memref<1024xf32, #tpu.memory_space<hbm>>
      %dma_start3A_1263 = arith.constant 0 : i32
      %dma_start3A_1264 = tpu.memref_slice %arg7[%dma_start3A_1255, %dma_start3A_1263] : memref<2x20480xf32, #tpu.memory_space<vmem>> -> memref<1x20480xf32, #tpu.memory_space<vmem>>
      %dma_start3A_1265 = tpu.memref_squeeze %dma_start3A_1264 : memref<1x20480xf32, #tpu.memory_space<vmem>> -> memref<20480xf32, #tpu.memory_space<vmem>>
      %dma_start3A_1266 = arith.constant 7168 : i32
      %dma_start3A_1267 = tpu.memref_slice %dma_start3A_1265[%dma_start3A_1266] : memref<20480xf32, #tpu.memory_space<vmem>> -> memref<1024xf32, #tpu.memory_space<vmem>>
      tpu.enqueue_dma source(%dma_start3A_1267 : memref<1024xf32, #tpu.memory_space<vmem>>) target(%dma_start3A_1262 : memref<1024xf32, #tpu.memory_space<hbm>>) target_semaphore(%arg11 : memref<!tpu.dma_semaphore, #tpu.memory_space<semaphore_mem>>)
      %add3A_1268 = arith.constant 2 : i32
      %add3A_1269 = arith.addi %add3A_1007, %add3A_1268 : i32
      %jit3A_1270 = arith.constant 32 : i32
      %div3A_1271 = arith.divsi %add3A_1269, %jit3A_1270 : i32
      %sign3A_1272 = arith.constant 0 : i32
      %sign3A_1273 = arith.cmpi sgt, %add3A_1269, %sign3A_1272 : i32
      %sign3A_1274 = arith.extui %sign3A_1273 : i1 to i32
      %sign3A_1275 = arith.constant 0 : i32
      %sign3A_1276 = arith.cmpi slt, %add3A_1269, %sign3A_1275 : i32
      %sign3A_1277 = arith.extui %sign3A_1276 : i1 to i32
      %sign3A_1278 = arith.subi %sign3A_1274, %sign3A_1277 : i32
      %sign3A_1279 = arith.constant 0 : i32
      %sign3A_1280 = arith.cmpi sgt, %jit3A_1270, %sign3A_1279 : i32
      %sign3A_1281 = arith.extui %sign3A_1280 : i1 to i32
      %sign3A_1282 = arith.constant 0 : i32
      %sign3A_1283 = arith.cmpi slt, %jit3A_1270, %sign3A_1282 : i32
      %sign3A_1284 = arith.extui %sign3A_1283 : i1 to i32
      %sign3A_1285 = arith.subi %sign3A_1281, %sign3A_1284 : i32
      %ne3A_1286 = arith.cmpi ne, %sign3A_1278, %sign3A_1285 : i32
      %rem3A_1287 = arith.remsi %add3A_1269, %jit3A_1270 : i32
      %ne3A_1288 = arith.constant 0 : i32
      %ne3A_1289 = arith.cmpi ne, %rem3A_1287, %ne3A_1288 : i32
      %and3A_1290 = arith.andi %ne3A_1286, %ne3A_1289 : i1
      %sub3A_1291 = arith.constant 1 : i32
      %sub3A_1292 = arith.subi %div3A_1271, %sub3A_1291 : i32
      %select_n3A_1293 = arith.select %and3A_1290, %sub3A_1292, %div3A_1271 : i32
      %jit3A_1294 = arith.constant 32 : i32
      %eq3A_1295 = arith.constant 0 : i32
      %eq3A_1296 = arith.cmpi eq, %jit3A_1294, %eq3A_1295 : i32
      %jit3A_1297 = arith.constant 1 : i32
      %select_n3A_1298 = arith.select %eq3A_1296, %jit3A_1297, %jit3A_1294 : i32
      %rem3A_1299 = arith.remsi %add3A_1269, %select_n3A_1298 : i32
      %ne3A_1300 = arith.constant 0 : i32
      %ne3A_1301 = arith.cmpi ne, %rem3A_1299, %ne3A_1300 : i32
      %lt3A_1302 = arith.constant 0 : i32
      %lt3A_1303 = arith.cmpi slt, %rem3A_1299, %lt3A_1302 : i32
      %lt3A_1304 = arith.constant 0 : i32
      %lt3A_1305 = arith.cmpi slt, %select_n3A_1298, %lt3A_1304 : i32
      %ne3A_1306 = arith.xori %lt3A_1303, %lt3A_1305 : i1
      %and3A_1307 = arith.andi %ne3A_1306, %ne3A_1301 : i1
      %add3A_1308 = arith.addi %rem3A_1299, %select_n3A_1298 : i32
      %select_n3A_1309 = arith.select %and3A_1307, %add3A_1308, %rem3A_1299 : i32
      %mul3A_1310 = arith.constant 4 : i32
      %mul3A_1311 = arith.muli %select_n3A_1293, %mul3A_1310 : i32
      %add3A_1312 = arith.constant 0 : i32
      %add3A_1313 = arith.addi %mul3A_1311, %add3A_1312 : i32
      %mul3A_1314 = arith.constant 32 : i32
      %mul3A_1315 = arith.muli %add3A_1313, %mul3A_1314 : i32
      %add3A_1316 = arith.addi %mul3A_1315, %select_n3A_1309 : i32
      %mul3A_1317 = arith.constant 1024 : i32
      %mul3A_1318 = arith.muli %add3A_1316, %mul3A_1317 : i32
      %dma_start3A_1319 = arith.constant 1 : i32
      %dma_start3A_1320 = arith.constant 0 : i32
      %dma_start3A_1321 = tpu.memref_slice %arg7[%dma_start3A_1319, %dma_start3A_1320] : memref<2x20480xf32, #tpu.memory_space<vmem>> -> memref<1x20480xf32, #tpu.memory_space<vmem>>
      %dma_start3A_1322 = tpu.memref_squeeze %dma_start3A_1321 : memref<1x20480xf32, #tpu.memory_space<vmem>> -> memref<20480xf32, #tpu.memory_space<vmem>>
      %dma_start3A_1323 = arith.constant 8192 : i32
      %dma_start3A_1324 = tpu.memref_slice %dma_start3A_1322[%dma_start3A_1323] : memref<20480xf32, #tpu.memory_space<vmem>> -> memref<1024xf32, #tpu.memory_space<vmem>>
      %dma_start3A_1325 = tpu.memref_slice %arg4[%mul3A_1318] : memref<26214400xf32, #tpu.memory_space<hbm>> -> memref<1024xf32, #tpu.memory_space<hbm>>
      %dma_start3A_1326 = tpu.memref_slice %arg4[%mul3A_1318] : memref<26214400xf32, #tpu.memory_space<hbm>> -> memref<1024xf32, #tpu.memory_space<hbm>>
      %dma_start3A_1327 = arith.constant 0 : i32
      %dma_start3A_1328 = tpu.memref_slice %arg7[%dma_start3A_1319, %dma_start3A_1327] : memref<2x20480xf32, #tpu.memory_space<vmem>> -> memref<1x20480xf32, #tpu.memory_space<vmem>>
      %dma_start3A_1329 = tpu.memref_squeeze %dma_start3A_1328 : memref<1x20480xf32, #tpu.memory_space<vmem>> -> memref<20480xf32, #tpu.memory_space<vmem>>
      %dma_start3A_1330 = arith.constant 8192 : i32
      %dma_start3A_1331 = tpu.memref_slice %dma_start3A_1329[%dma_start3A_1330] : memref<20480xf32, #tpu.memory_space<vmem>> -> memref<1024xf32, #tpu.memory_space<vmem>>
      tpu.enqueue_dma source(%dma_start3A_1331 : memref<1024xf32, #tpu.memory_space<vmem>>) target(%dma_start3A_1326 : memref<1024xf32, #tpu.memory_space<hbm>>) target_semaphore(%arg11 : memref<!tpu.dma_semaphore, #tpu.memory_space<semaphore_mem>>)
      %mul3A_1332 = arith.constant 4 : i32
      %mul3A_1333 = arith.muli %select_n3A_1293, %mul3A_1332 : i32
      %add3A_1334 = arith.constant 1 : i32
      %add3A_1335 = arith.addi %mul3A_1333, %add3A_1334 : i32
      %mul3A_1336 = arith.constant 32 : i32
      %mul3A_1337 = arith.muli %add3A_1335, %mul3A_1336 : i32
      %add3A_1338 = arith.addi %mul3A_1337, %select_n3A_1309 : i32
      %mul3A_1339 = arith.constant 1024 : i32
      %mul3A_1340 = arith.muli %add3A_1338, %mul3A_1339 : i32
      %dma_start3A_1341 = arith.constant 1 : i32
      %dma_start3A_1342 = arith.constant 0 : i32
      %dma_start3A_1343 = tpu.memref_slice %arg7[%dma_start3A_1341, %dma_start3A_1342] : memref<2x20480xf32, #tpu.memory_space<vmem>> -> memref<1x20480xf32, #tpu.memory_space<vmem>>
      %dma_start3A_1344 = tpu.memref_squeeze %dma_start3A_1343 : memref<1x20480xf32, #tpu.memory_space<vmem>> -> memref<20480xf32, #tpu.memory_space<vmem>>
      %dma_start3A_1345 = arith.constant 9216 : i32
      %dma_start3A_1346 = tpu.memref_slice %dma_start3A_1344[%dma_start3A_1345] : memref<20480xf32, #tpu.memory_space<vmem>> -> memref<1024xf32, #tpu.memory_space<vmem>>
      %dma_start3A_1347 = tpu.memref_slice %arg4[%mul3A_1340] : memref<26214400xf32, #tpu.memory_space<hbm>> -> memref<1024xf32, #tpu.memory_space<hbm>>
      %dma_start3A_1348 = tpu.memref_slice %arg4[%mul3A_1340] : memref<26214400xf32, #tpu.memory_space<hbm>> -> memref<1024xf32, #tpu.memory_space<hbm>>
      %dma_start3A_1349 = arith.constant 0 : i32
      %dma_start3A_1350 = tpu.memref_slice %arg7[%dma_start3A_1341, %dma_start3A_1349] : memref<2x20480xf32, #tpu.memory_space<vmem>> -> memref<1x20480xf32, #tpu.memory_space<vmem>>
      %dma_start3A_1351 = tpu.memref_squeeze %dma_start3A_1350 : memref<1x20480xf32, #tpu.memory_space<vmem>> -> memref<20480xf32, #tpu.memory_space<vmem>>
      %dma_start3A_1352 = arith.constant 9216 : i32
      %dma_start3A_1353 = tpu.memref_slice %dma_start3A_1351[%dma_start3A_1352] : memref<20480xf32, #tpu.memory_space<vmem>> -> memref<1024xf32, #tpu.memory_space<vmem>>
      tpu.enqueue_dma source(%dma_start3A_1353 : memref<1024xf32, #tpu.memory_space<vmem>>) target(%dma_start3A_1348 : memref<1024xf32, #tpu.memory_space<hbm>>) target_semaphore(%arg11 : memref<!tpu.dma_semaphore, #tpu.memory_space<semaphore_mem>>)
      %mul3A_1354 = arith.constant 4 : i32
      %mul3A_1355 = arith.muli %select_n3A_1293, %mul3A_1354 : i32
      %add3A_1356 = arith.constant 2 : i32
      %add3A_1357 = arith.addi %mul3A_1355, %add3A_1356 : i32
      %mul3A_1358 = arith.constant 32 : i32
      %mul3A_1359 = arith.muli %add3A_1357, %mul3A_1358 : i32
      %add3A_1360 = arith.addi %mul3A_1359, %select_n3A_1309 : i32
      %mul3A_1361 = arith.constant 1024 : i32
      %mul3A_1362 = arith.muli %add3A_1360, %mul3A_1361 : i32
      %dma_start3A_1363 = arith.constant 1 : i32
      %dma_start3A_1364 = arith.constant 0 : i32
      %dma_start3A_1365 = tpu.memref_slice %arg7[%dma_start3A_1363, %dma_start3A_1364] : memref<2x20480xf32, #tpu.memory_space<vmem>> -> memref<1x20480xf32, #tpu.memory_space<vmem>>
      %dma_start3A_1366 = tpu.memref_squeeze %dma_start3A_1365 : memref<1x20480xf32, #tpu.memory_space<vmem>> -> memref<20480xf32, #tpu.memory_space<vmem>>
      %dma_start3A_1367 = arith.constant 10240 : i32
      %dma_start3A_1368 = tpu.memref_slice %dma_start3A_1366[%dma_start3A_1367] : memref<20480xf32, #tpu.memory_space<vmem>> -> memref<1024xf32, #tpu.memory_space<vmem>>
      %dma_start3A_1369 = tpu.memref_slice %arg4[%mul3A_1362] : memref<26214400xf32, #tpu.memory_space<hbm>> -> memref<1024xf32, #tpu.memory_space<hbm>>
      %dma_start3A_1370 = tpu.memref_slice %arg4[%mul3A_1362] : memref<26214400xf32, #tpu.memory_space<hbm>> -> memref<1024xf32, #tpu.memory_space<hbm>>
      %dma_start3A_1371 = arith.constant 0 : i32
      %dma_start3A_1372 = tpu.memref_slice %arg7[%dma_start3A_1363, %dma_start3A_1371] : memref<2x20480xf32, #tpu.memory_space<vmem>> -> memref<1x20480xf32, #tpu.memory_space<vmem>>
      %dma_start3A_1373 = tpu.memref_squeeze %dma_start3A_1372 : memref<1x20480xf32, #tpu.memory_space<vmem>> -> memref<20480xf32, #tpu.memory_space<vmem>>
      %dma_start3A_1374 = arith.constant 10240 : i32
      %dma_start3A_1375 = tpu.memref_slice %dma_start3A_1373[%dma_start3A_1374] : memref<20480xf32, #tpu.memory_space<vmem>> -> memref<1024xf32, #tpu.memory_space<vmem>>
      tpu.enqueue_dma source(%dma_start3A_1375 : memref<1024xf32, #tpu.memory_space<vmem>>) target(%dma_start3A_1370 : memref<1024xf32, #tpu.memory_space<hbm>>) target_semaphore(%arg11 : memref<!tpu.dma_semaphore, #tpu.memory_space<semaphore_mem>>)
      %mul3A_1376 = arith.constant 4 : i32
      %mul3A_1377 = arith.muli %select_n3A_1293, %mul3A_1376 : i32
      %add3A_1378 = arith.constant 3 : i32
      %add3A_1379 = arith.addi %mul3A_1377, %add3A_1378 : i32
      %mul3A_1380 = arith.constant 32 : i32
      %mul3A_1381 = arith.muli %add3A_1379, %mul3A_1380 : i32
      %add3A_1382 = arith.addi %mul3A_1381, %select_n3A_1309 : i32
      %mul3A_1383 = arith.constant 1024 : i32
      %mul3A_1384 = arith.muli %add3A_1382, %mul3A_1383 : i32
      %dma_start3A_1385 = arith.constant 1 : i32
      %dma_start3A_1386 = arith.constant 0 : i32
      %dma_start3A_1387 = tpu.memref_slice %arg7[%dma_start3A_1385, %dma_start3A_1386] : memref<2x20480xf32, #tpu.memory_space<vmem>> -> memref<1x20480xf32, #tpu.memory_space<vmem>>
      %dma_start3A_1388 = tpu.memref_squeeze %dma_start3A_1387 : memref<1x20480xf32, #tpu.memory_space<vmem>> -> memref<20480xf32, #tpu.memory_space<vmem>>
      %dma_start3A_1389 = arith.constant 11264 : i32
      %dma_start3A_1390 = tpu.memref_slice %dma_start3A_1388[%dma_start3A_1389] : memref<20480xf32, #tpu.memory_space<vmem>> -> memref<1024xf32, #tpu.memory_space<vmem>>
      %dma_start3A_1391 = tpu.memref_slice %arg4[%mul3A_1384] : memref<26214400xf32, #tpu.memory_space<hbm>> -> memref<1024xf32, #tpu.memory_space<hbm>>
      %dma_start3A_1392 = tpu.memref_slice %arg4[%mul3A_1384] : memref<26214400xf32, #tpu.memory_space<hbm>> -> memref<1024xf32, #tpu.memory_space<hbm>>
      %dma_start3A_1393 = arith.constant 0 : i32
      %dma_start3A_1394 = tpu.memref_slice %arg7[%dma_start3A_1385, %dma_start3A_1393] : memref<2x20480xf32, #tpu.memory_space<vmem>> -> memref<1x20480xf32, #tpu.memory_space<vmem>>
      %dma_start3A_1395 = tpu.memref_squeeze %dma_start3A_1394 : memref<1x20480xf32, #tpu.memory_space<vmem>> -> memref<20480xf32, #tpu.memory_space<vmem>>
      %dma_start3A_1396 = arith.constant 11264 : i32
      %dma_start3A_1397 = tpu.memref_slice %dma_start3A_1395[%dma_start3A_1396] : memref<20480xf32, #tpu.memory_space<vmem>> -> memref<1024xf32, #tpu.memory_space<vmem>>
      tpu.enqueue_dma source(%dma_start3A_1397 : memref<1024xf32, #tpu.memory_space<vmem>>) target(%dma_start3A_1392 : memref<1024xf32, #tpu.memory_space<hbm>>) target_semaphore(%arg11 : memref<!tpu.dma_semaphore, #tpu.memory_space<semaphore_mem>>)
      %add3A_1398 = arith.constant 3 : i32
      %add3A_1399 = arith.addi %add3A_1007, %add3A_1398 : i32
      %jit3A_1400 = arith.constant 32 : i32
      %div3A_1401 = arith.divsi %add3A_1399, %jit3A_1400 : i32
      %sign3A_1402 = arith.constant 0 : i32
      %sign3A_1403 = arith.cmpi sgt, %add3A_1399, %sign3A_1402 : i32
      %sign3A_1404 = arith.extui %sign3A_1403 : i1 to i32
      %sign3A_1405 = arith.constant 0 : i32
      %sign3A_1406 = arith.cmpi slt, %add3A_1399, %sign3A_1405 : i32
      %sign3A_1407 = arith.extui %sign3A_1406 : i1 to i32
      %sign3A_1408 = arith.subi %sign3A_1404, %sign3A_1407 : i32
      %sign3A_1409 = arith.constant 0 : i32
      %sign3A_1410 = arith.cmpi sgt, %jit3A_1400, %sign3A_1409 : i32
      %sign3A_1411 = arith.extui %sign3A_1410 : i1 to i32
      %sign3A_1412 = arith.constant 0 : i32
      %sign3A_1413 = arith.cmpi slt, %jit3A_1400, %sign3A_1412 : i32
      %sign3A_1414 = arith.extui %sign3A_1413 : i1 to i32
      %sign3A_1415 = arith.subi %sign3A_1411, %sign3A_1414 : i32
      %ne3A_1416 = arith.cmpi ne, %sign3A_1408, %sign3A_1415 : i32
      %rem3A_1417 = arith.remsi %add3A_1399, %jit3A_1400 : i32
      %ne3A_1418 = arith.constant 0 : i32
      %ne3A_1419 = arith.cmpi ne, %rem3A_1417, %ne3A_1418 : i32
      %and3A_1420 = arith.andi %ne3A_1416, %ne3A_1419 : i1
      %sub3A_1421 = arith.constant 1 : i32
      %sub3A_1422 = arith.subi %div3A_1401, %sub3A_1421 : i32
      %select_n3A_1423 = arith.select %and3A_1420, %sub3A_1422, %div3A_1401 : i32
      %jit3A_1424 = arith.constant 32 : i32
      %eq3A_1425 = arith.constant 0 : i32
      %eq3A_1426 = arith.cmpi eq, %jit3A_1424, %eq3A_1425 : i32
      %jit3A_1427 = arith.constant 1 : i32
      %select_n3A_1428 = arith.select %eq3A_1426, %jit3A_1427, %jit3A_1424 : i32
      %rem3A_1429 = arith.remsi %add3A_1399, %select_n3A_1428 : i32
      %ne3A_1430 = arith.constant 0 : i32
      %ne3A_1431 = arith.cmpi ne, %rem3A_1429, %ne3A_1430 : i32
      %lt3A_1432 = arith.constant 0 : i32
      %lt3A_1433 = arith.cmpi slt, %rem3A_1429, %lt3A_1432 : i32
      %lt3A_1434 = arith.constant 0 : i32
      %lt3A_1435 = arith.cmpi slt, %select_n3A_1428, %lt3A_1434 : i32
      %ne3A_1436 = arith.xori %lt3A_1433, %lt3A_1435 : i1
      %and3A_1437 = arith.andi %ne3A_1436, %ne3A_1431 : i1
      %add3A_1438 = arith.addi %rem3A_1429, %select_n3A_1428 : i32
      %select_n3A_1439 = arith.select %and3A_1437, %add3A_1438, %rem3A_1429 : i32
      %mul3A_1440 = arith.constant 4 : i32
      %mul3A_1441 = arith.muli %select_n3A_1423, %mul3A_1440 : i32
      %add3A_1442 = arith.constant 0 : i32
      %add3A_1443 = arith.addi %mul3A_1441, %add3A_1442 : i32
      %mul3A_1444 = arith.constant 32 : i32
      %mul3A_1445 = arith.muli %add3A_1443, %mul3A_1444 : i32
      %add3A_1446 = arith.addi %mul3A_1445, %select_n3A_1439 : i32
      %mul3A_1447 = arith.constant 1024 : i32
      %mul3A_1448 = arith.muli %add3A_1446, %mul3A_1447 : i32
      %dma_start3A_1449 = arith.constant 1 : i32
      %dma_start3A_1450 = arith.constant 0 : i32
      %dma_start3A_1451 = tpu.memref_slice %arg7[%dma_start3A_1449, %dma_start3A_1450] : memref<2x20480xf32, #tpu.memory_space<vmem>> -> memref<1x20480xf32, #tpu.memory_space<vmem>>
      %dma_start3A_1452 = tpu.memref_squeeze %dma_start3A_1451 : memref<1x20480xf32, #tpu.memory_space<vmem>> -> memref<20480xf32, #tpu.memory_space<vmem>>
      %dma_start3A_1453 = arith.constant 12288 : i32
      %dma_start3A_1454 = tpu.memref_slice %dma_start3A_1452[%dma_start3A_1453] : memref<20480xf32, #tpu.memory_space<vmem>> -> memref<1024xf32, #tpu.memory_space<vmem>>
      %dma_start3A_1455 = tpu.memref_slice %arg4[%mul3A_1448] : memref<26214400xf32, #tpu.memory_space<hbm>> -> memref<1024xf32, #tpu.memory_space<hbm>>
      %dma_start3A_1456 = tpu.memref_slice %arg4[%mul3A_1448] : memref<26214400xf32, #tpu.memory_space<hbm>> -> memref<1024xf32, #tpu.memory_space<hbm>>
      %dma_start3A_1457 = arith.constant 0 : i32
      %dma_start3A_1458 = tpu.memref_slice %arg7[%dma_start3A_1449, %dma_start3A_1457] : memref<2x20480xf32, #tpu.memory_space<vmem>> -> memref<1x20480xf32, #tpu.memory_space<vmem>>
      %dma_start3A_1459 = tpu.memref_squeeze %dma_start3A_1458 : memref<1x20480xf32, #tpu.memory_space<vmem>> -> memref<20480xf32, #tpu.memory_space<vmem>>
      %dma_start3A_1460 = arith.constant 12288 : i32
      %dma_start3A_1461 = tpu.memref_slice %dma_start3A_1459[%dma_start3A_1460] : memref<20480xf32, #tpu.memory_space<vmem>> -> memref<1024xf32, #tpu.memory_space<vmem>>
      tpu.enqueue_dma source(%dma_start3A_1461 : memref<1024xf32, #tpu.memory_space<vmem>>) target(%dma_start3A_1456 : memref<1024xf32, #tpu.memory_space<hbm>>) target_semaphore(%arg11 : memref<!tpu.dma_semaphore, #tpu.memory_space<semaphore_mem>>)
      %mul3A_1462 = arith.constant 4 : i32
      %mul3A_1463 = arith.muli %select_n3A_1423, %mul3A_1462 : i32
      %add3A_1464 = arith.constant 1 : i32
      %add3A_1465 = arith.addi %mul3A_1463, %add3A_1464 : i32
      %mul3A_1466 = arith.constant 32 : i32
      %mul3A_1467 = arith.muli %add3A_1465, %mul3A_1466 : i32
      %add3A_1468 = arith.addi %mul3A_1467, %select_n3A_1439 : i32
      %mul3A_1469 = arith.constant 1024 : i32
      %mul3A_1470 = arith.muli %add3A_1468, %mul3A_1469 : i32
      %dma_start3A_1471 = arith.constant 1 : i32
      %dma_start3A_1472 = arith.constant 0 : i32
      %dma_start3A_1473 = tpu.memref_slice %arg7[%dma_start3A_1471, %dma_start3A_1472] : memref<2x20480xf32, #tpu.memory_space<vmem>> -> memref<1x20480xf32, #tpu.memory_space<vmem>>
      %dma_start3A_1474 = tpu.memref_squeeze %dma_start3A_1473 : memref<1x20480xf32, #tpu.memory_space<vmem>> -> memref<20480xf32, #tpu.memory_space<vmem>>
      %dma_start3A_1475 = arith.constant 13312 : i32
      %dma_start3A_1476 = tpu.memref_slice %dma_start3A_1474[%dma_start3A_1475] : memref<20480xf32, #tpu.memory_space<vmem>> -> memref<1024xf32, #tpu.memory_space<vmem>>
      %dma_start3A_1477 = tpu.memref_slice %arg4[%mul3A_1470] : memref<26214400xf32, #tpu.memory_space<hbm>> -> memref<1024xf32, #tpu.memory_space<hbm>>
      %dma_start3A_1478 = tpu.memref_slice %arg4[%mul3A_1470] : memref<26214400xf32, #tpu.memory_space<hbm>> -> memref<1024xf32, #tpu.memory_space<hbm>>
      %dma_start3A_1479 = arith.constant 0 : i32
      %dma_start3A_1480 = tpu.memref_slice %arg7[%dma_start3A_1471, %dma_start3A_1479] : memref<2x20480xf32, #tpu.memory_space<vmem>> -> memref<1x20480xf32, #tpu.memory_space<vmem>>
      %dma_start3A_1481 = tpu.memref_squeeze %dma_start3A_1480 : memref<1x20480xf32, #tpu.memory_space<vmem>> -> memref<20480xf32, #tpu.memory_space<vmem>>
      %dma_start3A_1482 = arith.constant 13312 : i32
      %dma_start3A_1483 = tpu.memref_slice %dma_start3A_1481[%dma_start3A_1482] : memref<20480xf32, #tpu.memory_space<vmem>> -> memref<1024xf32, #tpu.memory_space<vmem>>
      tpu.enqueue_dma source(%dma_start3A_1483 : memref<1024xf32, #tpu.memory_space<vmem>>) target(%dma_start3A_1478 : memref<1024xf32, #tpu.memory_space<hbm>>) target_semaphore(%arg11 : memref<!tpu.dma_semaphore, #tpu.memory_space<semaphore_mem>>)
      %mul3A_1484 = arith.constant 4 : i32
      %mul3A_1485 = arith.muli %select_n3A_1423, %mul3A_1484 : i32
      %add3A_1486 = arith.constant 2 : i32
      %add3A_1487 = arith.addi %mul3A_1485, %add3A_1486 : i32
      %mul3A_1488 = arith.constant 32 : i32
      %mul3A_1489 = arith.muli %add3A_1487, %mul3A_1488 : i32
      %add3A_1490 = arith.addi %mul3A_1489, %select_n3A_1439 : i32
      %mul3A_1491 = arith.constant 1024 : i32
      %mul3A_1492 = arith.muli %add3A_1490, %mul3A_1491 : i32
      %dma_start3A_1493 = arith.constant 1 : i32
      %dma_start3A_1494 = arith.constant 0 : i32
      %dma_start3A_1495 = tpu.memref_slice %arg7[%dma_start3A_1493, %dma_start3A_1494] : memref<2x20480xf32, #tpu.memory_space<vmem>> -> memref<1x20480xf32, #tpu.memory_space<vmem>>
      %dma_start3A_1496 = tpu.memref_squeeze %dma_start3A_1495 : memref<1x20480xf32, #tpu.memory_space<vmem>> -> memref<20480xf32, #tpu.memory_space<vmem>>
      %dma_start3A_1497 = arith.constant 14336 : i32
      %dma_start3A_1498 = tpu.memref_slice %dma_start3A_1496[%dma_start3A_1497] : memref<20480xf32, #tpu.memory_space<vmem>> -> memref<1024xf32, #tpu.memory_space<vmem>>
      %dma_start3A_1499 = tpu.memref_slice %arg4[%mul3A_1492] : memref<26214400xf32, #tpu.memory_space<hbm>> -> memref<1024xf32, #tpu.memory_space<hbm>>
      %dma_start3A_1500 = tpu.memref_slice %arg4[%mul3A_1492] : memref<26214400xf32, #tpu.memory_space<hbm>> -> memref<1024xf32, #tpu.memory_space<hbm>>
      %dma_start3A_1501 = arith.constant 0 : i32
      %dma_start3A_1502 = tpu.memref_slice %arg7[%dma_start3A_1493, %dma_start3A_1501] : memref<2x20480xf32, #tpu.memory_space<vmem>> -> memref<1x20480xf32, #tpu.memory_space<vmem>>
      %dma_start3A_1503 = tpu.memref_squeeze %dma_start3A_1502 : memref<1x20480xf32, #tpu.memory_space<vmem>> -> memref<20480xf32, #tpu.memory_space<vmem>>
      %dma_start3A_1504 = arith.constant 14336 : i32
      %dma_start3A_1505 = tpu.memref_slice %dma_start3A_1503[%dma_start3A_1504] : memref<20480xf32, #tpu.memory_space<vmem>> -> memref<1024xf32, #tpu.memory_space<vmem>>
      tpu.enqueue_dma source(%dma_start3A_1505 : memref<1024xf32, #tpu.memory_space<vmem>>) target(%dma_start3A_1500 : memref<1024xf32, #tpu.memory_space<hbm>>) target_semaphore(%arg11 : memref<!tpu.dma_semaphore, #tpu.memory_space<semaphore_mem>>)
      %mul3A_1506 = arith.constant 4 : i32
      %mul3A_1507 = arith.muli %select_n3A_1423, %mul3A_1506 : i32
      %add3A_1508 = arith.constant 3 : i32
      %add3A_1509 = arith.addi %mul3A_1507, %add3A_1508 : i32
      %mul3A_1510 = arith.constant 32 : i32
      %mul3A_1511 = arith.muli %add3A_1509, %mul3A_1510 : i32
      %add3A_1512 = arith.addi %mul3A_1511, %select_n3A_1439 : i32
      %mul3A_1513 = arith.constant 1024 : i32
      %mul3A_1514 = arith.muli %add3A_1512, %mul3A_1513 : i32
      %dma_start3A_1515 = arith.constant 1 : i32
      %dma_start3A_1516 = arith.constant 0 : i32
      %dma_start3A_1517 = tpu.memref_slice %arg7[%dma_start3A_1515, %dma_start3A_1516] : memref<2x20480xf32, #tpu.memory_space<vmem>> -> memref<1x20480xf32, #tpu.memory_space<vmem>>
      %dma_start3A_1518 = tpu.memref_squeeze %dma_start3A_1517 : memref<1x20480xf32, #tpu.memory_space<vmem>> -> memref<20480xf32, #tpu.memory_space<vmem>>
      %dma_start3A_1519 = arith.constant 15360 : i32
      %dma_start3A_1520 = tpu.memref_slice %dma_start3A_1518[%dma_start3A_1519] : memref<20480xf32, #tpu.memory_space<vmem>> -> memref<1024xf32, #tpu.memory_space<vmem>>
      %dma_start3A_1521 = tpu.memref_slice %arg4[%mul3A_1514] : memref<26214400xf32, #tpu.memory_space<hbm>> -> memref<1024xf32, #tpu.memory_space<hbm>>
      %dma_start3A_1522 = tpu.memref_slice %arg4[%mul3A_1514] : memref<26214400xf32, #tpu.memory_space<hbm>> -> memref<1024xf32, #tpu.memory_space<hbm>>
      %dma_start3A_1523 = arith.constant 0 : i32
      %dma_start3A_1524 = tpu.memref_slice %arg7[%dma_start3A_1515, %dma_start3A_1523] : memref<2x20480xf32, #tpu.memory_space<vmem>> -> memref<1x20480xf32, #tpu.memory_space<vmem>>
      %dma_start3A_1525 = tpu.memref_squeeze %dma_start3A_1524 : memref<1x20480xf32, #tpu.memory_space<vmem>> -> memref<20480xf32, #tpu.memory_space<vmem>>
      %dma_start3A_1526 = arith.constant 15360 : i32
      %dma_start3A_1527 = tpu.memref_slice %dma_start3A_1525[%dma_start3A_1526] : memref<20480xf32, #tpu.memory_space<vmem>> -> memref<1024xf32, #tpu.memory_space<vmem>>
      tpu.enqueue_dma source(%dma_start3A_1527 : memref<1024xf32, #tpu.memory_space<vmem>>) target(%dma_start3A_1522 : memref<1024xf32, #tpu.memory_space<hbm>>) target_semaphore(%arg11 : memref<!tpu.dma_semaphore, #tpu.memory_space<semaphore_mem>>)
      %add3A_1528 = arith.constant 4 : i32
      %add3A_1529 = arith.addi %add3A_1007, %add3A_1528 : i32
      %jit3A_1530 = arith.constant 32 : i32
      %div3A_1531 = arith.divsi %add3A_1529, %jit3A_1530 : i32
      %sign3A_1532 = arith.constant 0 : i32
      %sign3A_1533 = arith.cmpi sgt, %add3A_1529, %sign3A_1532 : i32
      %sign3A_1534 = arith.extui %sign3A_1533 : i1 to i32
      %sign3A_1535 = arith.constant 0 : i32
      %sign3A_1536 = arith.cmpi slt, %add3A_1529, %sign3A_1535 : i32
      %sign3A_1537 = arith.extui %sign3A_1536 : i1 to i32
      %sign3A_1538 = arith.subi %sign3A_1534, %sign3A_1537 : i32
      %sign3A_1539 = arith.constant 0 : i32
      %sign3A_1540 = arith.cmpi sgt, %jit3A_1530, %sign3A_1539 : i32
      %sign3A_1541 = arith.extui %sign3A_1540 : i1 to i32
      %sign3A_1542 = arith.constant 0 : i32
      %sign3A_1543 = arith.cmpi slt, %jit3A_1530, %sign3A_1542 : i32
      %sign3A_1544 = arith.extui %sign3A_1543 : i1 to i32
      %sign3A_1545 = arith.subi %sign3A_1541, %sign3A_1544 : i32
      %ne3A_1546 = arith.cmpi ne, %sign3A_1538, %sign3A_1545 : i32
      %rem3A_1547 = arith.remsi %add3A_1529, %jit3A_1530 : i32
      %ne3A_1548 = arith.constant 0 : i32
      %ne3A_1549 = arith.cmpi ne, %rem3A_1547, %ne3A_1548 : i32
      %and3A_1550 = arith.andi %ne3A_1546, %ne3A_1549 : i1
      %sub3A_1551 = arith.constant 1 : i32
      %sub3A_1552 = arith.subi %div3A_1531, %sub3A_1551 : i32
      %select_n3A_1553 = arith.select %and3A_1550, %sub3A_1552, %div3A_1531 : i32
      %jit3A_1554 = arith.constant 32 : i32
      %eq3A_1555 = arith.constant 0 : i32
      %eq3A_1556 = arith.cmpi eq, %jit3A_1554, %eq3A_1555 : i32
      %jit3A_1557 = arith.constant 1 : i32
      %select_n3A_1558 = arith.select %eq3A_1556, %jit3A_1557, %jit3A_1554 : i32
      %rem3A_1559 = arith.remsi %add3A_1529, %select_n3A_1558 : i32
      %ne3A_1560 = arith.constant 0 : i32
      %ne3A_1561 = arith.cmpi ne, %rem3A_1559, %ne3A_1560 : i32
      %lt3A_1562 = arith.constant 0 : i32
      %lt3A_1563 = arith.cmpi slt, %rem3A_1559, %lt3A_1562 : i32
      %lt3A_1564 = arith.constant 0 : i32
      %lt3A_1565 = arith.cmpi slt, %select_n3A_1558, %lt3A_1564 : i32
      %ne3A_1566 = arith.xori %lt3A_1563, %lt3A_1565 : i1
      %and3A_1567 = arith.andi %ne3A_1566, %ne3A_1561 : i1
      %add3A_1568 = arith.addi %rem3A_1559, %select_n3A_1558 : i32
      %select_n3A_1569 = arith.select %and3A_1567, %add3A_1568, %rem3A_1559 : i32
      %mul3A_1570 = arith.constant 4 : i32
      %mul3A_1571 = arith.muli %select_n3A_1553, %mul3A_1570 : i32
      %add3A_1572 = arith.constant 0 : i32
      %add3A_1573 = arith.addi %mul3A_1571, %add3A_1572 : i32
      %mul3A_1574 = arith.constant 32 : i32
      %mul3A_1575 = arith.muli %add3A_1573, %mul3A_1574 : i32
      %add3A_1576 = arith.addi %mul3A_1575, %select_n3A_1569 : i32
      %mul3A_1577 = arith.constant 1024 : i32
      %mul3A_1578 = arith.muli %add3A_1576, %mul3A_1577 : i32
      %dma_start3A_1579 = arith.constant 1 : i32
      %dma_start3A_1580 = arith.constant 0 : i32
      %dma_start3A_1581 = tpu.memref_slice %arg7[%dma_start3A_1579, %dma_start3A_1580] : memref<2x20480xf32, #tpu.memory_space<vmem>> -> memref<1x20480xf32, #tpu.memory_space<vmem>>
      %dma_start3A_1582 = tpu.memref_squeeze %dma_start3A_1581 : memref<1x20480xf32, #tpu.memory_space<vmem>> -> memref<20480xf32, #tpu.memory_space<vmem>>
      %dma_start3A_1583 = arith.constant 16384 : i32
      %dma_start3A_1584 = tpu.memref_slice %dma_start3A_1582[%dma_start3A_1583] : memref<20480xf32, #tpu.memory_space<vmem>> -> memref<1024xf32, #tpu.memory_space<vmem>>
      %dma_start3A_1585 = tpu.memref_slice %arg4[%mul3A_1578] : memref<26214400xf32, #tpu.memory_space<hbm>> -> memref<1024xf32, #tpu.memory_space<hbm>>
      %dma_start3A_1586 = tpu.memref_slice %arg4[%mul3A_1578] : memref<26214400xf32, #tpu.memory_space<hbm>> -> memref<1024xf32, #tpu.memory_space<hbm>>
      %dma_start3A_1587 = arith.constant 0 : i32
      %dma_start3A_1588 = tpu.memref_slice %arg7[%dma_start3A_1579, %dma_start3A_1587] : memref<2x20480xf32, #tpu.memory_space<vmem>> -> memref<1x20480xf32, #tpu.memory_space<vmem>>
      %dma_start3A_1589 = tpu.memref_squeeze %dma_start3A_1588 : memref<1x20480xf32, #tpu.memory_space<vmem>> -> memref<20480xf32, #tpu.memory_space<vmem>>
      %dma_start3A_1590 = arith.constant 16384 : i32
      %dma_start3A_1591 = tpu.memref_slice %dma_start3A_1589[%dma_start3A_1590] : memref<20480xf32, #tpu.memory_space<vmem>> -> memref<1024xf32, #tpu.memory_space<vmem>>
      tpu.enqueue_dma source(%dma_start3A_1591 : memref<1024xf32, #tpu.memory_space<vmem>>) target(%dma_start3A_1586 : memref<1024xf32, #tpu.memory_space<hbm>>) target_semaphore(%arg11 : memref<!tpu.dma_semaphore, #tpu.memory_space<semaphore_mem>>)
      %mul3A_1592 = arith.constant 4 : i32
      %mul3A_1593 = arith.muli %select_n3A_1553, %mul3A_1592 : i32
      %add3A_1594 = arith.constant 1 : i32
      %add3A_1595 = arith.addi %mul3A_1593, %add3A_1594 : i32
      %mul3A_1596 = arith.constant 32 : i32
      %mul3A_1597 = arith.muli %add3A_1595, %mul3A_1596 : i32
      %add3A_1598 = arith.addi %mul3A_1597, %select_n3A_1569 : i32
      %mul3A_1599 = arith.constant 1024 : i32
      %mul3A_1600 = arith.muli %add3A_1598, %mul3A_1599 : i32
      %dma_start3A_1601 = arith.constant 1 : i32
      %dma_start3A_1602 = arith.constant 0 : i32
      %dma_start3A_1603 = tpu.memref_slice %arg7[%dma_start3A_1601, %dma_start3A_1602] : memref<2x20480xf32, #tpu.memory_space<vmem>> -> memref<1x20480xf32, #tpu.memory_space<vmem>>
      %dma_start3A_1604 = tpu.memref_squeeze %dma_start3A_1603 : memref<1x20480xf32, #tpu.memory_space<vmem>> -> memref<20480xf32, #tpu.memory_space<vmem>>
      %dma_start3A_1605 = arith.constant 17408 : i32
      %dma_start3A_1606 = tpu.memref_slice %dma_start3A_1604[%dma_start3A_1605] : memref<20480xf32, #tpu.memory_space<vmem>> -> memref<1024xf32, #tpu.memory_space<vmem>>
      %dma_start3A_1607 = tpu.memref_slice %arg4[%mul3A_1600] : memref<26214400xf32, #tpu.memory_space<hbm>> -> memref<1024xf32, #tpu.memory_space<hbm>>
      %dma_start3A_1608 = tpu.memref_slice %arg4[%mul3A_1600] : memref<26214400xf32, #tpu.memory_space<hbm>> -> memref<1024xf32, #tpu.memory_space<hbm>>
      %dma_start3A_1609 = arith.constant 0 : i32
      %dma_start3A_1610 = tpu.memref_slice %arg7[%dma_start3A_1601, %dma_start3A_1609] : memref<2x20480xf32, #tpu.memory_space<vmem>> -> memref<1x20480xf32, #tpu.memory_space<vmem>>
      %dma_start3A_1611 = tpu.memref_squeeze %dma_start3A_1610 : memref<1x20480xf32, #tpu.memory_space<vmem>> -> memref<20480xf32, #tpu.memory_space<vmem>>
      %dma_start3A_1612 = arith.constant 17408 : i32
      %dma_start3A_1613 = tpu.memref_slice %dma_start3A_1611[%dma_start3A_1612] : memref<20480xf32, #tpu.memory_space<vmem>> -> memref<1024xf32, #tpu.memory_space<vmem>>
      tpu.enqueue_dma source(%dma_start3A_1613 : memref<1024xf32, #tpu.memory_space<vmem>>) target(%dma_start3A_1608 : memref<1024xf32, #tpu.memory_space<hbm>>) target_semaphore(%arg11 : memref<!tpu.dma_semaphore, #tpu.memory_space<semaphore_mem>>)
      %mul3A_1614 = arith.constant 4 : i32
      %mul3A_1615 = arith.muli %select_n3A_1553, %mul3A_1614 : i32
      %add3A_1616 = arith.constant 2 : i32
      %add3A_1617 = arith.addi %mul3A_1615, %add3A_1616 : i32
      %mul3A_1618 = arith.constant 32 : i32
      %mul3A_1619 = arith.muli %add3A_1617, %mul3A_1618 : i32
      %add3A_1620 = arith.addi %mul3A_1619, %select_n3A_1569 : i32
      %mul3A_1621 = arith.constant 1024 : i32
      %mul3A_1622 = arith.muli %add3A_1620, %mul3A_1621 : i32
      %dma_start3A_1623 = arith.constant 1 : i32
      %dma_start3A_1624 = arith.constant 0 : i32
      %dma_start3A_1625 = tpu.memref_slice %arg7[%dma_start3A_1623, %dma_start3A_1624] : memref<2x20480xf32, #tpu.memory_space<vmem>> -> memref<1x20480xf32, #tpu.memory_space<vmem>>
      %dma_start3A_1626 = tpu.memref_squeeze %dma_start3A_1625 : memref<1x20480xf32, #tpu.memory_space<vmem>> -> memref<20480xf32, #tpu.memory_space<vmem>>
      %dma_start3A_1627 = arith.constant 18432 : i32
      %dma_start3A_1628 = tpu.memref_slice %dma_start3A_1626[%dma_start3A_1627] : memref<20480xf32, #tpu.memory_space<vmem>> -> memref<1024xf32, #tpu.memory_space<vmem>>
      %dma_start3A_1629 = tpu.memref_slice %arg4[%mul3A_1622] : memref<26214400xf32, #tpu.memory_space<hbm>> -> memref<1024xf32, #tpu.memory_space<hbm>>
      %dma_start3A_1630 = tpu.memref_slice %arg4[%mul3A_1622] : memref<26214400xf32, #tpu.memory_space<hbm>> -> memref<1024xf32, #tpu.memory_space<hbm>>
      %dma_start3A_1631 = arith.constant 0 : i32
      %dma_start3A_1632 = tpu.memref_slice %arg7[%dma_start3A_1623, %dma_start3A_1631] : memref<2x20480xf32, #tpu.memory_space<vmem>> -> memref<1x20480xf32, #tpu.memory_space<vmem>>
      %dma_start3A_1633 = tpu.memref_squeeze %dma_start3A_1632 : memref<1x20480xf32, #tpu.memory_space<vmem>> -> memref<20480xf32, #tpu.memory_space<vmem>>
      %dma_start3A_1634 = arith.constant 18432 : i32
      %dma_start3A_1635 = tpu.memref_slice %dma_start3A_1633[%dma_start3A_1634] : memref<20480xf32, #tpu.memory_space<vmem>> -> memref<1024xf32, #tpu.memory_space<vmem>>
      tpu.enqueue_dma source(%dma_start3A_1635 : memref<1024xf32, #tpu.memory_space<vmem>>) target(%dma_start3A_1630 : memref<1024xf32, #tpu.memory_space<hbm>>) target_semaphore(%arg11 : memref<!tpu.dma_semaphore, #tpu.memory_space<semaphore_mem>>)
      %mul3A_1636 = arith.constant 4 : i32
      %mul3A_1637 = arith.muli %select_n3A_1553, %mul3A_1636 : i32
      %add3A_1638 = arith.constant 3 : i32
      %add3A_1639 = arith.addi %mul3A_1637, %add3A_1638 : i32
      %mul3A_1640 = arith.constant 32 : i32
      %mul3A_1641 = arith.muli %add3A_1639, %mul3A_1640 : i32
      %add3A_1642 = arith.addi %mul3A_1641, %select_n3A_1569 : i32
      %mul3A_1643 = arith.constant 1024 : i32
      %mul3A_1644 = arith.muli %add3A_1642, %mul3A_1643 : i32
      %dma_start3A_1645 = arith.constant 1 : i32
      %dma_start3A_1646 = arith.constant 0 : i32
      %dma_start3A_1647 = tpu.memref_slice %arg7[%dma_start3A_1645, %dma_start3A_1646] : memref<2x20480xf32, #tpu.memory_space<vmem>> -> memref<1x20480xf32, #tpu.memory_space<vmem>>
      %dma_start3A_1648 = tpu.memref_squeeze %dma_start3A_1647 : memref<1x20480xf32, #tpu.memory_space<vmem>> -> memref<20480xf32, #tpu.memory_space<vmem>>
      %dma_start3A_1649 = arith.constant 19456 : i32
      %dma_start3A_1650 = tpu.memref_slice %dma_start3A_1648[%dma_start3A_1649] : memref<20480xf32, #tpu.memory_space<vmem>> -> memref<1024xf32, #tpu.memory_space<vmem>>
      %dma_start3A_1651 = tpu.memref_slice %arg4[%mul3A_1644] : memref<26214400xf32, #tpu.memory_space<hbm>> -> memref<1024xf32, #tpu.memory_space<hbm>>
      %dma_start3A_1652 = tpu.memref_slice %arg4[%mul3A_1644] : memref<26214400xf32, #tpu.memory_space<hbm>> -> memref<1024xf32, #tpu.memory_space<hbm>>
      %dma_start3A_1653 = arith.constant 0 : i32
      %dma_start3A_1654 = tpu.memref_slice %arg7[%dma_start3A_1645, %dma_start3A_1653] : memref<2x20480xf32, #tpu.memory_space<vmem>> -> memref<1x20480xf32, #tpu.memory_space<vmem>>
      %dma_start3A_1655 = tpu.memref_squeeze %dma_start3A_1654 : memref<1x20480xf32, #tpu.memory_space<vmem>> -> memref<20480xf32, #tpu.memory_space<vmem>>
      %dma_start3A_1656 = arith.constant 19456 : i32
      %dma_start3A_1657 = tpu.memref_slice %dma_start3A_1655[%dma_start3A_1656] : memref<20480xf32, #tpu.memory_space<vmem>> -> memref<1024xf32, #tpu.memory_space<vmem>>
      tpu.enqueue_dma source(%dma_start3A_1657 : memref<1024xf32, #tpu.memory_space<vmem>>) target(%dma_start3A_1652 : memref<1024xf32, #tpu.memory_space<hbm>>) target_semaphore(%arg11 : memref<!tpu.dma_semaphore, #tpu.memory_space<semaphore_mem>>)
    }
    %scan3A_16 = arith.constant 20 : i32
    %dma_wait3A = arith.constant 0 : i32
    %dma_wait3A_17 = arith.constant 0 : i32
    %dma_wait3A_18 = tpu.memref_slice %arg7[%dma_wait3A, %dma_wait3A_17] : memref<2x20480xf32, #tpu.memory_space<vmem>> -> memref<1x20480xf32, #tpu.memory_space<vmem>>
    %dma_wait3A_19 = tpu.memref_squeeze %dma_wait3A_18 : memref<1x20480xf32, #tpu.memory_space<vmem>> -> memref<20480xf32, #tpu.memory_space<vmem>>
    %dma_wait3A_20 = arith.constant 0 : i32
    %dma_wait3A_21 = tpu.memref_slice %arg4[%dma_wait3A_20] : memref<26214400xf32, #tpu.memory_space<hbm>> -> memref<20480xf32, #tpu.memory_space<hbm>>
    %dma_wait3A_22 = arith.constant 0 : i32
    %dma_wait3A_23 = tpu.memref_slice %arg7[%dma_wait3A, %dma_wait3A_22] : memref<2x20480xf32, #tpu.memory_space<vmem>> -> memref<1x20480xf32, #tpu.memory_space<vmem>>
    %dma_wait3A_24 = tpu.memref_squeeze %dma_wait3A_23 : memref<1x20480xf32, #tpu.memory_space<vmem>> -> memref<20480xf32, #tpu.memory_space<vmem>>
    %dma_wait3A_25 = arith.constant 0 : i32
    %dma_wait3A_26 = tpu.memref_slice %arg4[%dma_wait3A_25] : memref<26214400xf32, #tpu.memory_space<hbm>> -> memref<20480xf32, #tpu.memory_space<hbm>>
    tpu.wait_dma2 semaphore(%arg10 : memref<!tpu.dma_semaphore, #tpu.memory_space<semaphore_mem>>) src(%dma_wait3A_26 : memref<20480xf32, #tpu.memory_space<hbm>>) dst(%dma_wait3A_24 : memref<20480xf32, #tpu.memory_space<vmem>>)
    %dma_wait3A_27 = arith.constant 1 : i32
    %dma_wait3A_28 = arith.constant 0 : i32
    %dma_wait3A_29 = tpu.memref_slice %arg7[%dma_wait3A_27, %dma_wait3A_28] : memref<2x20480xf32, #tpu.memory_space<vmem>> -> memref<1x20480xf32, #tpu.memory_space<vmem>>
    %dma_wait3A_30 = tpu.memref_squeeze %dma_wait3A_29 : memref<1x20480xf32, #tpu.memory_space<vmem>> -> memref<20480xf32, #tpu.memory_space<vmem>>
    %dma_wait3A_31 = arith.constant 0 : i32
    %dma_wait3A_32 = tpu.memref_slice %arg4[%dma_wait3A_31] : memref<26214400xf32, #tpu.memory_space<hbm>> -> memref<20480xf32, #tpu.memory_space<hbm>>
    %dma_wait3A_33 = arith.constant 0 : i32
    %dma_wait3A_34 = tpu.memref_slice %arg7[%dma_wait3A_27, %dma_wait3A_33] : memref<2x20480xf32, #tpu.memory_space<vmem>> -> memref<1x20480xf32, #tpu.memory_space<vmem>>
    %dma_wait3A_35 = tpu.memref_squeeze %dma_wait3A_34 : memref<1x20480xf32, #tpu.memory_space<vmem>> -> memref<20480xf32, #tpu.memory_space<vmem>>
    %dma_wait3A_36 = arith.constant 0 : i32
    %dma_wait3A_37 = tpu.memref_slice %arg4[%dma_wait3A_36] : memref<26214400xf32, #tpu.memory_space<hbm>> -> memref<20480xf32, #tpu.memory_space<hbm>>
    tpu.wait_dma2 semaphore(%arg11 : memref<!tpu.dma_semaphore, #tpu.memory_space<semaphore_mem>>) src(%dma_wait3A_37 : memref<20480xf32, #tpu.memory_space<hbm>>) dst(%dma_wait3A_35 : memref<20480xf32, #tpu.memory_space<vmem>>)
    return
  }
}

</mosaic_0001>

<sc_bundles>
// kernel: kernel.3.cloned.1.call-start
scs
__scs_entry_jumppad:
0x0: {  	(pc) =	sbr.rel $0x88, $3  }
0x1: {  	(tag) =	ssettag $0x0;
	lr =	simm.s32 $0x1  }
0x2: {  	[smem:$0x3F9F] =	sst lr;
	_ =	strace $0xD0000000  }
0x3: {  	_ = 	snop  }
0x4: {  	_ = 	snop  }
0x5: {  	_ = 	snop  }
0x6: {  	_ = 	snop  }
0x7: {  	_ = 	snop  }
__scs_overlays_trampoline_lowered:
0x8: {  	[smem:$0x3FAE] =	sst s0  }
0x9: {  	[smem:$0x3FAF] =	sst s1  }
0xa: {  	[smem:$0x3FB0] =	sst s2  }
0xb: {  	[smem:$0x3FB1] =	sst s3  }
0xc: {  	[smem:$0x3FB2] =	sst s4  }
0xd: {  	[smem:$0x3FB3] =	sst s5  }
0xe: {  	[smem:$0x3FB4] =	sst s6  }
0xf: {  	[smem:$0x3FB5] =	sst s7  }
0x10: {  	[smem:$0x3FB6] =	sst s8  }
0x11: {  	[smem:$0x3FB7] =	sst s9;
	s0 =	simm.s32 @!p0 $0x0  }
0x12: {  	s1 =	sld [smem:$0x3F9D];
	s0 =	simm.s32 @p0 $0x1  }
0x13: {  	[smem:$0x3FB8] =	sst s0;
	s0 =	simm.s32 @!p1 $0x0  }
0x14: {  	s2 =	sld [smem:$0x3F9C];
	s0 =	simm.s32 @p1 $0x1  }
0x15: {  	[smem:$0x3FB9] =	sst s0;
	s0 =	simm.s32 @!p2 $0x0  }
0x16: {  	s3 =	sld [smem:$0x3FDB];
	s0 =	simm.s32 @p2 $0x1  }
0x17: {  	s4 =	simm.s32 $0x1BF5;
	[smem:$0x3FBB] =	sst s0  }
0x18: {  	s0 =	sld [smem:$0x3F9E];
	_ =	swait.ge [sflag:s4], $0x0  }
0x19: {  	s7 =	sld [smem:$0x3F9F]  }
0x1a: {  	s8 =	sadd.s32 $0xFFFFE003, lr  }
0x1b: {  	s9 =	sadd.s32 $0xFFFFFEF7, lr;
	s5 =	simm.s32 $0xFFFFFFFF;
	p2 =	slt.u32 s8, $0xFFFFF086  }
0x1c: {  	p1 =	slt.u32 s9, $0xF7A;
	s5 =	simm.s32 @!p2 $0x0  }
0x1d: {  	s5 =	simm.s32 @p1 $0x1;
	p0 =	seq.s32 s7, s2  }
0x1e: {  	s7 =	smul.u32 @!p0 $0xF7A, s2;
	p2 =	seq.s32 @!p0 s5, $0x0  }
0x1f: {  	s9 =	smul.u32 $0xF7A, s1;
	s8 =	simm.s32 @!p0 $0x1BF5;
	p2 =	por !p2, p0  }
0x20: {  	[sflag:s8] =	ssyncset.s32 @!p0 $0xFFFFF086;
	s6 =	sadd.s32 @!p0 s3, s7;
	s7 =	simm.s32 @!p0 $0x108  }
0x21: {  	s3 =	sadd.s32 s3, s9;
	s6 =	sadd.s32 @!p0 $0x88, s6;
	s7 =	simm.s32 @p2 $0x1082  }
0x22: {  	[simem:s7], [sflag:s8] =	dma.local @!p0 [hbm:s6], $0xF7A  }
0x23: {  	s9 =	sor.u32 $0xD0000000, s2;
	s6 =	simm.s32 $0x108;
	_ =	swait.ge @!p0 [sflag:s8], $0x0  }
0x24: {  	s3 =	sadd.s32 $0x88, s3;
	s6 =	simm.s32 @!p1 $0x1082;
	[sflag:s4] =	ssyncset.s32 $0xFFFFF086  }
0x25: {  	[simem:s6], [sflag:s4] =	dma.local [hbm:s3], $0xF7A  }
0x26: {  	[smem:$0x3F9F] =	sst s1;
	(tag) =	ssettag s2;
	_ =	strace s9  }
0x27: {  	s1 =	sld [smem:$0x3FAF]  }
0x28: {  	s2 =	sld [smem:$0x3FB0]  }
0x29: {  	s4 =	sld [smem:$0x3FB2]  }
0x2a: {  	p0 =	seq.s32 s5, $0x0;
	s5 =	sld [smem:$0x3FB3]  }
0x2b: {  	s6 =	sld [smem:$0x3FB4]  }
0x2c: {  	s7 =	sld [smem:$0x3FB5]  }
0x2d: {  	s3 =	simm.s32 $0x108;
	s8 =	sld [smem:$0x3FB6]  }
0x2e: {  	s3 =	simm.s32 @!p0 $0x1082;
	s9 =	sld [smem:$0x3FB7]  }
0x2f: {  	lr =	sadd.s32 s0, s3;
	s0 =	sld [smem:$0x3FAE]  }
0x30: {  	s3 =	sld [smem:$0x3FB1]  }
0x31: {  	[smem:$0x3FBA] =	sst s10  }
0x32: {  	s10 =	sld [smem:$0x3FB8];
	_ =	sdelay $0x3  }
0x33: {  	p0 =	seq.s32 s10, $0x1;
	s10 =	sld [smem:$0x3FBA];
	_ =	sdelay $0x3  }
0x34: {  	[smem:$0x3FBA] =	sst s10  }
0x35: {  	s10 =	sld [smem:$0x3FB9];
	_ =	sdelay $0x3  }
0x36: {  	p1 =	seq.s32 s10, $0x1;
	s10 =	sld [smem:$0x3FBA];
	_ =	sdelay $0x3  }
0x37: {  	[smem:$0x3FBA] =	sst s10  }
0x38: {  	s10 =	sld [smem:$0x3FBB]  }
0x39: {  	_ = 	snop;
	(pc) =	sbr.ind lr, $3  }
0x3a: {  	_ = 	snop  }
0x3b: {  	_ = 	snop  }
0x3c: {  	p2 =	seq.s32 s10, $0x1;
	s10 =	sld [smem:$0x3FBA]  }
0x3d: {  	_ =	shalt  }
0x3e: {  	_ =	shalt  }
0x3f: {  	_ =	shalt  }
0x40: {  	_ =	shalt  }
0x41: {  	_ =	shalt  }
0x42: {  	_ =	shalt  }
0x43: {  	_ =	shalt  }
0x44: {  	_ =	shalt  }
0x45: {  	_ =	shalt  }
0x46: {  	_ =	shalt  }
0x47: {  	_ =	shalt  }
0x48: {  	_ =	shalt  }
0x49: {  	_ =	shalt  }
0x4a: {  	_ =	shalt  }
0x4b: {  	_ =	shalt  }
0x4c: {  	_ =	shalt  }
0x4d: {  	_ =	shalt  }
0x4e: {  	_ =	shalt  }
0x4f: {  	_ =	shalt  }
0x50: {  	_ =	shalt  }
0x51: {  	_ =	shalt  }
0x52: {  	_ =	shalt  }
0x53: {  	_ =	shalt  }
0x54: {  	_ =	shalt  }
0x55: {  	_ =	shalt  }
0x56: {  	_ =	shalt  }
0x57: {  	_ =	shalt  }
0x58: {  	_ =	shalt  }
0x59: {  	_ =	shalt  }
0x5a: {  	_ =	shalt  }
0x5b: {  	_ =	shalt  }
0x5c: {  	_ =	shalt  }
0x5d: {  	_ =	shalt  }
0x5e: {  	_ =	shalt  }
0x5f: {  	_ =	shalt  }
0x60: {  	_ =	shalt  }
0x61: {  	_ =	shalt  }
0x62: {  	_ =	shalt  }
0x63: {  	_ =	shalt  }
0x64: {  	_ =	shalt  }
0x65: {  	_ =	shalt  }
0x66: {  	_ =	shalt  }
0x67: {  	_ =	shalt  }
0x68: {  	_ =	shalt  }
0x69: {  	_ =	shalt  }
0x6a: {  	_ =	shalt  }
0x6b: {  	_ =	shalt  }
0x6c: {  	_ =	shalt  }
0x6d: {  	_ =	shalt  }
0x6e: {  	_ =	shalt  }
0x6f: {  	_ =	shalt  }
0x70: {  	_ =	shalt  }
0x71: {  	_ =	shalt  }
0x72: {  	_ =	shalt  }
0x73: {  	_ =	shalt  }
0x74: {  	_ =	shalt  }
0x75: {  	_ =	shalt  }
0x76: {  	_ =	shalt  }
0x77: {  	_ =	shalt  }
0x78: {  	_ =	shalt  }
0x79: {  	_ =	shalt  }
0x7a: {  	_ =	shalt  }
0x7b: {  	_ =	shalt  }
0x7c: {  	_ =	shalt  }
0x7d: {  	_ =	shalt  }
0x7e: {  	_ =	shalt  }
0x7f: {  	_ =	shalt  }
0x80: {  	_ =	shalt  }
0x81: {  	_ =	shalt  }
0x82: {  	_ =	shalt  }
0x83: {  	_ =	shalt  }
0x84: {  	_ =	shalt  }
0x85: {  	_ =	shalt  }
0x86: {  	_ =	shalt  }
0x87: {  	_ =	shalt  }
.Lfunc_end0:
.L_simem_size_0:
called_computation_lowered:
.L_overlay_start_0:
0x88: {  	s2 =	sld [smem:$0x3FD9]  }
0x89: {  	s3 =	sld [smem:$0x3FFE];
	_ =	sdelay $0x1  }
0x8a: {  	s1 =	srdreg.scid  }
0x8b: {  	s0 =	sand.u32 $0x1, s1  }
0x8c: {  	s17 =	sshll.u32 s0, $0xA;
	s2 =	sadd.s32 s3, s2  }
0x8d: {  	s2 =	sadd.s32 s2, s17  }
0x8e: {  	[smem:$0x3FC6] =	sst s2  }
0x8f: {  	_ = 	snop  }
0x90: {  	s2 =	sld [smem:$0x3FD0];
	(tm) =	ssettm $0x1  }
0x91: {  	s18 =	sld [smem:$0x3FFB];
	_ =	sdelay $0x3  }
0x92: {  	_ =	strace s18  }
0x93: {  	s3 =	sld [smem:$0x3FFC];
	_ =	sdelay $0x3  }
0x94: {  	_ =	strace s3  }
0x95: {  	s3 =	sld [smem:$0x3FFD];
	_ =	sdelay $0x3  }
0x96: {  	_ =	strace s3  }
0x97: {  	_ =	strace $0x8FFFFFFF  }
0x98: {  	s19 =	sld [smem:$0x3FDB];
	_ =	sdelay $0x1  }
0x99: {  	s4 =	simm.s32 $_scs_section_size  }
0x9a: {  	s5 =	simm.s32 $_size__tile_overlayer_lowered;
	s6 =	simm.s32 $_tile_overlayer_lowered  }
0x9b: {  	s22 =	simm.s32 $0x1BFF;
	s21 =	sshll.u32 s6, $0x1;
	s3 =	sadd.s32 s4, s19  }
0x9c: {  	s7 =	simm.s32 $0x0;
	s20 =	sshll.u32 s5, $0x1;
	s5 =	sadd.s32 s21, s3  }
0x9d: {  	[timem:s7], [sflag:s22] =	dma.local [hbm:s5], s20  }
0x9e: {  	_ =	swait.ge [sflag:s22], s20  }
0x9f: {  	s4 =	ssub.s32 $0x0, s20;
	[sflag:s22] =	ssyncset.done $0x0  }
0xa0: {  	[sflag:s22] =	ssyncadd.s32 s4;
	_ =	sdelay $0x1  }
0xa1: {  	s23 =	simm.s32 $0x1B8B  }
0xa2: {  	_ =	swait.ge [sflag:s23], $0x1  }
0xa3: {  	[sflag:s23] =	ssyncset.done $0x0  }
0xa4: {  	s25 =	simm.s32 $0x1B8E;
	s24 =	sld [smem:$0x3FFE];
	[sflag:s23] =	ssyncadd.s32 $0xFFFFFFFF  }
0xa5: {  	s26 =	simm.s32 $execute0_lowered;
	[smem:$0x3FD2] =	sst s25  }
0xa6: {  	s5 =	sshll.u32 s26, $0x1;
	_ =	strace $0x80000046;
	[dreg:$0x1] =	wrdreg $0xFFFFFFFF  }
0xa7: {  	s28 =	simm.s32 $_size_execute0_lowered;
	s3 =	sadd.s32 s3, s5;
	[dreg:$0x0] =	wrdreg $0x0  }
0xa8: {  	s5 =	sshll.u32 s28, $0x1;
	[dreg:$0x2] =	wrdreg s3  }
0xa9: {  	[dreg:$0x3] =	wrdreg s5  }
0xaa: {  	[dreg:$0x4] =	wrdreg $0xC0  }
0xab: {  	_ =	task [dreg:s7], $0x5FFFF  }
0xac: {  	[dreg:$0x1] =	wrdreg $0xFFFFFFFF  }
0xad: {  	[dreg:$0x0] =	wrdreg $0x60  }
0xae: {  	[dreg:$0x2] =	wrdreg s24  }
0xaf: {  	[dreg:$0x3] =	wrdreg s2  }
0xb0: {  	[dreg:$0x4] =	wrdreg $0x9  }
0xb1: {  	_ =	task.clear_ibuf [dreg:s7], $0x5FFFF;
	_ =	strace $0x90000046  }
0xb2: {  	s29 =	simm.s32 $0x9;
	_ =	strace $0x80000048  }
0xb3: {  	_ =	swait.ge [sflag:s29], $0x1  }
0xb4: {  	[sflag:s29] =	ssyncadd.s32 $0xFFFFFFFF  }
0xb5: {  	_ =	strace $0x90000048  }
0xb6: {  	_ =	sfence  }
0xb7: {  	s30 =	sld [smem:$0x0];
	_ =	sdelay $0x2  }
0xb8: {  	s31 =	sshll.u32 s1, $0xD;
	s1 =	sshrl.u32 s1, $0x2  }
0xb9: {  	s3 =	sand.u32 $0x4000, s31;
	s1 =	sadd.s32 s1, s30  }
0xba: {  	s0 =	sor.u32 s3, s0;
	s1 =	sshll.u32 s1, $0x11  }
0xbb: {  	s0 =	sor.u32 s1, s0  }
0xbc: {  	s0 =	sadd.s32 $0x8F2B, s0  }
0xbd: {  	[sflag:s0] =	ssyncadd.remote.s32 $0x1  }
0xbe: {  	_ =	sfence.sel $0xFFFF  }
0xbf: {  	[dreg:$0x0] =	wrdreg $0xFFFFFFFF;
	(pc) =	sbr.abs _section_cstart, $3  }
0xc0: {  	[dreg:$0x1] =	wrdreg $0xFFFFFFFF  }
0xc1: {  	_ =	task.clear_ibuf [dreg:s7], $0x2FFFF;
	_ =	strace $0x9FFFFFFF  }
0xc2: {  	(tm) =	ssettm $0x7FFFFFFF  }
0xc3: {  	_ =	shalt  }
tec
execute0_lowered:
.L_overlay_start_1:
0x0: {  	(tag) =	ssettag $0x1  }
0x1: {  	s0 =	rddreg [dreg:$0x0]  }
0x2: {  	s1 =	srdreg.scid;
	s3 =	stileid.u32  }
0x3: {  	s2 =	rddreg [dreg:$0x1];
	s12 =	simm.s32 $0x280;
	s13 =	simm.s32 $0x5  }
0x4: {  	s14 =	simm.s32 $0x80;
	s22 =	simm.s32 $0x6;
	s11 =	simm.s32 $0xA500  }
0x5: {  	s18 =	simm.s32 $0x2;
	s19 =	simm.s32 $0xF500;
	s15 =	simm.s32 $0x0  }
0x6: {  	s1 =	sand.u32 $0x1, s1;
	s4 =	sshll.u32 s3, $0x1;
	s3 =	simm.s32 $0x0  }
0x7: {  	s5 =	sadd.s32 $0x600, s0;
	s6 =	sadd.s32 $0xF42A00, s0;
	s4 =	sor.u32 s1, s4  }
0x8: {  	s8 =	sadd.s32 $0x1000, s2;
	s1 =	ssub.s32 $0x2, s1;
	s4 =	smul.u32 $0xC8, s4  }
0x9: {  	v0 =	vlaneseq.u32;
	s9 =	sadd.s32 $0x2000, s2;
	s10 =	sadd.s32 $0x3000, s2;
	s7 =	sshrl.u32 s1, $0x1  }
0xa: {  	v0 =	vmul.u32 $0x80, v0;
	[smem:$0x7FF] =	sst s3;
	s30 =	ssub.s32 s1, s7;
	s31 =	sor.u32 $0x5, s4  }
0xb: {  	_ =	strace $0x80000047;
	s0 =	smax.u32 s30, $0x1;
	[dreg:$0x3] =	wrdreg s31  }
0xc: {  	v1 =	vor.u32 $0x800, v0;
	s7 =	smov.u32 s4;
	[dreg:$0x4] =	wrdreg s0;
	s0 =	simm.s32 $0x1  }
.LBB2_1:
0xd: {  	[dreg:$0x5] =	wrdreg s15;
	s26 =	simm.s32 $0x0  }
.LBB2_2:
0xe: {  	p0 =	seq.s32 s26, $0x0;
	s1 =	smul.u32 $0xA, s26  }
0xf: {  	s15 =	simm.s32 @!p0 $0x3  }
0x10: {  	_ =	swait.ge @!p0 [sflag:s15], $0x5000;
	s29 =	sadd.s32 s7, s1  }
0x11: {  	[sflag:s15] =	ssyncset.done @!p0 $0x0;
	s16 =	sshll.u32 s29, $0x4  }
0x12: {  	[sflag:s15] =	ssyncadd.s32 @!p0 $0xFFFFB000;
	s4 =	sadd.s32 s5, s16  }
0x13: {  	[tilespmem:s3], [sflag:$0x5] =	stream.linear.gather [hbm4b:s4+s3], $0x280, $0x38;
	[tilespmem:$0x14500] =	vst v63  }
0x14: {  	s4 =	rddreg [dreg:$0x3]  }
0x15: {  	s15 =	simm.s32 @!p0 $0x4;
	s28 =	sadd.s32 s4, s1  }
0x16: {  	_ =	swait.ge @!p0 [sflag:s15], $0x5000;
	s1 =	sshll.u32 s28, $0x4  }
0x17: {  	[sflag:s15] =	ssyncset.done @!p0 $0x0;
	s1 =	sand.u32 $0x1FFFFFF0, s1  }
0x18: {  	[sflag:s15] =	ssyncadd.s32 @!p0 $0xFFFFB000;
	s15 =	simm.s32 $0x0;
	s1 =	sadd.s32 s5, s1  }
0x19: {  	[tilespmem:s12], [sflag:$0x6] =	stream.linear.gather [hbm4b:s1+s15], $0x280, $0x38;
	[tilespmem:$0x14500] =	vst v63  }
0x1a: {  	_ =	swait.ge [sflag:s13], $0x280  }
0x1b: {  	[sflag:s13] =	ssyncset.done $0x0  }
0x1c: {  	s1 =	simm.s32 $0x500;
	[sflag:s13] =	ssyncadd.s32 $0xFFFFFD80  }
0x1d: {  	[tilespmem:s1], [sflag:$0x1] =	stream.indirect.gather [hbm4b:s6+s14], $0x20, s15, s14, $0xb8;
	[tilespmem:$0x14500] =	vst v63  }
0x1e: {  	s16 =	simm.s32 $0x1500  }
0x1f: {  	[tilespmem:s16], [sflag:$0x1] =	stream.indirect.gather [hbm4b:s6+s14], $0x20, s14, s14, $0xb8;
	[tilespmem:$0x14500] =	vst v63  }
0x20: {  	s17 =	simm.s32 $0x100;
	s20 =	simm.s32 $0x2500  }
0x21: {  	[tilespmem:s20], [sflag:$0x1] =	stream.indirect.gather [hbm4b:s6+s14], $0x20, s17, s14, $0xb8;
	[tilespmem:$0x14500] =	vst v63  }
0x22: {  	s21 =	simm.s32 $0x180;
	s23 =	simm.s32 $0x3500  }
0x23: {  	[tilespmem:s23], [sflag:$0x1] =	stream.indirect.gather [hbm4b:s6+s14], $0x20, s21, s14, $0xb8;
	[tilespmem:$0x14500] =	vst v63  }
0x24: {  	s24 =	simm.s32 $0x200;
	s25 =	simm.s32 $0x4500  }
0x25: {  	[tilespmem:s25], [sflag:$0x1] =	stream.indirect.gather [hbm4b:s6+s14], $0x20, s24, s14, $0xb8;
	[tilespmem:$0x14500] =	vst v63  }
0x26: {  	_ =	swait.ge [sflag:s22], $0x280  }
0x27: {  	[sflag:s22] =	ssyncset.done $0x0  }
0x28: {  	s16 =	simm.s32 $0x5500;
	[sflag:s22] =	ssyncadd.s32 $0xFFFFFD80  }
0x29: {  	[tilespmem:s16], [sflag:$0x2] =	stream.indirect.gather [hbm4b:s6+s14], $0x20, s12, s14, $0xb8;
	[tilespmem:$0x14500] =	vst v63  }
0x2a: {  	s17 =	simm.s32 $0x300;
	s20 =	simm.s32 $0x6500  }
0x2b: {  	[tilespmem:s20], [sflag:$0x2] =	stream.indirect.gather [hbm4b:s6+s14], $0x20, s17, s14, $0xb8;
	[tilespmem:$0x14500] =	vst v63  }
0x2c: {  	s21 =	simm.s32 $0x380;
	s23 =	simm.s32 $0x7500  }
0x2d: {  	[tilespmem:s23], [sflag:$0x2] =	stream.indirect.gather [hbm4b:s6+s14], $0x20, s21, s14, $0xb8;
	[tilespmem:$0x14500] =	vst v63  }
0x2e: {  	s24 =	simm.s32 $0x400;
	s25 =	simm.s32 $0x8500  }
0x2f: {  	[tilespmem:s25], [sflag:$0x2] =	stream.indirect.gather [hbm4b:s6+s14], $0x20, s24, s14, $0xb8;
	[tilespmem:$0x14500] =	vst v63  }
0x30: {  	s17 =	simm.s32 $0x480;
	s20 =	simm.s32 $0x9500  }
0x31: {  	[tilespmem:s20], [sflag:$0x2] =	stream.indirect.gather [hbm4b:s6+s14], $0x20, s17, s14, $0xb8;
	[tilespmem:$0x14500] =	vst v63  }
0x32: {  	_ =	swait.ge [sflag:s0], $0x5000  }
0x33: {  	[sflag:s0] =	ssyncset.done $0x0  }
0x34: {  	s17 =	simm.s32 $0x1;
	[sflag:s0] =	ssyncadd.s32 $0xFFFFB000  }
0x35: {  	v5 =	vor.u32 s17, v0;
	v4 =	vld [tilespmem:s1+$0x20]  }
0x36: {  	s21 =	simm.s32 $0x3  }
0x37: {  	v3 =	vor.u32 s21, v0;
	s20 =	simm.s32 $0x2;
	v2 =	vld [tilespmem:s1+$0x60]  }
0x38: {  	v7 =	vor.u32 s20, v0;
	v6 =	vld [tilespmem:s1+$0x40]  }
0x39: {  	v9 =	vor.u32 s15, v0;
	v8 =	vld [tilespmem:s1+$0x0]  }
0x3a: {  	[tilespmem:v5+s11+$0x0] =	vst.idx.msk $0xffff, v4  }
0x3b: {  	v5 =	vor.u32 s17, v1;
	v4 =	vld [tilespmem:s1+$0x30]  }
0x3c: {  	[tilespmem:v3+s11+$0x0] =	vst.idx.msk $0xffff, v2  }
0x3d: {  	v3 =	vor.u32 s21, v1;
	[tilespmem:v7+s11+$0x0] =	vst.idx.msk $0xffff, v6;
	v2 =	vld [tilespmem:s1+$0x70]  }
0x3e: {  	v7 =	vor.u32 s20, v1;
	[tilespmem:v9+s11+$0x0] =	vst.idx.msk $0xffff, v8;
	v6 =	vld [tilespmem:s1+$0x50]  }
0x3f: {  	v9 =	vor.u32 s15, v1;
	v8 =	vld [tilespmem:s1+$0x10]  }
0x40: {  	s24 =	simm.s32 $0x1001;
	[tilespmem:v5+s11+$0x0] =	vst.idx.msk $0xffff, v4  }
0x41: {  	v5 =	vor.u32 s24, v0;
	v4 =	vld [tilespmem:s1+$0x1020]  }
0x42: {  	s23 =	simm.s32 $0x1003;
	[tilespmem:v3+s11+$0x0] =	vst.idx.msk $0xffff, v2  }
0x43: {  	s25 =	simm.s32 $0x1002;
	v3 =	vor.u32 s23, v0;
	[tilespmem:v7+s11+$0x0] =	vst.idx.msk $0xffff, v6;
	v2 =	vld [tilespmem:s1+$0x1060]  }
0x44: {  	s4 =	simm.s32 $0x1000;
	v7 =	vor.u32 s25, v0;
	[tilespmem:v9+s11+$0x0] =	vst.idx.msk $0xffff, v8;
	v6 =	vld [tilespmem:s1+$0x1040]  }
0x45: {  	v9 =	vor.u32 s4, v0;
	v8 =	vld [tilespmem:s1+$0x1000]  }
0x46: {  	[tilespmem:v5+s11+$0x0] =	vst.idx.msk $0xffff, v4  }
0x47: {  	v5 =	vor.u32 s24, v1;
	v4 =	vld [tilespmem:s1+$0x1030]  }
0x48: {  	[tilespmem:v3+s11+$0x0] =	vst.idx.msk $0xffff, v2  }
0x49: {  	v3 =	vor.u32 s23, v1;
	[tilespmem:v7+s11+$0x0] =	vst.idx.msk $0xffff, v6;
	v2 =	vld [tilespmem:s1+$0x1070]  }
0x4a: {  	v7 =	vor.u32 s25, v1;
	[tilespmem:v9+s11+$0x0] =	vst.idx.msk $0xffff, v8;
	v6 =	vld [tilespmem:s1+$0x1050]  }
0x4b: {  	v9 =	vor.u32 s4, v1;
	v8 =	vld [tilespmem:s1+$0x1010]  }
0x4c: {  	s20 =	simm.s32 $0x2001;
	[tilespmem:v5+s11+$0x0] =	vst.idx.msk $0xffff, v4  }
0x4d: {  	v5 =	vor.u32 s20, v0;
	v4 =	vld [tilespmem:s1+$0x2020]  }
0x4e: {  	s17 =	simm.s32 $0x2003;
	[tilespmem:v3+s11+$0x0] =	vst.idx.msk $0xffff, v2  }
0x4f: {  	s21 =	simm.s32 $0x2002;
	v3 =	vor.u32 s17, v0;
	[tilespmem:v7+s11+$0x0] =	vst.idx.msk $0xffff, v6;
	v2 =	vld [tilespmem:s1+$0x2060]  }
0x50: {  	s23 =	simm.s32 $0x2000;
	v7 =	vor.u32 s21, v0;
	[tilespmem:v9+s11+$0x0] =	vst.idx.msk $0xffff, v8;
	v6 =	vld [tilespmem:s1+$0x2040]  }
0x51: {  	v9 =	vor.u32 s23, v0;
	v8 =	vld [tilespmem:s1+$0x2000]  }
0x52: {  	[tilespmem:v5+s11+$0x0] =	vst.idx.msk $0xffff, v4  }
0x53: {  	v5 =	vor.u32 s20, v1;
	v4 =	vld [tilespmem:s1+$0x2030]  }
0x54: {  	[tilespmem:v3+s11+$0x0] =	vst.idx.msk $0xffff, v2  }
0x55: {  	v3 =	vor.u32 s17, v1;
	[tilespmem:v7+s11+$0x0] =	vst.idx.msk $0xffff, v6;
	v2 =	vld [tilespmem:s1+$0x2070]  }
0x56: {  	v7 =	vor.u32 s21, v1;
	[tilespmem:v9+s11+$0x0] =	vst.idx.msk $0xffff, v8;
	v6 =	vld [tilespmem:s1+$0x2050]  }
0x57: {  	s30 =	simm.s32 $0x580;
	v9 =	vor.u32 s23, v1;
	s21 =	simm.s32 $0x5;
	v8 =	vld [tilespmem:s1+$0x2010]  }
0x58: {  	v12 =	vld [tilespmem:s30+$0x20];
	s25 =	simm.s32 $0x3001;
	v13 =	vor.u32 s21, v0;
	[tilespmem:v5+s11+$0x0] =	vst.idx.msk $0xffff, v4  }
0x59: {  	s4 =	simm.s32 $0x7;
	v5 =	vor.u32 s25, v0;
	v4 =	vld [tilespmem:s1+$0x3020]  }
0x5a: {  	v10 =	vld [tilespmem:s30+$0x60];
	s24 =	simm.s32 $0x3003;
	v11 =	vor.u32 s4, v0;
	[tilespmem:v3+s11+$0x0] =	vst.idx.msk $0xffff, v2  }
0x5b: {  	s31 =	simm.s32 $0x4;
	v3 =	vor.u32 s24, v0;
	[tilespmem:v7+s11+$0x0] =	vst.idx.msk $0xffff, v6;
	v2 =	vld [tilespmem:s1+$0x3060]  }
0x5c: {  	s15 =	simm.s32 $0x3002;
	[tilespmem:v9+s11+$0x0] =	vst.idx.msk $0xffff, v8;
	v8 =	vld [tilespmem:s30+$0x0];
	v9 =	vor.u32 s31, v0  }
0x5d: {  	s23 =	simm.s32 $0x6;
	v7 =	vor.u32 s15, v0;
	[tilespmem:v13+s11+$0x0] =	vst.idx.msk $0xffff, v12;
	v6 =	vld [tilespmem:s1+$0x3040]  }
0x5e: {  	[tilespmem:v5+s11+$0x0] =	vst.idx.msk $0xffff, v4;
	v4 =	vld [tilespmem:s30+$0x40];
	v5 =	vor.u32 s23, v0  }
0x5f: {  	[tilespmem:v11+s11+$0x0] =	vst.idx.msk $0xffff, v10;
	v59 =	vor.u32 s21, v1;
	v12 =	vld [tilespmem:s30+$0x30]  }
0x60: {  	v11 =	vor.u32 s4, v1;
	v10 =	vld [tilespmem:s30+$0x70];
	[tilespmem:v3+s11+$0x0] =	vst.idx.msk $0xffff, v2  }
0x61: {  	s16 =	simm.s32 $0x3000;
	[tilespmem:v9+s11+$0x0] =	vst.idx.msk $0xffff, v8;
	v3 =	vor.u32 s24, v1;
	v2 =	vld [tilespmem:s1+$0x3070]  }
0x62: {  	[tilespmem:v7+s11+$0x0] =	vst.idx.msk $0xffff, v6;
	v6 =	vld [tilespmem:s1+$0x3000];
	v7 =	vor.u32 s16, v0  }
0x63: {  	v9 =	vor.u32 s31, v1;
	v8 =	vld [tilespmem:s30+$0x10];
	[tilespmem:v5+s11+$0x0] =	vst.idx.msk $0xffff, v4  }
0x64: {  	[tilespmem:v59+s11+$0x0] =	vst.idx.msk $0xffff, v12;
	s24 =	simm.s32 $0x1005;
	v5 =	vor.u32 s23, v1;
	v4 =	vld [tilespmem:s30+$0x50]  }
0x65: {  	[tilespmem:v11+s11+$0x0] =	vst.idx.msk $0xffff, v10;
	v12 =	vld [tilespmem:s30+$0x1020];
	v60 =	vor.u32 s24, v0;
	s23 =	simm.s32 $0x1007  }
0x66: {  	s21 =	simm.s32 $0x4003;
	v10 =	vld [tilespmem:s30+$0x1060];
	[tilespmem:v3+s11+$0x0] =	vst.idx.msk $0xffff, v2;
	v11 =	vor.u32 s23, v0  }
0x67: {  	[tilespmem:v7+s11+$0x0] =	vst.idx.msk $0xffff, v6;
	v3 =	vor.u32 s21, v0;
	v2 =	vld [tilespmem:s1+$0x4060]  }
0x68: {  	s4 =	simm.s32 $0x1004;
	v6 =	vld [tilespmem:s1+$0x3030];
	v7 =	vor.u32 s25, v1;
	[tilespmem:v9+s11+$0x0] =	vst.idx.msk $0xffff, v8  }
0x69: {  	s25 =	simm.s32 $0x1006;
	v9 =	vor.u32 s4, v0;
	v8 =	vld [tilespmem:s30+$0x1000];
	[tilespmem:v5+s11+$0x0] =	vst.idx.msk $0xffff, v4  }
0x6a: {  	[tilespmem:v60+s11+$0x0] =	vst.idx.msk $0xffff, v12;
	v5 =	vor.u32 s25, v0;
	v4 =	vld [tilespmem:s30+$0x1040]  }
0x6b: {  	v61 =	vor.u32 s24, v1;
	v12 =	vld [tilespmem:s30+$0x1030];
	[tilespmem:v11+s11+$0x0] =	vst.idx.msk $0xffff, v10  }
0x6c: {  	v11 =	vor.u32 s23, v1;
	[tilespmem:v3+s11+$0x0] =	vst.idx.msk $0xffff, v2;
	v10 =	vld [tilespmem:s30+$0x1070]  }
0x6d: {  	[tilespmem:v7+s11+$0x0] =	vst.idx.msk $0xffff, v6;
	v3 =	vor.u32 s21, v1;
	v2 =	vld [tilespmem:s1+$0x4070]  }
0x6e: {  	v6 =	vld [tilespmem:s1+$0x3050];
	v7 =	vor.u32 s15, v1;
	[tilespmem:v9+s11+$0x0] =	vst.idx.msk $0xffff, v8  }
0x6f: {  	v9 =	vor.u32 s4, v1;
	v8 =	vld [tilespmem:s30+$0x1010];
	[tilespmem:v5+s11+$0x0] =	vst.idx.msk $0xffff, v4  }
0x70: {  	[tilespmem:v61+s11+$0x0] =	vst.idx.msk $0xffff, v12;
	s21 =	simm.s32 $0x2005;
	v5 =	vor.u32 s25, v1;
	v4 =	vld [tilespmem:s30+$0x1050]  }
0x71: {  	v12 =	vld [tilespmem:s30+$0x2020];
	v62 =	vor.u32 s21, v0;
	[tilespmem:v11+s11+$0x0] =	vst.idx.msk $0xffff, v10  }
0x72: {  	s20 =	simm.s32 $0x2007;
	[tilespmem:v3+s11+$0x0] =	vst.idx.msk $0xffff, v2;
	v2 =	vld [tilespmem:s1+$0x3010];
	v3 =	vor.u32 s16, v1  }
0x73: {  	s15 =	simm.s32 $0x4001;
	[tilespmem:v7+s11+$0x0] =	vst.idx.msk $0xffff, v6;
	v11 =	vor.u32 s20, v0;
	v10 =	vld [tilespmem:s30+$0x2060]  }
0x74: {  	v6 =	vld [tilespmem:s1+$0x4020];
	v7 =	vor.u32 s15, v0;
	[tilespmem:v9+s11+$0x0] =	vst.idx.msk $0xffff, v8;
	s25 =	simm.s32 $0x2004  }
0x75: {  	s23 =	simm.s32 $0x2006;
	v8 =	vld [tilespmem:s30+$0x2000];
	v9 =	vor.u32 s25, v0;
	[tilespmem:v5+s11+$0x0] =	vst.idx.msk $0xffff, v4  }
0x76: {  	[tilespmem:v62+s11+$0x0] =	vst.idx.msk $0xffff, v12;
	v5 =	vor.u32 s23, v0;
	v4 =	vld [tilespmem:s30+$0x2040]  }
0x77: {  	s4 =	simm.s32 $0x4002;
	v63 =	vor.u32 s21, v1;
	v12 =	vld [tilespmem:s30+$0x2030];
	[tilespmem:v3+s11+$0x0] =	vst.idx.msk $0xffff, v2  }
0x78: {  	v2 =	vld [tilespmem:s1+$0x4040];
	v3 =	vor.u32 s4, v0;
	[tilespmem:v11+s11+$0x0] =	vst.idx.msk $0xffff, v10  }
0x79: {  	s24 =	simm.s32 $0x4000;
	[tilespmem:v7+s11+$0x0] =	vst.idx.msk $0xffff, v6;
	v10 =	vor.u32 s20, v1;
	v11 =	vld [tilespmem:s30+$0x2070]  }
0x7a: {  	v7 =	vor.u32 s24, v0;
	[tilespmem:v9+s11+$0x0] =	vst.idx.msk $0xffff, v8;
	v6 =	vld [tilespmem:s1+$0x4000]  }
0x7b: {  	v16 =	vor.u32 s25, v1;
	v15 =	vld [tilespmem:s30+$0x2010];
	[tilespmem:v5+s11+$0x0] =	vst.idx.msk $0xffff, v4  }
0x7c: {  	v14 =	vor.u32 s23, v1;
	[tilespmem:v63+s11+$0x0] =	vst.idx.msk $0xffff, v12;
	v5 =	vld [tilespmem:s30+$0x2050]  }
0x7d: {  	[tilespmem:v3+s11+$0x0] =	vst.idx.msk $0xffff, v2;
	v2 =	vld [tilespmem:s1+$0x4030];
	v3 =	vor.u32 s15, v1  }
0x7e: {  	s21 =	simm.s32 $0x3007;
	[tilespmem:v10+s11+$0x0] =	vst.idx.msk $0xffff, v11;
	v8 =	vld [tilespmem:s1+$0x4050];
	v10 =	vor.u32 s4, v1  }
0x7f: {  	s20 =	simm.s32 $0x3005;
	[tilespmem:v7+s11+$0x0] =	vst.idx.msk $0xffff, v6;
	v11 =	vor.u32 s21, v0;
	v9 =	vld [tilespmem:s30+$0x3060]  }
0x80: {  	v4 =	vld [tilespmem:s30+$0x3020];
	v6 =	vor.u32 s20, v0;
	[tilespmem:v16+s11+$0x0] =	vst.idx.msk $0xffff, v15  }
0x81: {  	s17 =	simm.s32 $0xC;
	s16 =	simm.s32 $0x3006;
	v7 =	vor.u32 s24, v1;
	[tilespmem:v14+s11+$0x0] =	vst.idx.msk $0xffff, v5;
	v5 =	vld [tilespmem:s1+$0x4010]  }
0x82: {  	s23 =	simm.s32 $0xB;
	s15 =	simm.s32 $0x8;
	[tilespmem:v3+s11+$0x0] =	vst.idx.msk $0xffff, v2;
	v3 =	vor.u32 s16, v0;
	s1 =	simm.s32 $0x600;
	v2 =	vld [tilespmem:s30+$0x3040]  }
.LBB2_3:
0x83: {  	p0 =	slt.u32 s17, $0x7C;
	s24 =	sadd.s32 $0x1, s15;
	v12 =	vld [tilespmem:s1+$0x60];
	v13 =	vor.u32 s23, v0;
	[tilespmem:v10+s11+$0x0] =	vst.idx.msk $0xffff, v8  }
0x84: {  	v8 =	vld [tilespmem:s1+$0x20];
	v10 =	vor.u32 s24, v0;
	[tilespmem:v11+s11+$0x0] =	vst.idx.msk $0xffff, v9  }
0x85: {  	s25 =	sadd.s32 $0x2, s15;
	[tilespmem:v6+s11+$0x0] =	vst.idx.msk $0xffff, v4;
	v4 =	vld [tilespmem:s30+$0x3070];
	v6 =	vor.u32 s21, v1  }
0x86: {  	v11 =	vor.u32 s25, v0;
	v9 =	vld [tilespmem:s1+$0x40];
	[tilespmem:v7+s11+$0x0] =	vst.idx.msk $0xffff, v5  }
0x87: {  	s21 =	sadd.s32 $0x3000, s31;
	v7 =	vor.u32 s15, v0;
	v5 =	vld [tilespmem:s1+$0x0];
	[tilespmem:v3+s11+$0x0] =	vst.idx.msk $0xffff, v2  }
0x88: {  	v3 =	vor.u32 s21, v0;
	[tilespmem:v13+s11+$0x0] =	vst.idx.msk $0xffff, v12;
	v2 =	vld [tilespmem:s30+$0x3000]  }
0x89: {  	[tilespmem:v10+s11+$0x0] =	vst.idx.msk $0xffff, v8;
	v8 =	vld [tilespmem:s1+$0x70];
	v10 =	vor.u32 s23, v1  }
0x8a: {  	v13 =	vor.u32 s24, v1;
	s23 =	sadd.s32 $0x4003, s31;
	v12 =	vld [tilespmem:s1+$0x30];
	[tilespmem:v6+s11+$0x0] =	vst.idx.msk $0xffff, v4  }
0x8b: {  	v6 =	vor.u32 s23, v0;
	[tilespmem:v11+s11+$0x0] =	vst.idx.msk $0xffff, v9;
	v4 =	vld [tilespmem:s30+$0x4060]  }
0x8c: {  	[tilespmem:v7+s11+$0x0] =	vst.idx.msk $0xffff, v5;
	v5 =	vld [tilespmem:s1+$0x50];
	v7 =	vor.u32 s25, v1  }
0x8d: {  	v11 =	vor.u32 s15, v1;
	v9 =	vld [tilespmem:s1+$0x10];
	[tilespmem:v3+s11+$0x0] =	vst.idx.msk $0xffff, v2  }
0x8e: {  	s24 =	sadd.s32 $0x1003, s15;
	v3 =	vor.u32 s20, v1;
	[tilespmem:v10+s11+$0x0] =	vst.idx.msk $0xffff, v8;
	v2 =	vld [tilespmem:s30+$0x3030]  }
0x8f: {  	s20 =	sadd.s32 $0x1001, s15;
	v10 =	vor.u32 s24, v0;
	[tilespmem:v13+s11+$0x0] =	vst.idx.msk $0xffff, v12;
	v8 =	vld [tilespmem:s1+$0x1060]  }
0x90: {  	v13 =	vor.u32 s20, v0;
	v12 =	vld [tilespmem:s1+$0x1020];
	[tilespmem:v6+s11+$0x0] =	vst.idx.msk $0xffff, v4  }
0x91: {  	s25 =	sadd.s32 $0x1002, s15;
	[tilespmem:v7+s11+$0x0] =	vst.idx.msk $0xffff, v5;
	v4 =	vld [tilespmem:s30+$0x4070];
	v5 =	vor.u32 s23, v1  }
0x92: {  	s23 =	sadd.s32 $0x1000, s15;
	v7 =	vor.u32 s25, v0;
	[tilespmem:v11+s11+$0x0] =	vst.idx.msk $0xffff, v9;
	v6 =	vld [tilespmem:s1+$0x1040]  }
0x93: {  	v11 =	vor.u32 s23, v0;
	v9 =	vld [tilespmem:s1+$0x1000];
	[tilespmem:v3+s11+$0x0] =	vst.idx.msk $0xffff, v2  }
0x94: {  	v3 =	vor.u32 s16, v1;
	[tilespmem:v10+s11+$0x0] =	vst.idx.msk $0xffff, v8;
	v2 =	vld [tilespmem:s30+$0x3050]  }
0x95: {  	v10 =	vor.u32 s24, v1;
	[tilespmem:v13+s11+$0x0] =	vst.idx.msk $0xffff, v12;
	v8 =	vld [tilespmem:s1+$0x1070]  }
0x96: {  	v13 =	vor.u32 s20, v1;
	v12 =	vld [tilespmem:s1+$0x1030];
	[tilespmem:v5+s11+$0x0] =	vst.idx.msk $0xffff, v4  }
0x97: {  	v5 =	vor.u32 s21, v1;
	[tilespmem:v7+s11+$0x0] =	vst.idx.msk $0xffff, v6;
	v4 =	vld [tilespmem:s30+$0x3010]  }
0x98: {  	v7 =	vor.u32 s25, v1;
	[tilespmem:v11+s11+$0x0] =	vst.idx.msk $0xffff, v9;
	v6 =	vld [tilespmem:s1+$0x1050]  }
0x99: {  	s16 =	sadd.s32 $0x4001, s31;
	v11 =	vor.u32 s23, v1;
	v9 =	vld [tilespmem:s1+$0x1010];
	[tilespmem:v3+s11+$0x0] =	vst.idx.msk $0xffff, v2  }
0x9a: {  	s20 =	sadd.s32 $0x2003, s15;
	v3 =	vor.u32 s16, v0;
	[tilespmem:v10+s11+$0x0] =	vst.idx.msk $0xffff, v8;
	v2 =	vld [tilespmem:s30+$0x4020]  }
0x9b: {  	s21 =	sadd.s32 $0x2001, s15;
	v10 =	vor.u32 s20, v0;
	[tilespmem:v13+s11+$0x0] =	vst.idx.msk $0xffff, v12;
	v8 =	vld [tilespmem:s1+$0x2060]  }
0x9c: {  	s23 =	sadd.s32 $0x4002, s31;
	v13 =	vor.u32 s21, v0;
	v12 =	vld [tilespmem:s1+$0x2020];
	[tilespmem:v5+s11+$0x0] =	vst.idx.msk $0xffff, v4  }
0x9d: {  	s24 =	sadd.s32 $0x2002, s15;
	v5 =	vor.u32 s23, v0;
	[tilespmem:v7+s11+$0x0] =	vst.idx.msk $0xffff, v6;
	v4 =	vld [tilespmem:s30+$0x4040]  }
0x9e: {  	s25 =	sadd.s32 $0x2000, s15;
	v7 =	vor.u32 s24, v0;
	[tilespmem:v11+s11+$0x0] =	vst.idx.msk $0xffff, v9;
	v6 =	vld [tilespmem:s1+$0x2040]  }
0x9f: {  	s4 =	sadd.s32 $0x4000, s31;
	s31 =	smov.u32 s15;
	s15 =	smov.u32 s17;
	v11 =	vor.u32 s25, v0;
	v9 =	vld [tilespmem:s1+$0x2000];
	[tilespmem:v3+s11+$0x0] =	vst.idx.msk $0xffff, v2  }
0xa0: {  	v3 =	vor.u32 s4, v0;
	[tilespmem:v10+s11+$0x0] =	vst.idx.msk $0xffff, v8;
	v2 =	vld [tilespmem:s30+$0x4000]  }
0xa1: {  	v10 =	vor.u32 s20, v1;
	[tilespmem:v13+s11+$0x0] =	vst.idx.msk $0xffff, v12;
	v8 =	vld [tilespmem:s1+$0x2070]  }
0xa2: {  	v13 =	vor.u32 s21, v1;
	v12 =	vld [tilespmem:s1+$0x2030];
	[tilespmem:v5+s11+$0x0] =	vst.idx.msk $0xffff, v4  }
0xa3: {  	[tilespmem:v7+s11+$0x0] =	vst.idx.msk $0xffff, v6;
	v5 =	vld [tilespmem:s30+$0x4030];
	v7 =	vor.u32 s16, v1  }
0xa4: {  	v15 =	vor.u32 s24, v1;
	[tilespmem:v11+s11+$0x0] =	vst.idx.msk $0xffff, v9;
	v14 =	vld [tilespmem:s1+$0x2050]  }
0xa5: {  	v17 =	vor.u32 s25, v1;
	v16 =	vld [tilespmem:s1+$0x2010];
	[tilespmem:v3+s11+$0x0] =	vst.idx.msk $0xffff, v2  }
.Ltmp0:
0xa6: {  	s21 =	sadd.s32 $0x3003, s31;
	[tilespmem:v10+s11+$0x0] =	vst.idx.msk $0xffff, v8;
	v8 =	vld [tilespmem:s30+$0x4050];
	v10 =	vor.u32 s23, v1;
	(pc) =	sbr.rel @p0 .LBB2_3-.Ltmp0, $4  }
0xa7: {  	s20 =	sadd.s32 $0x3001, s31;
	v11 =	vor.u32 s21, v0;
	[tilespmem:v13+s11+$0x0] =	vst.idx.msk $0xffff, v12;
	v9 =	vld [tilespmem:s1+$0x3060]  }
0xa8: {  	v6 =	vor.u32 s20, v0;
	v4 =	vld [tilespmem:s1+$0x3020];
	[tilespmem:v7+s11+$0x0] =	vst.idx.msk $0xffff, v5  }
0xa9: {  	s16 =	sadd.s32 $0x3002, s31;
	v7 =	vor.u32 s4, v1;
	[tilespmem:v15+s11+$0x0] =	vst.idx.msk $0xffff, v14;
	v5 =	vld [tilespmem:s30+$0x4010];
	s30 =	smov.u32 s1  }
0xaa: {  	s17 =	sadd.s32 $0x4, s17;
	v3 =	vor.u32 s16, v0;
	s23 =	sadd.s32 $0x3, s15;
	s1 =	sadd.s32 $0x80, s1;
	[tilespmem:v17+s11+$0x0] =	vst.idx.msk $0xffff, v16;
	v2 =	vld [tilespmem:s30+$0x3040]  }
0xab: {  	v12 =	vld [tilespmem:s1+$0x60];
	v13 =	vor.u32 s23, v0  }
0xac: {  	s4 =	sadd.s32 $0x1, s15;
	v18 =	vld [tilespmem:s1+$0x0];
	v19 =	vor.u32 s15, v0  }
0xad: {  	v14 =	vld [tilespmem:s1+$0x20];
	s17 =	sadd.s32 $0x2, s15;
	v15 =	vor.u32 s4, v0  }
0xae: {  	v16 =	vld [tilespmem:s1+$0x40];
	v17 =	vor.u32 s17, v0  }
0xaf: {  	[tilespmem:v10+s11+$0x0] =	vst.idx.msk $0xffff, v8  }
0xb0: {  	[tilespmem:v13+s11+$0x0] =	vst.idx.msk $0xffff, v12  }
0xb1: {  	v41 =	vor.u32 s23, v1;
	[tilespmem:v19+s11+$0x0] =	vst.idx.msk $0xffff, v18;
	v12 =	vld [tilespmem:s1+$0x70]  }
0xb2: {  	v10 =	vor.u32 s15, v1;
	[tilespmem:v15+s11+$0x0] =	vst.idx.msk $0xffff, v14;
	v8 =	vld [tilespmem:s1+$0x10]  }
0xb3: {  	v42 =	vor.u32 s4, v1;
	[tilespmem:v17+s11+$0x0] =	vst.idx.msk $0xffff, v16;
	v14 =	vld [tilespmem:s1+$0x30]  }
0xb4: {  	v43 =	vor.u32 s17, v1;
	[tilespmem:v11+s11+$0x0] =	vst.idx.msk $0xffff, v9;
	v16 =	vld [tilespmem:s1+$0x50]  }
0xb5: {  	[tilespmem:v6+s11+$0x0] =	vst.idx.msk $0xffff, v4  }
0xb6: {  	s17 =	sadd.s32 $0x1003, s15;
	[tilespmem:v41+s11+$0x0] =	vst.idx.msk $0xffff, v12  }
0xb7: {  	s24 =	sadd.s32 $0x1000, s15;
	v11 =	vor.u32 s17, v0;
	[tilespmem:v10+s11+$0x0] =	vst.idx.msk $0xffff, v8;
	v9 =	vld [tilespmem:s1+$0x1060]  }
0xb8: {  	s23 =	sadd.s32 $0x1001, s15;
	v6 =	vor.u32 s24, v0;
	[tilespmem:v42+s11+$0x0] =	vst.idx.msk $0xffff, v14;
	v4 =	vld [tilespmem:s1+$0x1000]  }
0xb9: {  	s25 =	sadd.s32 $0x1002, s15;
	v45 =	vor.u32 s23, v0;
	[tilespmem:v43+s11+$0x0] =	vst.idx.msk $0xffff, v16;
	v44 =	vld [tilespmem:s1+$0x1020]  }
0xba: {  	[tilespmem:v7+s11+$0x0] =	vst.idx.msk $0xffff, v5;
	v10 =	vor.u32 s25, v0;
	v8 =	vld [tilespmem:s1+$0x1040]  }
0xbb: {  	[tilespmem:v3+s11+$0x0] =	vst.idx.msk $0xffff, v2  }
0xbc: {  	v5 =	vld [tilespmem:s30+$0x3070];
	v7 =	vor.u32 s21, v1;
	[tilespmem:v11+s11+$0x0] =	vst.idx.msk $0xffff, v9  }
0xbd: {  	v11 =	vor.u32 s17, v1;
	[tilespmem:v6+s11+$0x0] =	vst.idx.msk $0xffff, v4;
	v9 =	vld [tilespmem:s1+$0x1070]  }
0xbe: {  	s4 =	sadd.s32 $0x3000, s31;
	v3 =	vor.u32 s24, v1;
	[tilespmem:v45+s11+$0x0] =	vst.idx.msk $0xffff, v44;
	v2 =	vld [tilespmem:s1+$0x1010]  }
0xbf: {  	[tilespmem:v10+s11+$0x0] =	vst.idx.msk $0xffff, v8;
	v8 =	vld [tilespmem:s30+$0x3000];
	v10 =	vor.u32 s4, v0  }
0xc0: {  	v46 =	vor.u32 s23, v1;
	v12 =	vld [tilespmem:s1+$0x1030]  }
0xc1: {  	[tilespmem:v7+s11+$0x0] =	vst.idx.msk $0xffff, v5;
	v6 =	vor.u32 s25, v1;
	v4 =	vld [tilespmem:s1+$0x1050]  }
0xc2: {  	s17 =	sadd.s32 $0x4003, s31;
	[tilespmem:v11+s11+$0x0] =	vst.idx.msk $0xffff, v9  }
0xc3: {  	v5 =	vld [tilespmem:s30+$0x4060];
	v7 =	vor.u32 s17, v0;
	[tilespmem:v3+s11+$0x0] =	vst.idx.msk $0xffff, v2  }
0xc4: {  	s21 =	sadd.s32 $0x2003, s15;
	[tilespmem:v10+s11+$0x0] =	vst.idx.msk $0xffff, v8;
	v8 =	vor.u32 s20, v1;
	v10 =	vld [tilespmem:s30+$0x3030]  }
0xc5: {  	s25 =	sadd.s32 $0x2000, s15;
	v11 =	vor.u32 s21, v0;
	[tilespmem:v46+s11+$0x0] =	vst.idx.msk $0xffff, v12;
	v9 =	vld [tilespmem:s1+$0x2060]  }
0xc6: {  	s23 =	sadd.s32 $0x2001, s15;
	[tilespmem:v6+s11+$0x0] =	vst.idx.msk $0xffff, v4;
	v4 =	vld [tilespmem:s1+$0x2000];
	v6 =	vor.u32 s25, v0  }
0xc7: {  	v47 =	vor.u32 s23, v0;
	s24 =	sadd.s32 $0x2002, s15;
	v12 =	vld [tilespmem:s1+$0x2020]  }
0xc8: {  	v3 =	vor.u32 s24, v0;
	[tilespmem:v7+s11+$0x0] =	vst.idx.msk $0xffff, v5;
	v2 =	vld [tilespmem:s1+$0x2040]  }
0xc9: {  	v5 =	vor.u32 s17, v1;
	v7 =	vld [tilespmem:s30+$0x4070];
	[tilespmem:v8+s11+$0x0] =	vst.idx.msk $0xffff, v10  }
0xca: {  	v8 =	vld [tilespmem:s30+$0x3050];
	v10 =	vor.u32 s16, v1;
	[tilespmem:v11+s11+$0x0] =	vst.idx.msk $0xffff, v9  }
0xcb: {  	v11 =	vor.u32 s21, v1;
	[tilespmem:v6+s11+$0x0] =	vst.idx.msk $0xffff, v4;
	v9 =	vld [tilespmem:s1+$0x2070]  }
0xcc: {  	v6 =	vor.u32 s25, v1;
	[tilespmem:v47+s11+$0x0] =	vst.idx.msk $0xffff, v12;
	v4 =	vld [tilespmem:s1+$0x2010]  }
0xcd: {  	v48 =	vor.u32 s23, v1;
	[tilespmem:v3+s11+$0x0] =	vst.idx.msk $0xffff, v2;
	v12 =	vld [tilespmem:s1+$0x2030]  }
0xce: {  	[tilespmem:v5+s11+$0x0] =	vst.idx.msk $0xffff, v7;
	v3 =	vor.u32 s24, v1;
	v2 =	vld [tilespmem:s1+$0x2050]  }
0xcf: {  	v5 =	vld [tilespmem:s30+$0x3010];
	v7 =	vor.u32 s4, v1;
	s25 =	sadd.s32 $0x4001, s31;
	[tilespmem:v10+s11+$0x0] =	vst.idx.msk $0xffff, v8  }
0xd0: {  	s17 =	sadd.s32 $0x3003, s15;
	v8 =	vld [tilespmem:s30+$0x4020];
	v10 =	vor.u32 s25, v0;
	[tilespmem:v11+s11+$0x0] =	vst.idx.msk $0xffff, v9  }
0xd1: {  	s24 =	sadd.s32 $0x3000, s15;
	v11 =	vor.u32 s17, v0;
	[tilespmem:v6+s11+$0x0] =	vst.idx.msk $0xffff, v4;
	v9 =	vld [tilespmem:s1+$0x3060]  }
0xd2: {  	s20 =	sadd.s32 $0x3001, s15;
	v6 =	vor.u32 s24, v0;
	[tilespmem:v48+s11+$0x0] =	vst.idx.msk $0xffff, v12;
	v4 =	vld [tilespmem:s1+$0x3000]  }
0xd3: {  	v49 =	vor.u32 s20, v0;
	s21 =	sadd.s32 $0x3002, s15;
	[tilespmem:v3+s11+$0x0] =	vst.idx.msk $0xffff, v2;
	v12 =	vld [tilespmem:s1+$0x3020]  }
0xd4: {  	[tilespmem:v7+s11+$0x0] =	vst.idx.msk $0xffff, v5;
	v3 =	vor.u32 s21, v0;
	v2 =	vld [tilespmem:s1+$0x3040]  }
0xd5: {  	s23 =	sadd.s32 $0x4002, s31;
	[tilespmem:v10+s11+$0x0] =	vst.idx.msk $0xffff, v8  }
0xd6: {  	v5 =	vld [tilespmem:s30+$0x4040];
	v7 =	vor.u32 s23, v0;
	[tilespmem:v11+s11+$0x0] =	vst.idx.msk $0xffff, v9  }
0xd7: {  	v9 =	vor.u32 s17, v1;
	[tilespmem:v6+s11+$0x0] =	vst.idx.msk $0xffff, v4;
	v11 =	vld [tilespmem:s1+$0x3070]  }
0xd8: {  	v10 =	vor.u32 s24, v1;
	[tilespmem:v49+s11+$0x0] =	vst.idx.msk $0xffff, v12;
	v8 =	vld [tilespmem:s1+$0x3010]  }
0xd9: {  	[tilespmem:v3+s11+$0x0] =	vst.idx.msk $0xffff, v2;
	v3 =	vor.u32 s20, v1;
	v2 =	vld [tilespmem:s1+$0x3030]  }
0xda: {  	v6 =	vor.u32 s21, v1;
	v4 =	vld [tilespmem:s1+$0x3050]  }
0xdb: {  	[tilespmem:v7+s11+$0x0] =	vst.idx.msk $0xffff, v5;
	v5 =	vld [tilespmem:s30+$0x4030];
	v7 =	vor.u32 s25, v1;
	s17 =	sadd.s32 $0x4000, s31  }
0xdc: {  	v50 =	vld [tilespmem:s30+$0x4000];
	s21 =	sadd.s32 $0x4003, s15;
	v51 =	vor.u32 s17, v0;
	[tilespmem:v9+s11+$0x0] =	vst.idx.msk $0xffff, v11  }
0xdd: {  	s31 =	sadd.s32 $0x4000, s15;
	v11 =	vor.u32 s21, v0;
	[tilespmem:v10+s11+$0x0] =	vst.idx.msk $0xffff, v8;
	v9 =	vld [tilespmem:s1+$0x4060]  }
0xde: {  	s24 =	sadd.s32 $0x4001, s15;
	v10 =	vor.u32 s31, v0;
	[tilespmem:v3+s11+$0x0] =	vst.idx.msk $0xffff, v2;
	v8 =	vld [tilespmem:s1+$0x4000]  }
0xdf: {  	s25 =	sadd.s32 $0x4002, s15;
	[tilespmem:v6+s11+$0x0] =	vst.idx.msk $0xffff, v4;
	v3 =	vor.u32 s24, v0;
	v2 =	vld [tilespmem:s1+$0x4020]  }
0xe0: {  	[tilespmem:v7+s11+$0x0] =	vst.idx.msk $0xffff, v5;
	v6 =	vor.u32 s25, v0;
	v4 =	vld [tilespmem:s1+$0x4040]  }
0xe1: {  	v53 =	vor.u32 s23, v1;
	v52 =	vld [tilespmem:s30+$0x4050];
	[tilespmem:v51+s11+$0x0] =	vst.idx.msk $0xffff, v50  }
0xe2: {  	v7 =	vor.u32 s17, v1;
	v5 =	vld [tilespmem:s30+$0x4010];
	[tilespmem:v11+s11+$0x0] =	vst.idx.msk $0xffff, v9  }
0xe3: {  	v11 =	vor.u32 s21, v1;
	[tilespmem:v10+s11+$0x0] =	vst.idx.msk $0xffff, v8;
	v9 =	vld [tilespmem:s1+$0x4070]  }
0xe4: {  	v10 =	vor.u32 s31, v1;
	[tilespmem:v3+s11+$0x0] =	vst.idx.msk $0xffff, v2;
	v8 =	vld [tilespmem:s1+$0x4010]  }
0xe5: {  	[tilespmem:v6+s11+$0x0] =	vst.idx.msk $0xffff, v4;
	v3 =	vor.u32 s24, v1;
	v2 =	vld [tilespmem:s1+$0x4030]  }
0xe6: {  	[tilespmem:v53+s11+$0x0] =	vst.idx.msk $0xffff, v52;
	v6 =	vor.u32 s25, v1;
	v4 =	vld [tilespmem:s1+$0x4050]  }
0xe7: {  	[tilespmem:v7+s11+$0x0] =	vst.idx.msk $0xffff, v5  }
0xe8: {  	s20 =	sshll.u32 s29, $0x9;
	s21 =	sshll.u32 s29, $0x7;
	[tilespmem:v11+s11+$0x0] =	vst.idx.msk $0xffff, v9  }
0xe9: {  	s4 =	sand.u32 $0xF00, s21;
	s1 =	sand.u32 $0x7FFFC000, s20;
	[tilespmem:v10+s11+$0x0] =	vst.idx.msk $0xffff, v8  }
0xea: {  	s1 =	sor.u32 s4, s1;
	[tilespmem:v3+s11+$0x0] =	vst.idx.msk $0xffff, v2  }
0xeb: {  	s15 =	simm.s32 $0x0;
	s4 =	sadd.s32 s2, s1;
	[tilespmem:v6+s11+$0x0] =	vst.idx.msk $0xffff, v4  }
0xec: {  	[hbm4b:s4+s15] =	stream.linear.scatter [tilespmem:s11], [sflag:$0x3], $0x400, $0x38;
	[tilespmem:$0x14500] =	vst v63  }
0xed: {  	s24 =	simm.s32 $0xA900;
	s23 =	sadd.s32 s1, s8  }
0xee: {  	[hbm4b:s23+s15] =	stream.linear.scatter [tilespmem:s24], [sflag:$0x3], $0x400, $0x38;
	[tilespmem:$0x14500] =	vst v63  }
0xef: {  	s31 =	simm.s32 $0xAD00;
	s25 =	sadd.s32 s1, s9  }
0xf0: {  	[hbm4b:s25+s15] =	stream.linear.scatter [tilespmem:s31], [sflag:$0x3], $0x400, $0x38;
	[tilespmem:$0x14500] =	vst v63  }
0xf1: {  	s17 =	simm.s32 $0xB100;
	s16 =	sadd.s32 s1, s10;
	s1 =	sor.u32 $0x80, s1  }
0xf2: {  	[hbm4b:s16+s15] =	stream.linear.scatter [tilespmem:s17], [sflag:$0x3], $0x400, $0x38;
	[tilespmem:$0x14500] =	vst v63  }
0xf3: {  	s21 =	simm.s32 $0xB500;
	s20 =	sadd.s32 s2, s1  }
0xf4: {  	[hbm4b:s20+s15] =	stream.linear.scatter [tilespmem:s21], [sflag:$0x3], $0x400, $0x38;
	[tilespmem:$0x14500] =	vst v63  }
0xf5: {  	s23 =	sadd.s32 s1, s8;
	s24 =	simm.s32 $0xB900  }
0xf6: {  	[hbm4b:s23+s15] =	stream.linear.scatter [tilespmem:s24], [sflag:$0x3], $0x400, $0x38;
	[tilespmem:$0x14500] =	vst v63  }
0xf7: {  	s25 =	sadd.s32 s1, s9;
	s31 =	simm.s32 $0xBD00  }
0xf8: {  	[hbm4b:s25+s15] =	stream.linear.scatter [tilespmem:s31], [sflag:$0x3], $0x400, $0x38;
	[tilespmem:$0x14500] =	vst v63  }
0xf9: {  	s1 =	sadd.s32 s1, s10;
	s16 =	simm.s32 $0xC100;
	s17 =	sadd.s32 $0x2, s29  }
0xfa: {  	[hbm4b:s1+s15] =	stream.linear.scatter [tilespmem:s16], [sflag:$0x3], $0x400, $0x38;
	[tilespmem:$0x14500] =	vst v63  }
0xfb: {  	s20 =	sshll.u32 s17, $0x9;
	s1 =	sshll.u32 s17, $0x7  }
0xfc: {  	s4 =	sand.u32 $0xFFFC000, s20;
	s1 =	sand.u32 $0xF00, s1  }
0xfd: {  	s1 =	sor.u32 s1, s4  }
0xfe: {  	s21 =	simm.s32 $0xC500;
	s4 =	sadd.s32 s2, s1  }
0xff: {  	[hbm4b:s4+s15] =	stream.linear.scatter [tilespmem:s21], [sflag:$0x3], $0x400, $0x38;
	[tilespmem:$0x14500] =	vst v63  }
0x100: {  	s24 =	simm.s32 $0xC900;
	s23 =	sadd.s32 s1, s8  }
0x101: {  	[hbm4b:s23+s15] =	stream.linear.scatter [tilespmem:s24], [sflag:$0x3], $0x400, $0x38;
	[tilespmem:$0x14500] =	vst v63  }
0x102: {  	s31 =	simm.s32 $0xCD00;
	s25 =	sadd.s32 s1, s9  }
0x103: {  	[hbm4b:s25+s15] =	stream.linear.scatter [tilespmem:s31], [sflag:$0x3], $0x400, $0x38;
	[tilespmem:$0x14500] =	vst v63  }
0x104: {  	s16 =	simm.s32 $0xD100;
	s17 =	sadd.s32 $0x3, s29;
	s1 =	sadd.s32 s1, s10  }
0x105: {  	[hbm4b:s1+s15] =	stream.linear.scatter [tilespmem:s16], [sflag:$0x3], $0x400, $0x38;
	[tilespmem:$0x14500] =	vst v63  }
0x106: {  	s20 =	sshll.u32 s17, $0x9;
	s1 =	sshll.u32 s17, $0x7  }
0x107: {  	s4 =	sand.u32 $0xFFFC000, s20;
	s1 =	sand.u32 $0xF80, s1  }
0x108: {  	s1 =	sor.u32 s1, s4  }
0x109: {  	s21 =	simm.s32 $0xD500;
	s4 =	sadd.s32 s2, s1  }
0x10a: {  	[hbm4b:s4+s15] =	stream.linear.scatter [tilespmem:s21], [sflag:$0x3], $0x400, $0x38;
	[tilespmem:$0x14500] =	vst v63  }
0x10b: {  	s24 =	simm.s32 $0xD900;
	s23 =	sadd.s32 s1, s8  }
0x10c: {  	[hbm4b:s23+s15] =	stream.linear.scatter [tilespmem:s24], [sflag:$0x3], $0x400, $0x38;
	[tilespmem:$0x14500] =	vst v63  }
0x10d: {  	s31 =	simm.s32 $0xDD00;
	s25 =	sadd.s32 s1, s9  }
0x10e: {  	[hbm4b:s25+s15] =	stream.linear.scatter [tilespmem:s31], [sflag:$0x3], $0x400, $0x38;
	[tilespmem:$0x14500] =	vst v63  }
0x10f: {  	s16 =	simm.s32 $0xE100;
	s17 =	sadd.s32 $0x4, s29;
	s1 =	sadd.s32 s1, s10  }
0x110: {  	[hbm4b:s1+s15] =	stream.linear.scatter [tilespmem:s16], [sflag:$0x3], $0x400, $0x38;
	[tilespmem:$0x14500] =	vst v63  }
0x111: {  	s20 =	sshll.u32 s17, $0x9;
	s1 =	sshll.u32 s17, $0x7  }
0x112: {  	s4 =	sand.u32 $0xFFFC000, s20;
	s1 =	sand.u32 $0xF00, s1  }
0x113: {  	s1 =	sor.u32 s1, s4  }
0x114: {  	s21 =	simm.s32 $0xE500;
	s4 =	sadd.s32 s2, s1  }
0x115: {  	[hbm4b:s4+s15] =	stream.linear.scatter [tilespmem:s21], [sflag:$0x3], $0x400, $0x38;
	[tilespmem:$0x14500] =	vst v63  }
0x116: {  	s24 =	simm.s32 $0xE900;
	s23 =	sadd.s32 s1, s8  }
0x117: {  	[hbm4b:s23+s15] =	stream.linear.scatter [tilespmem:s24], [sflag:$0x3], $0x400, $0x38;
	[tilespmem:$0x14500] =	vst v63  }
0x118: {  	s31 =	simm.s32 $0xED00;
	s25 =	sadd.s32 s1, s9  }
0x119: {  	[hbm4b:s25+s15] =	stream.linear.scatter [tilespmem:s31], [sflag:$0x3], $0x400, $0x38;
	[tilespmem:$0x14500] =	vst v63  }
0x11a: {  	s16 =	simm.s32 $0xF100;
	s1 =	sadd.s32 s1, s10  }
0x11b: {  	[hbm4b:s1+s15] =	stream.linear.scatter [tilespmem:s16], [sflag:$0x3], $0x400, $0x38;
	[tilespmem:$0x14500] =	vst v63  }
0x11c: {  	_ =	swait.ge [sflag:s18], $0x5000  }
0x11d: {  	[sflag:s18] =	ssyncset.done $0x0  }
0x11e: {  	s20 =	simm.s32 $0x1;
	s1 =	simm.s32 $0x9570;
	[sflag:s18] =	ssyncadd.s32 $0xFFFFB000  }
0x11f: {  	v5 =	vor.u32 s20, v0;
	v4 =	vld [tilespmem:s1+$0xFFFFBFB0]  }
0x120: {  	s17 =	simm.s32 $0x3  }
0x121: {  	v3 =	vor.u32 s17, v0;
	s21 =	simm.s32 $0x2;
	v2 =	vld [tilespmem:s1+$0xFFFFBFF0]  }
0x122: {  	v7 =	vor.u32 s21, v0;
	v6 =	vld [tilespmem:s1+$0xFFFFBFD0];
	_ =	sdelay $0x1  }
0x123: {  	v9 =	vor.u32 s15, v0;
	v8 =	vld [tilespmem:s1+$0xFFFFBF90];
	[tilespmem:v5+s19+$0x0] =	vst.idx.msk $0xffff, v4  }
0x124: {  	v5 =	vor.u32 s20, v1;
	v4 =	vld [tilespmem:s1+$0xFFFFBFC0]  }
0x125: {  	[tilespmem:v3+s19+$0x0] =	vst.idx.msk $0xffff, v2  }
0x126: {  	v3 =	vor.u32 s17, v1;
	[tilespmem:v7+s19+$0x0] =	vst.idx.msk $0xffff, v6;
	v2 =	vld [tilespmem:s1+$0xFFFFC000]  }
0x127: {  	v7 =	vor.u32 s21, v1;
	v6 =	vld [tilespmem:s1+$0xFFFFBFE0]  }
0x128: {  	[tilespmem:v9+s19+$0x0] =	vst.idx.msk $0xffff, v8  }
0x129: {  	s24 =	simm.s32 $0x1001;
	v9 =	vor.u32 s15, v1;
	v8 =	vld [tilespmem:s1+$0xFFFFBFA0];
	[tilespmem:v5+s19+$0x0] =	vst.idx.msk $0xffff, v4  }
0x12a: {  	v5 =	vor.u32 s24, v0;
	v4 =	vld [tilespmem:s1+$0xFFFFCFB0]  }
0x12b: {  	s23 =	simm.s32 $0x1003;
	[tilespmem:v3+s19+$0x0] =	vst.idx.msk $0xffff, v2  }
0x12c: {  	s25 =	simm.s32 $0x1002;
	v3 =	vor.u32 s23, v0;
	[tilespmem:v7+s19+$0x0] =	vst.idx.msk $0xffff, v6;
	v2 =	vld [tilespmem:s1+$0xFFFFCFF0]  }
0x12d: {  	v7 =	vor.u32 s25, v0;
	v6 =	vld [tilespmem:s1+$0xFFFFCFD0]  }
0x12e: {  	s31 =	simm.s32 $0x1000;
	[tilespmem:v9+s19+$0x0] =	vst.idx.msk $0xffff, v8  }
0x12f: {  	v9 =	vor.u32 s31, v0;
	v8 =	vld [tilespmem:s1+$0xFFFFCF90];
	[tilespmem:v5+s19+$0x0] =	vst.idx.msk $0xffff, v4  }
0x130: {  	v5 =	vor.u32 s24, v1;
	v4 =	vld [tilespmem:s1+$0xFFFFCFC0]  }
0x131: {  	[tilespmem:v3+s19+$0x0] =	vst.idx.msk $0xffff, v2  }
0x132: {  	v3 =	vor.u32 s23, v1;
	[tilespmem:v7+s19+$0x0] =	vst.idx.msk $0xffff, v6;
	v2 =	vld [tilespmem:s1+$0xFFFFD000]  }
0x133: {  	v7 =	vor.u32 s25, v1;
	v6 =	vld [tilespmem:s1+$0xFFFFCFE0]  }
0x134: {  	[tilespmem:v9+s19+$0x0] =	vst.idx.msk $0xffff, v8  }
0x135: {  	s17 =	simm.s32 $0x2001;
	v9 =	vor.u32 s31, v1;
	v8 =	vld [tilespmem:s1+$0xFFFFCFA0];
	[tilespmem:v5+s19+$0x0] =	vst.idx.msk $0xffff, v4  }
0x136: {  	v5 =	vor.u32 s17, v0;
	v4 =	vld [tilespmem:s1+$0xFFFFDFB0]  }
0x137: {  	s16 =	simm.s32 $0x2003;
	[tilespmem:v3+s19+$0x0] =	vst.idx.msk $0xffff, v2  }
0x138: {  	s20 =	simm.s32 $0x2002;
	v3 =	vor.u32 s16, v0;
	[tilespmem:v7+s19+$0x0] =	vst.idx.msk $0xffff, v6;
	v2 =	vld [tilespmem:s1+$0xFFFFDFF0]  }
0x139: {  	v7 =	vor.u32 s20, v0;
	v6 =	vld [tilespmem:s1+$0xFFFFDFD0]  }
0x13a: {  	s21 =	simm.s32 $0x2000;
	[tilespmem:v9+s19+$0x0] =	vst.idx.msk $0xffff, v8  }
0x13b: {  	v9 =	vor.u32 s21, v0;
	v8 =	vld [tilespmem:s1+$0xFFFFDF90];
	[tilespmem:v5+s19+$0x0] =	vst.idx.msk $0xffff, v4  }
0x13c: {  	v5 =	vor.u32 s17, v1;
	v4 =	vld [tilespmem:s1+$0xFFFFDFC0]  }
0x13d: {  	[tilespmem:v3+s19+$0x0] =	vst.idx.msk $0xffff, v2  }
0x13e: {  	v3 =	vor.u32 s16, v1;
	[tilespmem:v7+s19+$0x0] =	vst.idx.msk $0xffff, v6;
	v2 =	vld [tilespmem:s1+$0xFFFFE000]  }
0x13f: {  	s29 =	simm.s32 $0x95F0;
	s25 =	simm.s32 $0x5;
	v7 =	vor.u32 s20, v1;
	v6 =	vld [tilespmem:s1+$0xFFFFDFE0]  }
0x140: {  	v54 =	vld [tilespmem:s29+$0xFFFFBFB0];
	v55 =	vor.u32 s25, v0;
	[tilespmem:v9+s19+$0x0] =	vst.idx.msk $0xffff, v8  }
0x141: {  	v9 =	vor.u32 s21, v1;
	s16 =	simm.s32 $0x3001;
	v8 =	vld [tilespmem:s1+$0xFFFFDFA0];
	[tilespmem:v5+s19+$0x0] =	vst.idx.msk $0xffff, v4  }
0x142: {  	s24 =	simm.s32 $0x7;
	v5 =	vor.u32 s16, v0;
	v4 =	vld [tilespmem:s1+$0xFFFFEFB0]  }
0x143: {  	v10 =	vld [tilespmem:s29+$0xFFFFBFF0];
	s23 =	simm.s32 $0x3003;
	v11 =	vor.u32 s24, v0;
	[tilespmem:v3+s19+$0x0] =	vst.idx.msk $0xffff, v2  }
0x144: {  	s15 =	simm.s32 $0x3002;
	v3 =	vor.u32 s23, v0;
	[tilespmem:v7+s19+$0x0] =	vst.idx.msk $0xffff, v6;
	v2 =	vld [tilespmem:s1+$0xFFFFEFF0]  }
0x145: {  	s30 =	simm.s32 $0x4;
	[tilespmem:v55+s19+$0x0] =	vst.idx.msk $0xffff, v54;
	v7 =	vor.u32 s15, v0;
	v6 =	vld [tilespmem:s1+$0xFFFFEFD0]  }
0x146: {  	s31 =	simm.s32 $0x6;
	[tilespmem:v9+s19+$0x0] =	vst.idx.msk $0xffff, v8;
	v8 =	vld [tilespmem:s29+$0xFFFFBF90];
	v9 =	vor.u32 s30, v0  }
0x147: {  	[tilespmem:v5+s19+$0x0] =	vst.idx.msk $0xffff, v4;
	v4 =	vld [tilespmem:s29+$0xFFFFBFD0];
	v5 =	vor.u32 s31, v0  }
0x148: {  	v56 =	vor.u32 s25, v1;
	[tilespmem:v11+s19+$0x0] =	vst.idx.msk $0xffff, v10;
	v12 =	vld [tilespmem:s29+$0xFFFFBFC0]  }
0x149: {  	s4 =	simm.s32 $0x3000;
	v11 =	vor.u32 s24, v1;
	v10 =	vld [tilespmem:s29+$0xFFFFC000];
	[tilespmem:v3+s19+$0x0] =	vst.idx.msk $0xffff, v2  }
0x14a: {  	[tilespmem:v7+s19+$0x0] =	vst.idx.msk $0xffff, v6;
	v6 =	vld [tilespmem:s1+$0xFFFFEF90];
	v7 =	vor.u32 s4, v0  }
0x14b: {  	[tilespmem:v9+s19+$0x0] =	vst.idx.msk $0xffff, v8;
	v3 =	vor.u32 s23, v1;
	v2 =	vld [tilespmem:s1+$0xFFFFF000]  }
0x14c: {  	v9 =	vor.u32 s30, v1;
	v8 =	vld [tilespmem:s29+$0xFFFFBFA0];
	[tilespmem:v5+s19+$0x0] =	vst.idx.msk $0xffff, v4  }
0x14d: {  	s24 =	simm.s32 $0x1005;
	[tilespmem:v56+s19+$0x0] =	vst.idx.msk $0xffff, v12;
	v5 =	vor.u32 s31, v1;
	v4 =	vld [tilespmem:s29+$0xFFFFBFE0]  }
0x14e: {  	v57 =	vor.u32 s24, v0;
	[tilespmem:v11+s19+$0x0] =	vst.idx.msk $0xffff, v10;
	v12 =	vld [tilespmem:s29+$0xFFFFCFB0];
	s23 =	simm.s32 $0x1007  }
0x14f: {  	v10 =	vld [tilespmem:s29+$0xFFFFCFF0];
	v11 =	vor.u32 s23, v0;
	[tilespmem:v7+s19+$0x0] =	vst.idx.msk $0xffff, v6  }
0x150: {  	s20 =	simm.s32 $0x4003;
	v6 =	vld [tilespmem:s1+$0xFFFFEFC0];
	v7 =	vor.u32 s16, v1;
	[tilespmem:v3+s19+$0x0] =	vst.idx.msk $0xffff, v2  }
0x151: {  	[tilespmem:v9+s19+$0x0] =	vst.idx.msk $0xffff, v8;
	s31 =	simm.s32 $0x1004;
	v3 =	vor.u32 s20, v0;
	v2 =	vld [tilespmem:s1+$0xFFFFFFF0]  }
0x152: {  	s25 =	simm.s32 $0x1006;
	v8 =	vld [tilespmem:s29+$0xFFFFCF90];
	v9 =	vor.u32 s31, v0;
	[tilespmem:v5+s19+$0x0] =	vst.idx.msk $0xffff, v4  }
0x153: {  	[tilespmem:v57+s19+$0x0] =	vst.idx.msk $0xffff, v12;
	v5 =	vor.u32 s25, v0;
	v4 =	vld [tilespmem:s29+$0xFFFFCFD0]  }
0x154: {  	v58 =	vor.u32 s24, v1;
	v12 =	vld [tilespmem:s29+$0xFFFFCFC0];
	[tilespmem:v11+s19+$0x0] =	vst.idx.msk $0xffff, v10  }
0x155: {  	v11 =	vor.u32 s23, v1;
	v10 =	vld [tilespmem:s29+$0xFFFFD000];
	[tilespmem:v7+s19+$0x0] =	vst.idx.msk $0xffff, v6  }
0x156: {  	v6 =	vld [tilespmem:s1+$0xFFFFEFE0];
	v7 =	vor.u32 s15, v1;
	[tilespmem:v3+s19+$0x0] =	vst.idx.msk $0xffff, v2  }
0x157: {  	[tilespmem:v9+s19+$0x0] =	vst.idx.msk $0xffff, v8;
	v3 =	vor.u32 s20, v1;
	v2 =	vld [tilespmem:s1+$0x0]  }
0x158: {  	v9 =	vor.u32 s31, v1;
	v8 =	vld [tilespmem:s29+$0xFFFFCFA0];
	[tilespmem:v5+s19+$0x0] =	vst.idx.msk $0xffff, v4  }
0x159: {  	s21 =	simm.s32 $0x2005;
	[tilespmem:v58+s19+$0x0] =	vst.idx.msk $0xffff, v12;
	v5 =	vor.u32 s25, v1;
	v4 =	vld [tilespmem:s29+$0xFFFFCFE0]  }
0x15a: {  	v59 =	vor.u32 s21, v0;
	v12 =	vld [tilespmem:s29+$0xFFFFDFB0];
	[tilespmem:v11+s19+$0x0] =	vst.idx.msk $0xffff, v10;
	s20 =	simm.s32 $0x2007  }
0x15b: {  	v10 =	vld [tilespmem:s29+$0xFFFFDFF0];
	v11 =	vor.u32 s20, v0;
	[tilespmem:v7+s19+$0x0] =	vst.idx.msk $0xffff, v6  }
0x15c: {  	s17 =	simm.s32 $0x4001;
	[tilespmem:v3+s19+$0x0] =	vst.idx.msk $0xffff, v2;
	v2 =	vld [tilespmem:s1+$0xFFFFEFA0];
	v3 =	vor.u32 s4, v1  }
0x15d: {  	v6 =	vld [tilespmem:s1+$0xFFFFFFB0];
	v7 =	vor.u32 s17, v0;
	[tilespmem:v9+s19+$0x0] =	vst.idx.msk $0xffff, v8;
	s25 =	simm.s32 $0x2004  }
0x15e: {  	s24 =	simm.s32 $0x2006;
	v8 =	vld [tilespmem:s29+$0xFFFFDF90];
	v9 =	vor.u32 s25, v0;
	[tilespmem:v5+s19+$0x0] =	vst.idx.msk $0xffff, v4  }
0x15f: {  	[tilespmem:v59+s19+$0x0] =	vst.idx.msk $0xffff, v12;
	v5 =	vor.u32 s24, v0;
	v4 =	vld [tilespmem:s29+$0xFFFFDFD0]  }
0x160: {  	v60 =	vor.u32 s21, v1;
	s23 =	simm.s32 $0x4002;
	v12 =	vld [tilespmem:s29+$0xFFFFDFC0];
	[tilespmem:v11+s19+$0x0] =	vst.idx.msk $0xffff, v10  }
0x161: {  	[tilespmem:v3+s19+$0x0] =	vst.idx.msk $0xffff, v2;
	v2 =	vld [tilespmem:s1+$0xFFFFFFD0];
	v3 =	vor.u32 s23, v0  }
0x162: {  	s31 =	simm.s32 $0x4000;
	v10 =	vor.u32 s20, v1;
	v11 =	vld [tilespmem:s29+$0xFFFFE000];
	[tilespmem:v7+s19+$0x0] =	vst.idx.msk $0xffff, v6  }
0x163: {  	v7 =	vor.u32 s31, v0;
	[tilespmem:v9+s19+$0x0] =	vst.idx.msk $0xffff, v8;
	v6 =	vld [tilespmem:s1+$0xFFFFFF90]  }
0x164: {  	v63 =	vor.u32 s25, v1;
	v62 =	vld [tilespmem:s29+$0xFFFFDFA0];
	[tilespmem:v5+s19+$0x0] =	vst.idx.msk $0xffff, v4  }
0x165: {  	v61 =	vor.u32 s24, v1;
	[tilespmem:v60+s19+$0x0] =	vst.idx.msk $0xffff, v12;
	v5 =	vld [tilespmem:s29+$0xFFFFDFE0]  }
0x166: {  	[tilespmem:v3+s19+$0x0] =	vst.idx.msk $0xffff, v2;
	v2 =	vld [tilespmem:s1+$0xFFFFFFC0];
	v3 =	vor.u32 s17, v1  }
0x167: {  	s21 =	simm.s32 $0x3007;
	[tilespmem:v10+s19+$0x0] =	vst.idx.msk $0xffff, v11;
	v10 =	vor.u32 s23, v1;
	v8 =	vld [tilespmem:s1+$0xFFFFFFE0]  }
0x168: {  	s20 =	simm.s32 $0x3005;
	v11 =	vor.u32 s21, v0;
	v9 =	vld [tilespmem:s29+$0xFFFFEFF0];
	[tilespmem:v7+s19+$0x0] =	vst.idx.msk $0xffff, v6  }
0x169: {  	v4 =	vld [tilespmem:s29+$0xFFFFEFB0];
	v6 =	vor.u32 s20, v0;
	[tilespmem:v63+s19+$0x0] =	vst.idx.msk $0xffff, v62  }
0x16a: {  	s16 =	simm.s32 $0x3006;
	s15 =	simm.s32 $0x8;
	v7 =	vor.u32 s31, v1;
	[tilespmem:v61+s19+$0x0] =	vst.idx.msk $0xffff, v5;
	v5 =	vld [tilespmem:s1+$0xFFFFFFA0]  }
0x16b: {  	s23 =	simm.s32 $0xB;
	s17 =	simm.s32 $0xC;
	[tilespmem:v3+s19+$0x0] =	vst.idx.msk $0xffff, v2;
	v3 =	vor.u32 s16, v0;
	s1 =	simm.s32 $0x9670;
	v2 =	vld [tilespmem:s29+$0xFFFFEFD0]  }
.LBB2_5:
0x16c: {  	p0 =	slt.u32 s17, $0x7C;
	s4 =	sadd.s32 $0x1, s15;
	v12 =	vld [tilespmem:s1+$0xFFFFBFF0];
	v13 =	vor.u32 s23, v0;
	[tilespmem:v10+s19+$0x0] =	vst.idx.msk $0xffff, v8  }
0x16d: {  	v8 =	vld [tilespmem:s1+$0xFFFFBFB0];
	v10 =	vor.u32 s4, v0;
	[tilespmem:v11+s19+$0x0] =	vst.idx.msk $0xffff, v9  }
0x16e: {  	s24 =	sadd.s32 $0x2, s15;
	[tilespmem:v6+s19+$0x0] =	vst.idx.msk $0xffff, v4;
	v4 =	vld [tilespmem:s29+$0xFFFFF000];
	v6 =	vor.u32 s21, v1  }
0x16f: {  	v11 =	vor.u32 s24, v0;
	v9 =	vld [tilespmem:s1+$0xFFFFBFD0];
	[tilespmem:v7+s19+$0x0] =	vst.idx.msk $0xffff, v5  }
0x170: {  	s21 =	sadd.s32 $0x3000, s30;
	v7 =	vor.u32 s15, v0;
	v5 =	vld [tilespmem:s1+$0xFFFFBF90];
	[tilespmem:v3+s19+$0x0] =	vst.idx.msk $0xffff, v2  }
0x171: {  	v3 =	vor.u32 s21, v0;
	[tilespmem:v13+s19+$0x0] =	vst.idx.msk $0xffff, v12;
	v2 =	vld [tilespmem:s29+$0xFFFFEF90]  }
0x172: {  	[tilespmem:v10+s19+$0x0] =	vst.idx.msk $0xffff, v8;
	v8 =	vld [tilespmem:s1+$0xFFFFC000];
	v10 =	vor.u32 s23, v1  }
0x173: {  	v13 =	vor.u32 s4, v1;
	s4 =	sadd.s32 $0x4003, s30;
	v12 =	vld [tilespmem:s1+$0xFFFFBFC0];
	[tilespmem:v6+s19+$0x0] =	vst.idx.msk $0xffff, v4  }
0x174: {  	v6 =	vor.u32 s4, v0;
	[tilespmem:v11+s19+$0x0] =	vst.idx.msk $0xffff, v9;
	v4 =	vld [tilespmem:s29+$0xFFFFFFF0]  }
0x175: {  	[tilespmem:v7+s19+$0x0] =	vst.idx.msk $0xffff, v5;
	v5 =	vld [tilespmem:s1+$0xFFFFBFE0];
	v7 =	vor.u32 s24, v1  }
0x176: {  	v11 =	vor.u32 s15, v1;
	v9 =	vld [tilespmem:s1+$0xFFFFBFA0];
	[tilespmem:v3+s19+$0x0] =	vst.idx.msk $0xffff, v2  }
0x177: {  	s23 =	sadd.s32 $0x1003, s15;
	v3 =	vor.u32 s20, v1;
	[tilespmem:v10+s19+$0x0] =	vst.idx.msk $0xffff, v8;
	v2 =	vld [tilespmem:s29+$0xFFFFEFC0]  }
0x178: {  	s20 =	sadd.s32 $0x1001, s15;
	v10 =	vor.u32 s23, v0;
	[tilespmem:v13+s19+$0x0] =	vst.idx.msk $0xffff, v12;
	v8 =	vld [tilespmem:s1+$0xFFFFCFF0]  }
0x179: {  	v13 =	vor.u32 s20, v0;
	v12 =	vld [tilespmem:s1+$0xFFFFCFB0];
	[tilespmem:v6+s19+$0x0] =	vst.idx.msk $0xffff, v4  }
0x17a: {  	s24 =	sadd.s32 $0x1002, s15;
	[tilespmem:v7+s19+$0x0] =	vst.idx.msk $0xffff, v5;
	v4 =	vld [tilespmem:s29+$0x0];
	v5 =	vor.u32 s4, v1  }
0x17b: {  	s4 =	sadd.s32 $0x1000, s15;
	v7 =	vor.u32 s24, v0;
	[tilespmem:v11+s19+$0x0] =	vst.idx.msk $0xffff, v9;
	v6 =	vld [tilespmem:s1+$0xFFFFCFD0]  }
0x17c: {  	v11 =	vor.u32 s4, v0;
	v9 =	vld [tilespmem:s1+$0xFFFFCF90];
	[tilespmem:v3+s19+$0x0] =	vst.idx.msk $0xffff, v2  }
0x17d: {  	v3 =	vor.u32 s16, v1;
	[tilespmem:v10+s19+$0x0] =	vst.idx.msk $0xffff, v8;
	v2 =	vld [tilespmem:s29+$0xFFFFEFE0]  }
0x17e: {  	v10 =	vor.u32 s23, v1;
	[tilespmem:v13+s19+$0x0] =	vst.idx.msk $0xffff, v12;
	v8 =	vld [tilespmem:s1+$0xFFFFD000]  }
0x17f: {  	v13 =	vor.u32 s20, v1;
	v12 =	vld [tilespmem:s1+$0xFFFFCFC0];
	[tilespmem:v5+s19+$0x0] =	vst.idx.msk $0xffff, v4  }
0x180: {  	v5 =	vor.u32 s21, v1;
	[tilespmem:v7+s19+$0x0] =	vst.idx.msk $0xffff, v6;
	v4 =	vld [tilespmem:s29+$0xFFFFEFA0]  }
0x181: {  	v7 =	vor.u32 s24, v1;
	[tilespmem:v11+s19+$0x0] =	vst.idx.msk $0xffff, v9;
	v6 =	vld [tilespmem:s1+$0xFFFFCFE0]  }
0x182: {  	v11 =	vor.u32 s4, v1;
	s4 =	sadd.s32 $0x4001, s30;
	v9 =	vld [tilespmem:s1+$0xFFFFCFA0];
	[tilespmem:v3+s19+$0x0] =	vst.idx.msk $0xffff, v2  }
0x183: {  	s16 =	sadd.s32 $0x2003, s15;
	v3 =	vor.u32 s4, v0;
	[tilespmem:v10+s19+$0x0] =	vst.idx.msk $0xffff, v8;
	v2 =	vld [tilespmem:s29+$0xFFFFFFB0]  }
0x184: {  	s20 =	sadd.s32 $0x2001, s15;
	v10 =	vor.u32 s16, v0;
	[tilespmem:v13+s19+$0x0] =	vst.idx.msk $0xffff, v12;
	v8 =	vld [tilespmem:s1+$0xFFFFDFF0]  }
0x185: {  	s23 =	sadd.s32 $0x4002, s30;
	v13 =	vor.u32 s20, v0;
	v12 =	vld [tilespmem:s1+$0xFFFFDFB0];
	[tilespmem:v5+s19+$0x0] =	vst.idx.msk $0xffff, v4  }
0x186: {  	s21 =	sadd.s32 $0x2002, s15;
	v5 =	vor.u32 s23, v0;
	[tilespmem:v7+s19+$0x0] =	vst.idx.msk $0xffff, v6;
	v4 =	vld [tilespmem:s29+$0xFFFFFFD0]  }
0x187: {  	s24 =	sadd.s32 $0x2000, s15;
	v7 =	vor.u32 s21, v0;
	[tilespmem:v11+s19+$0x0] =	vst.idx.msk $0xffff, v9;
	v6 =	vld [tilespmem:s1+$0xFFFFDFD0]  }
0x188: {  	s25 =	sadd.s32 $0x4000, s30;
	s30 =	smov.u32 s15;
	s15 =	smov.u32 s17;
	v11 =	vor.u32 s24, v0;
	v9 =	vld [tilespmem:s1+$0xFFFFDF90];
	[tilespmem:v3+s19+$0x0] =	vst.idx.msk $0xffff, v2  }
0x189: {  	v3 =	vor.u32 s25, v0;
	[tilespmem:v10+s19+$0x0] =	vst.idx.msk $0xffff, v8;
	v2 =	vld [tilespmem:s29+$0xFFFFFF90]  }
0x18a: {  	v10 =	vor.u32 s16, v1;
	[tilespmem:v13+s19+$0x0] =	vst.idx.msk $0xffff, v12;
	v8 =	vld [tilespmem:s1+$0xFFFFE000]  }
0x18b: {  	v13 =	vor.u32 s20, v1;
	v12 =	vld [tilespmem:s1+$0xFFFFDFC0];
	[tilespmem:v5+s19+$0x0] =	vst.idx.msk $0xffff, v4  }
0x18c: {  	[tilespmem:v7+s19+$0x0] =	vst.idx.msk $0xffff, v6;
	v5 =	vld [tilespmem:s29+$0xFFFFFFC0];
	v7 =	vor.u32 s4, v1  }
0x18d: {  	v15 =	vor.u32 s21, v1;
	[tilespmem:v11+s19+$0x0] =	vst.idx.msk $0xffff, v9;
	v14 =	vld [tilespmem:s1+$0xFFFFDFE0]  }
0x18e: {  	v17 =	vor.u32 s24, v1;
	v16 =	vld [tilespmem:s1+$0xFFFFDFA0];
	[tilespmem:v3+s19+$0x0] =	vst.idx.msk $0xffff, v2  }
.Ltmp1:
0x18f: {  	s21 =	sadd.s32 $0x3003, s30;
	[tilespmem:v10+s19+$0x0] =	vst.idx.msk $0xffff, v8;
	v8 =	vld [tilespmem:s29+$0xFFFFFFE0];
	v10 =	vor.u32 s23, v1;
	(pc) =	sbr.rel @p0 .LBB2_5-.Ltmp1, $4  }
0x190: {  	s20 =	sadd.s32 $0x3001, s30;
	v11 =	vor.u32 s21, v0;
	[tilespmem:v13+s19+$0x0] =	vst.idx.msk $0xffff, v12;
	v9 =	vld [tilespmem:s1+$0xFFFFEFF0]  }
0x191: {  	v6 =	vor.u32 s20, v0;
	v4 =	vld [tilespmem:s1+$0xFFFFEFB0];
	[tilespmem:v7+s19+$0x0] =	vst.idx.msk $0xffff, v5  }
0x192: {  	s16 =	sadd.s32 $0x3002, s30;
	v7 =	vor.u32 s25, v1;
	[tilespmem:v15+s19+$0x0] =	vst.idx.msk $0xffff, v14;
	v5 =	vld [tilespmem:s29+$0xFFFFFFA0];
	s29 =	smov.u32 s1  }
0x193: {  	s17 =	sadd.s32 $0x4, s17;
	v3 =	vor.u32 s16, v0;
	s23 =	sadd.s32 $0x3, s15;
	s1 =	sadd.s32 $0x80, s1;
	[tilespmem:v17+s19+$0x0] =	vst.idx.msk $0xffff, v16;
	v2 =	vld [tilespmem:s29+$0xFFFFEFD0]  }
0x194: {  	v12 =	vld [tilespmem:s1+$0xFFFFBFF0];
	v13 =	vor.u32 s23, v0  }
0x195: {  	s4 =	sadd.s32 $0x1, s15;
	v18 =	vld [tilespmem:s1+$0xFFFFBF90];
	v19 =	vor.u32 s15, v0  }
0x196: {  	v14 =	vld [tilespmem:s1+$0xFFFFBFB0];
	s17 =	sadd.s32 $0x2, s15;
	v15 =	vor.u32 s4, v0  }
0x197: {  	v16 =	vld [tilespmem:s1+$0xFFFFBFD0];
	v17 =	vor.u32 s17, v0;
	_ =	sdelay $0x1  }
0x198: {  	[tilespmem:v13+s19+$0x0] =	vst.idx.msk $0xffff, v12  }
0x199: {  	v51 =	vor.u32 s23, v1;
	[tilespmem:v19+s19+$0x0] =	vst.idx.msk $0xffff, v18;
	v12 =	vld [tilespmem:s1+$0xFFFFC000]  }
0x19a: {  	v55 =	vor.u32 s15, v1;
	[tilespmem:v15+s19+$0x0] =	vst.idx.msk $0xffff, v14;
	v54 =	vld [tilespmem:s1+$0xFFFFBFA0]  }
0x19b: {  	v52 =	vor.u32 s4, v1;
	[tilespmem:v17+s19+$0x0] =	vst.idx.msk $0xffff, v16;
	v14 =	vld [tilespmem:s1+$0xFFFFBFC0]  }
0x19c: {  	[tilespmem:v10+s19+$0x0] =	vst.idx.msk $0xffff, v8;
	v53 =	vor.u32 s17, v1;
	v16 =	vld [tilespmem:s1+$0xFFFFBFE0]  }
0x19d: {  	[tilespmem:v11+s19+$0x0] =	vst.idx.msk $0xffff, v9  }
0x19e: {  	s23 =	sadd.s32 $0x1003, s15;
	[tilespmem:v51+s19+$0x0] =	vst.idx.msk $0xffff, v12  }
0x19f: {  	s24 =	sadd.s32 $0x1000, s15;
	v57 =	vor.u32 s23, v0;
	[tilespmem:v55+s19+$0x0] =	vst.idx.msk $0xffff, v54;
	v56 =	vld [tilespmem:s1+$0xFFFFCFF0]  }
0x1a0: {  	s25 =	sadd.s32 $0x1001, s15;
	v63 =	vor.u32 s24, v0;
	[tilespmem:v52+s19+$0x0] =	vst.idx.msk $0xffff, v14;
	v62 =	vld [tilespmem:s1+$0xFFFFCF90]  }
0x1a1: {  	s31 =	sadd.s32 $0x1002, s15;
	v59 =	vor.u32 s25, v0;
	[tilespmem:v53+s19+$0x0] =	vst.idx.msk $0xffff, v16;
	v58 =	vld [tilespmem:s1+$0xFFFFCFB0]  }
0x1a2: {  	v61 =	vor.u32 s31, v0;
	[tilespmem:v6+s19+$0x0] =	vst.idx.msk $0xffff, v4;
	v60 =	vld [tilespmem:s1+$0xFFFFCFD0]  }
0x1a3: {  	s4 =	sadd.s32 $0x3000, s30;
	[tilespmem:v3+s19+$0x0] =	vst.idx.msk $0xffff, v2  }
0x1a4: {  	v22 =	vld [tilespmem:s29+$0xFFFFEF90];
	v23 =	vor.u32 s4, v0;
	[tilespmem:v57+s19+$0x0] =	vst.idx.msk $0xffff, v56  }
0x1a5: {  	v18 =	vor.u32 s23, v1;
	[tilespmem:v63+s19+$0x0] =	vst.idx.msk $0xffff, v62;
	v9 =	vld [tilespmem:s1+$0xFFFFD000]  }
0x1a6: {  	v3 =	vor.u32 s24, v1;
	[tilespmem:v59+s19+$0x0] =	vst.idx.msk $0xffff, v58;
	v2 =	vld [tilespmem:s1+$0xFFFFCFA0]  }
0x1a7: {  	v19 =	vor.u32 s25, v1;
	[tilespmem:v61+s19+$0x0] =	vst.idx.msk $0xffff, v60;
	v12 =	vld [tilespmem:s1+$0xFFFFCFC0]  }
0x1a8: {  	v21 =	vor.u32 s31, v1;
	[tilespmem:v7+s19+$0x0] =	vst.idx.msk $0xffff, v5;
	v20 =	vld [tilespmem:s1+$0xFFFFCFE0]  }
0x1a9: {  	v29 =	vor.u32 s20, v1;
	v30 =	vld [tilespmem:s29+$0xFFFFEFC0];
	[tilespmem:v23+s19+$0x0] =	vst.idx.msk $0xffff, v22  }
0x1aa: {  	v36 =	vor.u32 s16, v1;
	s23 =	sadd.s32 $0x2003, s15;
	v35 =	vld [tilespmem:s29+$0xFFFFEFE0];
	[tilespmem:v18+s19+$0x0] =	vst.idx.msk $0xffff, v9  }
0x1ab: {  	s25 =	sadd.s32 $0x2000, s15;
	v25 =	vor.u32 s23, v0;
	[tilespmem:v3+s19+$0x0] =	vst.idx.msk $0xffff, v2;
	v9 =	vld [tilespmem:s1+$0xFFFFDFF0]  }
0x1ac: {  	s24 =	sadd.s32 $0x2001, s15;
	v28 =	vor.u32 s25, v0;
	[tilespmem:v19+s19+$0x0] =	vst.idx.msk $0xffff, v12;
	v27 =	vld [tilespmem:s1+$0xFFFFDF90]  }
0x1ad: {  	s31 =	sadd.s32 $0x2002, s15;
	v26 =	vor.u32 s24, v0;
	[tilespmem:v21+s19+$0x0] =	vst.idx.msk $0xffff, v20;
	v12 =	vld [tilespmem:s1+$0xFFFFDFB0]  }
0x1ae: {  	[tilespmem:v29+s19+$0x0] =	vst.idx.msk $0xffff, v30;
	v3 =	vor.u32 s31, v0;
	v2 =	vld [tilespmem:s1+$0xFFFFDFD0]  }
0x1af: {  	v38 =	vor.u32 s4, v1;
	v32 =	vor.u32 s23, v1;
	s23 =	sadd.s32 $0x4002, s30;
	v37 =	vld [tilespmem:s29+$0xFFFFEFA0];
	[tilespmem:v36+s19+$0x0] =	vst.idx.msk $0xffff, v35  }
0x1b0: {  	v45 =	vor.u32 s23, v0;
	v44 =	vld [tilespmem:s29+$0xFFFFFFD0];
	[tilespmem:v25+s19+$0x0] =	vst.idx.msk $0xffff, v9  }
0x1b1: {  	[tilespmem:v28+s19+$0x0] =	vst.idx.msk $0xffff, v27;
	v9 =	vld [tilespmem:s1+$0xFFFFE000]  }
0x1b2: {  	v34 =	vor.u32 s25, v1;
	[tilespmem:v26+s19+$0x0] =	vst.idx.msk $0xffff, v12;
	v4 =	vld [tilespmem:s1+$0xFFFFDFA0]  }
0x1b3: {  	v33 =	vor.u32 s24, v1;
	[tilespmem:v3+s19+$0x0] =	vst.idx.msk $0xffff, v2;
	v12 =	vld [tilespmem:s1+$0xFFFFDFC0]  }
0x1b4: {  	[tilespmem:v38+s19+$0x0] =	vst.idx.msk $0xffff, v37;
	v3 =	vor.u32 s31, v1;
	v2 =	vld [tilespmem:s1+$0xFFFFDFE0]  }
0x1b5: {  	s17 =	sadd.s32 $0x4000, s30;
	v17 =	vor.u32 s21, v1;
	v16 =	vld [tilespmem:s29+$0xFFFFF000];
	[tilespmem:v45+s19+$0x0] =	vst.idx.msk $0xffff, v44  }
0x1b6: {  	s20 =	sadd.s32 $0x3003, s15;
	v51 =	vor.u32 s17, v0;
	v50 =	vld [tilespmem:s29+$0xFFFFFF90];
	[tilespmem:v32+s19+$0x0] =	vst.idx.msk $0xffff, v9  }
0x1b7: {  	v39 =	vor.u32 s20, v0;
	s21 =	sadd.s32 $0x4003, s30;
	s25 =	sadd.s32 $0x3000, s15;
	[tilespmem:v34+s19+$0x0] =	vst.idx.msk $0xffff, v4;
	v9 =	vld [tilespmem:s1+$0xFFFFEFF0]  }
0x1b8: {  	v24 =	vor.u32 s21, v0;
	v31 =	vor.u32 s21, v1;
	s21 =	sadd.s32 $0x3001, s15;
	v41 =	vor.u32 s25, v0;
	[tilespmem:v33+s19+$0x0] =	vst.idx.msk $0xffff, v12;
	v4 =	vld [tilespmem:s1+$0xFFFFEF90]  }
0x1b9: {  	s24 =	sadd.s32 $0x3002, s15;
	v40 =	vor.u32 s21, v0;
	[tilespmem:v3+s19+$0x0] =	vst.idx.msk $0xffff, v2;
	v12 =	vld [tilespmem:s1+$0xFFFFEFB0]  }
0x1ba: {  	[tilespmem:v17+s19+$0x0] =	vst.idx.msk $0xffff, v16;
	v3 =	vor.u32 s24, v0;
	v2 =	vld [tilespmem:s1+$0xFFFFEFD0]  }
0x1bb: {  	v5 =	vld [tilespmem:s29+$0xFFFFFFF0];
	[tilespmem:v51+s19+$0x0] =	vst.idx.msk $0xffff, v50  }
0x1bc: {  	v57 =	vor.u32 s23, v1;
	v58 =	vld [tilespmem:s29+$0xFFFFFFE0];
	[tilespmem:v39+s19+$0x0] =	vst.idx.msk $0xffff, v9  }
0x1bd: {  	v46 =	vor.u32 s20, v1;
	[tilespmem:v41+s19+$0x0] =	vst.idx.msk $0xffff, v4;
	v11 =	vld [tilespmem:s1+$0xFFFFF000]  }
0x1be: {  	v49 =	vor.u32 s25, v1;
	[tilespmem:v40+s19+$0x0] =	vst.idx.msk $0xffff, v12;
	v6 =	vld [tilespmem:s1+$0xFFFFEFA0]  }
0x1bf: {  	v47 =	vor.u32 s21, v1;
	[tilespmem:v3+s19+$0x0] =	vst.idx.msk $0xffff, v2;
	v2 =	vld [tilespmem:s1+$0xFFFFEFC0]  }
0x1c0: {  	v48 =	vor.u32 s24, v1;
	[tilespmem:v24+s19+$0x0] =	vst.idx.msk $0xffff, v5;
	v3 =	vld [tilespmem:s1+$0xFFFFEFE0]  }
0x1c1: {  	v60 =	vor.u32 s17, v1;
	v59 =	vld [tilespmem:s29+$0xFFFFFFA0];
	[tilespmem:v57+s19+$0x0] =	vst.idx.msk $0xffff, v58;
	s31 =	sadd.s32 $0x4001, s30  }
0x1c2: {  	v42 =	vld [tilespmem:s29+$0xFFFFFFB0];
	v43 =	vor.u32 s31, v0;
	s24 =	sadd.s32 $0x4003, s15;
	[tilespmem:v46+s19+$0x0] =	vst.idx.msk $0xffff, v11  }
0x1c3: {  	v53 =	vor.u32 s31, v1;
	s31 =	sadd.s32 $0x4000, s15;
	v54 =	vor.u32 s24, v0;
	[tilespmem:v49+s19+$0x0] =	vst.idx.msk $0xffff, v6;
	v9 =	vld [tilespmem:s1+$0xFFFFFFF0]  }
0x1c4: {  	s25 =	sadd.s32 $0x4001, s15;
	v56 =	vor.u32 s31, v0;
	[tilespmem:v47+s19+$0x0] =	vst.idx.msk $0xffff, v2;
	v8 =	vld [tilespmem:s1+$0xFFFFFF90]  }
0x1c5: {  	s30 =	sadd.s32 $0x4002, s15;
	[tilespmem:v48+s19+$0x0] =	vst.idx.msk $0xffff, v3;
	v3 =	vor.u32 s25, v0;
	v2 =	vld [tilespmem:s1+$0xFFFFFFB0]  }
0x1c6: {  	[tilespmem:v60+s19+$0x0] =	vst.idx.msk $0xffff, v59;
	v55 =	vor.u32 s30, v0;
	v4 =	vld [tilespmem:s1+$0xFFFFFFD0]  }
0x1c7: {  	v7 =	vld [tilespmem:s29+$0x0];
	[tilespmem:v43+s19+$0x0] =	vst.idx.msk $0xffff, v42  }
0x1c8: {  	v52 =	vld [tilespmem:s29+$0xFFFFFFC0];
	[tilespmem:v54+s19+$0x0] =	vst.idx.msk $0xffff, v9  }
0x1c9: {  	v61 =	vor.u32 s24, v1;
	[tilespmem:v56+s19+$0x0] =	vst.idx.msk $0xffff, v8;
	v11 =	vld [tilespmem:s1+$0x0]  }
0x1ca: {  	v63 =	vor.u32 s31, v1;
	[tilespmem:v3+s19+$0x0] =	vst.idx.msk $0xffff, v2;
	v8 =	vld [tilespmem:s1+$0xFFFFFFA0]  }
0x1cb: {  	v2 =	vor.u32 s25, v1;
	[tilespmem:v55+s19+$0x0] =	vst.idx.msk $0xffff, v4;
	v3 =	vld [tilespmem:s1+$0xFFFFFFC0]  }
0x1cc: {  	[tilespmem:v31+s19+$0x0] =	vst.idx.msk $0xffff, v7;
	v62 =	vor.u32 s30, v1;
	v6 =	vld [tilespmem:s1+$0xFFFFFFE0]  }
0x1cd: {  	[tilespmem:v53+s19+$0x0] =	vst.idx.msk $0xffff, v52  }
0x1ce: {  	s21 =	sshll.u32 s28, $0x9;
	s23 =	sshll.u32 s28, $0x7;
	[tilespmem:v61+s19+$0x0] =	vst.idx.msk $0xffff, v11  }
0x1cf: {  	s4 =	sand.u32 $0xF80, s23;
	s1 =	sand.u32 $0x7FFFC000, s21;
	[tilespmem:v63+s19+$0x0] =	vst.idx.msk $0xffff, v8  }
0x1d0: {  	s1 =	sor.u32 s4, s1;
	[tilespmem:v2+s19+$0x0] =	vst.idx.msk $0xffff, v3  }
0x1d1: {  	s4 =	sadd.s32 s2, s1;
	[tilespmem:v62+s19+$0x0] =	vst.idx.msk $0xffff, v6  }
0x1d2: {  	[hbm4b:s4+s3] =	stream.linear.scatter [tilespmem:s19], [sflag:$0x4], $0x400, $0x38;
	[tilespmem:$0x14500] =	vst v63  }
0x1d3: {  	s25 =	simm.s32 $0xF900;
	s24 =	sadd.s32 s1, s8  }
0x1d4: {  	[hbm4b:s24+s3] =	stream.linear.scatter [tilespmem:s25], [sflag:$0x4], $0x400, $0x38;
	[tilespmem:$0x14500] =	vst v63  }
0x1d5: {  	s30 =	simm.s32 $0xFD00;
	s29 =	sadd.s32 s1, s9  }
0x1d6: {  	[hbm4b:s29+s3] =	stream.linear.scatter [tilespmem:s30], [sflag:$0x4], $0x400, $0x38;
	[tilespmem:$0x14500] =	vst v63  }
0x1d7: {  	s31 =	simm.s32 $0x10100;
	s15 =	sadd.s32 $0x1, s28;
	s1 =	sadd.s32 s1, s10  }
0x1d8: {  	[hbm4b:s1+s3] =	stream.linear.scatter [tilespmem:s31], [sflag:$0x4], $0x400, $0x38;
	[tilespmem:$0x14500] =	vst v63  }
0x1d9: {  	s16 =	sshll.u32 s15, $0x9;
	s1 =	sshll.u32 s15, $0x7  }
0x1da: {  	s4 =	sand.u32 $0xFFFC000, s16;
	s1 =	sand.u32 $0xF00, s1  }
0x1db: {  	s1 =	sor.u32 s1, s4  }
0x1dc: {  	s17 =	simm.s32 $0x10500;
	s4 =	sadd.s32 s2, s1  }
0x1dd: {  	[hbm4b:s4+s3] =	stream.linear.scatter [tilespmem:s17], [sflag:$0x4], $0x400, $0x38;
	[tilespmem:$0x14500] =	vst v63  }
0x1de: {  	s21 =	simm.s32 $0x10900;
	s20 =	sadd.s32 s1, s8  }
0x1df: {  	[hbm4b:s20+s3] =	stream.linear.scatter [tilespmem:s21], [sflag:$0x4], $0x400, $0x38;
	[tilespmem:$0x14500] =	vst v63  }
0x1e0: {  	s24 =	simm.s32 $0x10D00;
	s23 =	sadd.s32 s1, s9  }
0x1e1: {  	[hbm4b:s23+s3] =	stream.linear.scatter [tilespmem:s24], [sflag:$0x4], $0x400, $0x38;
	[tilespmem:$0x14500] =	vst v63  }
0x1e2: {  	s25 =	simm.s32 $0x11100;
	s29 =	sadd.s32 $0x2, s28;
	s1 =	sadd.s32 s1, s10  }
0x1e3: {  	[hbm4b:s1+s3] =	stream.linear.scatter [tilespmem:s25], [sflag:$0x4], $0x400, $0x38;
	[tilespmem:$0x14500] =	vst v63  }
0x1e4: {  	s30 =	sshll.u32 s29, $0x9;
	s1 =	sshll.u32 s29, $0x7  }
0x1e5: {  	s4 =	sand.u32 $0xFFFC000, s30;
	s1 =	sand.u32 $0xF80, s1  }
0x1e6: {  	s1 =	sor.u32 s1, s4  }
0x1e7: {  	s31 =	simm.s32 $0x11500;
	s4 =	sadd.s32 s2, s1  }
0x1e8: {  	[hbm4b:s4+s3] =	stream.linear.scatter [tilespmem:s31], [sflag:$0x4], $0x400, $0x38;
	[tilespmem:$0x14500] =	vst v63  }
0x1e9: {  	s17 =	simm.s32 $0x11900;
	s16 =	sadd.s32 s1, s8  }
0x1ea: {  	[hbm4b:s16+s3] =	stream.linear.scatter [tilespmem:s17], [sflag:$0x4], $0x400, $0x38;
	[tilespmem:$0x14500] =	vst v63  }
0x1eb: {  	s21 =	simm.s32 $0x11D00;
	s20 =	sadd.s32 s1, s9  }
0x1ec: {  	[hbm4b:s20+s3] =	stream.linear.scatter [tilespmem:s21], [sflag:$0x4], $0x400, $0x38;
	[tilespmem:$0x14500] =	vst v63  }
0x1ed: {  	s23 =	simm.s32 $0x12100;
	s24 =	sadd.s32 $0x3, s28;
	s1 =	sadd.s32 s1, s10  }
0x1ee: {  	[hbm4b:s1+s3] =	stream.linear.scatter [tilespmem:s23], [sflag:$0x4], $0x400, $0x38;
	[tilespmem:$0x14500] =	vst v63  }
0x1ef: {  	s25 =	sshll.u32 s24, $0x9;
	s1 =	sshll.u32 s24, $0x7  }
0x1f0: {  	s4 =	sand.u32 $0xFFFC000, s25;
	s1 =	sand.u32 $0xF00, s1  }
0x1f1: {  	s1 =	sor.u32 s1, s4  }
0x1f2: {  	s29 =	simm.s32 $0x12500;
	s4 =	sadd.s32 s2, s1  }
0x1f3: {  	[hbm4b:s4+s3] =	stream.linear.scatter [tilespmem:s29], [sflag:$0x4], $0x400, $0x38;
	[tilespmem:$0x14500] =	vst v63  }
0x1f4: {  	s31 =	simm.s32 $0x12900;
	s30 =	sadd.s32 s1, s8  }
0x1f5: {  	[hbm4b:s30+s3] =	stream.linear.scatter [tilespmem:s31], [sflag:$0x4], $0x400, $0x38;
	[tilespmem:$0x14500] =	vst v63  }
0x1f6: {  	s17 =	simm.s32 $0x12D00;
	s16 =	sadd.s32 s1, s9  }
0x1f7: {  	[hbm4b:s16+s3] =	stream.linear.scatter [tilespmem:s17], [sflag:$0x4], $0x400, $0x38;
	[tilespmem:$0x14500] =	vst v63  }
0x1f8: {  	s20 =	simm.s32 $0x13100;
	s21 =	sadd.s32 $0x4, s28;
	s1 =	sadd.s32 s1, s10  }
0x1f9: {  	[hbm4b:s1+s3] =	stream.linear.scatter [tilespmem:s20], [sflag:$0x4], $0x400, $0x38;
	[tilespmem:$0x14500] =	vst v63  }
0x1fa: {  	s23 =	sshll.u32 s21, $0x9;
	s1 =	sshll.u32 s21, $0x7  }
0x1fb: {  	s4 =	sand.u32 $0xFFFC000, s23;
	s1 =	sand.u32 $0xF80, s1  }
0x1fc: {  	s1 =	sor.u32 s1, s4  }
0x1fd: {  	s26 =	sadd.s32 $0x1, s26;
	s24 =	simm.s32 $0x13500;
	s4 =	sadd.s32 s2, s1  }
0x1fe: {  	[hbm4b:s4+s3] =	stream.linear.scatter [tilespmem:s24], [sflag:$0x4], $0x400, $0x38;
	[tilespmem:$0x14500] =	vst v63  }
0x1ff: {  	p0 =	sne.s32 s26, $0x14;
	s28 =	simm.s32 $0x13900;
	s25 =	sadd.s32 s1, s8  }
0x200: {  	[hbm4b:s25+s3] =	stream.linear.scatter [tilespmem:s28], [sflag:$0x4], $0x400, $0x38;
	[tilespmem:$0x14500] =	vst v63  }
.Ltmp2:
0x201: {  	_ = 	snop;
	(pc) =	sbr.rel @p0 .LBB2_2-.Ltmp2, $4  }
0x202: {  	s30 =	simm.s32 $0x13D00;
	s29 =	sadd.s32 s1, s9  }
0x203: {  	[hbm4b:s29+s3] =	stream.linear.scatter [tilespmem:s30], [sflag:$0x4], $0x400, $0x38;
	[tilespmem:$0x14500] =	vst v63  }
0x204: {  	s31 =	simm.s32 $0x14100;
	s1 =	sadd.s32 s1, s10  }
0x205: {  	[hbm4b:s1+s3] =	stream.linear.scatter [tilespmem:s31], [sflag:$0x4], $0x400, $0x38;
	[tilespmem:$0x14500] =	vst v63  }
0x206: {  	s1 =	simm.s32 $0x3  }
0x207: {  	_ =	swait.ge [sflag:s1], $0x5000  }
0x208: {  	[sflag:s1] =	ssyncset.done $0x0  }
0x209: {  	s4 =	simm.s32 $0x4;
	[sflag:s1] =	ssyncadd.s32 $0xFFFFB000  }
0x20a: {  	_ =	swait.ge [sflag:s4], $0x5000  }
0x20b: {  	s15 =	rddreg [dreg:$0x5]  }
0x20c: {  	s31 =	rddreg [dreg:$0x4];
	s15 =	sadd.s32 $0x1, s15  }
0x20d: {  	p0 =	sne.s32 s15, s31  }
.Ltmp3:
0x20e: {  	_ = 	snop;
	(pc) =	sbr.rel @p0 .LBB2_1-.Ltmp3, $3  }
0x20f: {  	_ =	sdelay $0x1  }
0x210: {  	[sflag:s4] =	ssyncset.done $0x0  }
0x211: {  	[sflag:s4] =	ssyncadd.s32 $0xFFFFB000  }
0x212: {  	_ =	sfence.sel $0x180000  }
0x213: {  	[bflag:$0x0] =	sbarrier.arrive $0xFFFF  }
0x214: {  	_ =	strace $0x90000047  }
0x215: {  	s0 =	stileid.u32;
	[bflag:$0x2] =	sbarrier.arrive $0xFFFF  }
0x216: {  	p0 =	sne.s32 s0, $0x0;
	s0 =	rddreg [dreg:$0x2]  }
0x217: {  	s0 =	sadd.s32 @!p0 $0x100000, s0  }
0x218: {  	[sflag:s0] =	ssyncadd.tile.s32 @!p0 $0x1;
	_ =	shalt  }
.Lfunc_end2:
_tile_overlayer_lowered:
.L_overlay_start_2:
0x219: {  	(tag) =	ssettag $0x2  }
0x21a: {  	s0 =	rddreg [dreg:$0x0];
	s2 =	stileid.u32  }
0x21b: {  	s1 =	rddreg [dreg:$0x1];
	p0 =	sne.s32 s2, $0x0  }
0x21c: {  	s3 =	rddreg [dreg:$0x2];
	[bflag:$0x3] =	sbarrier.arrive $0xFFFF;
	s2 =	simm.s32 @!p0 $0x1C07  }
0x21d: {  	[timem:s3], [sflag:s2] =	dma.local @!p0 [hbm:s0], s1  }
0x21e: {  	s0 =	simm.s32 @!p0 $0x7  }
0x21f: {  	_ =	swait.ge @!p0 [sflag:s0], s1  }
0x220: {  	s1 =	ssub.s32 @!p0 $0x0, s1;
	[sflag:s0] =	ssyncset.done @!p0 $0x0  }
0x221: {  	[sflag:s0] =	ssyncadd.s32 @!p0 s1  }
0x222: {  	[bflag:$0x3] =	sbarrier.arrive $0xFFFF  }
0x223: {  	_ =	shalt  }

</sc_bundles>
